<compile_context>
chip_gen: v7x
topology: tpu7x:2x2x1
jax: 0.10.2.dev20260603
libtpu: 0.0.44.dev20260713+nightly
codegen_flags: <defaults>
</compile_context>

<pallas_src>
import functools
import math

import jax
import jax.numpy as jnp
from jax.experimental import pallas as pl



def _pre_body(x_ref, w_ref, wr_ref, br_ref, alm_ref, arm_ref,
              h_ref, alr_ref, xr_ref):
    x = x_ref[0]
    h = jnp.dot(x, w_ref[...], preferred_element_type=jnp.float32)
    h_ref[0] = h
    al = jnp.dot(h, alm_ref[...], preferred_element_type=jnp.float32)
    ar = jnp.dot(h, arm_ref[...], preferred_element_type=jnp.float32)
    alr_ref[0] = jnp.concatenate([al, ar], axis=1)
    xr_ref[0] = (jnp.dot(x, wr_ref[...], preferred_element_type=jnp.float32)
                 + br_ref[...])


def _pre_stage(x, W, Wr, br, alm, arm, nb):
    T, N, F = x.shape
    H = alm.shape[1]
    grid = (T, N // nb)
    return pl.pallas_call(
        _pre_body,
        grid=grid,
        in_specs=[
            pl.BlockSpec((1, nb, F), lambda t, i: (t, i, 0)),
            pl.BlockSpec((F, F), lambda t, i: (0, 0)),
            pl.BlockSpec((F, F), lambda t, i: (0, 0)),
            pl.BlockSpec((F,), lambda t, i: (0,)),
            pl.BlockSpec((F, H), lambda t, i: (0, 0)),
            pl.BlockSpec((F, H), lambda t, i: (0, 0)),
        ],
        out_specs=[
            pl.BlockSpec((1, nb, F), lambda t, i: (t, i, 0)),
            pl.BlockSpec((1, nb, 2 * H), lambda t, i: (t, i, 0)),
            pl.BlockSpec((1, nb, F), lambda t, i: (t, i, 0)),
        ],
        out_shape=[
            jax.ShapeDtypeStruct((T, N, F), jnp.float32),
            jax.ShapeDtypeStruct((T, N, 2 * H), jnp.float32),
            jax.ShapeDtypeStruct((T, N, F), jnp.float32),
        ],
    )(x, W, Wr, br, alm, arm)



def _temporal_body(agg_ref, xr_ref, pos_ref, qw_ref, kw_ref, vw_ref,
                   wff_ref, bff_ref, red_ref, exp_ref, out_ref, *, T, H, C):
    scale = 1.0 / math.sqrt(T)
    qw = qw_ref[...]
    kw = kw_ref[...]
    vw = vw_ref[...]
    red = red_ref[...]
    expm = exp_ref[...]

    tin, q, k, v = [], [], [], []
    for t in range(T):
        a = agg_ref[t]
        s = jnp.where(a > 0, a, jnp.exp(a) - 1.0) + xr_ref[t]
        ti = s + pos_ref[t][None, :]
        tin.append(ti)
        q.append(jnp.dot(ti, qw, preferred_element_type=jnp.float32))
        k.append(jnp.dot(ti, kw, preferred_element_type=jnp.float32))
        v.append(jnp.dot(ti, vw, preferred_element_type=jnp.float32))

    for t in range(T):
        sc = [jnp.dot(q[t] * k[s], red, preferred_element_type=jnp.float32)
              * scale for s in range(t + 1)]
        m = sc[0]
        for s in range(1, t + 1):
            m = jnp.maximum(m, sc[s])
        ex = [jnp.exp(sc[s] - m) for s in range(t + 1)]
        den = ex[0]
        for s in range(1, t + 1):
            den = den + ex[s]
        inv = 1.0 / den
        o = None
        for s in range(t + 1):
            coef = jnp.dot(ex[s] * inv, expm,
                           preferred_element_type=jnp.float32)
            term = coef * v[s]
            o = term if o is None else o + term
        ff = jnp.dot(o, wff_ref[...], preferred_element_type=jnp.float32)
        ff = jnp.maximum(ff + bff_ref[...], 0.0) + o
        out_ref[:, t, :] = ff + tin[t]


def _temporal_stage(agg, xr, pos_emb, Qw, Kw, Vw, Wff, bff, red, expm, nb):
    T, N, F = agg.shape
    H = red.shape[1]
    C = F // H
    body = functools.partial(_temporal_body, T=T, H=H, C=C)
    return pl.pallas_call(
        body,
        grid=(N // nb,),
        in_specs=[
            pl.BlockSpec((T, nb, F), lambda i: (0, i, 0)),
            pl.BlockSpec((T, nb, F), lambda i: (0, i, 0)),
            pl.BlockSpec((T, F), lambda i: (0, 0)),
            pl.BlockSpec((F, F), lambda i: (0, 0)),
            pl.BlockSpec((F, F), lambda i: (0, 0)),
            pl.BlockSpec((F, F), lambda i: (0, 0)),
            pl.BlockSpec((F, F), lambda i: (0, 0)),
            pl.BlockSpec((F,), lambda i: (0,)),
            pl.BlockSpec((F, H), lambda i: (0, 0)),
            pl.BlockSpec((H, F), lambda i: (0, 0)),
        ],
        out_specs=pl.BlockSpec((nb, T, F), lambda i: (i, 0, 0)),
        out_shape=jax.ShapeDtypeStruct((N, T, F), jnp.float32),
    )(agg, xr, pos_emb, Qw, Kw, Vw, Wff, bff, red, expm)



def _edge_stage(h, alr, edge_index, edge_weight):
    T, N, F = h.shape
    H = alr.shape[2] // 2

    def one_t(h_t, alr_t, ei_t, ew_t):
        src = ei_t[0]
        dst = ei_t[1]
        alpha = alr_t[src, :H] + alr_t[dst, H:]
        alpha = ew_t[:, None] * alpha
        alpha = jnp.where(alpha > 0, alpha, 0.2 * alpha)
        ex = jnp.exp(alpha)
        den = jax.ops.segment_sum(ex, dst, num_segments=N)
        coef = ex / (den[dst] + 1e-16)
        msg = (h_t[src].reshape(-1, H, F // H) * coef[:, :, None]).reshape(-1, F)
        return jax.ops.segment_sum(msg, dst, num_segments=N)

    return jax.vmap(one_t)(h, alr, edge_index, edge_weight)



def kernel(x, edge_index, edge_weight, W, att_l, att_r, Wr, br, pos_emb,
           Qw, Kw, Vw, Wff, bff):
    T, N, F_IN = x.shape
    F = W.shape[1]
    H, C = att_l.shape

    hid = jnp.arange(F, dtype=jnp.int32) // C
    onehot = (hid[:, None] == jnp.arange(H, dtype=jnp.int32)[None, :])
    alm = jnp.where(onehot, att_l.reshape(F)[:, None], 0.0)
    arm = jnp.where(onehot, att_r.reshape(F)[:, None], 0.0)
    red = onehot.astype(jnp.float32)
    expm = red.T

    nb = 1000 if N % 1000 == 0 else N
    h, alr, xr = _pre_stage(x, W, Wr, br, alm, arm, nb=nb)
    agg = _edge_stage(h, alr, edge_index, edge_weight)
    return _temporal_stage(agg, xr, pos_emb, Qw, Kw, Vw, Wff, bff,
                           red, expm, nb=nb)

# --- scband reference (transcript-rebuilt; emitter-appended) ---
"""Pipeline reference for scband-dy-sat-8495445312089 (READ-ONLY COPY).

The authoritative reference and input builder live on the scoring server;
editing this copy changes nothing except your own understanding.
"""

import jax, jax.numpy as jnp
import numpy as np

T = 4
N = 10000
E = 320000
F_IN = 128
F_OUT = 128
H = 8
C = F_OUT // H

def setup_inputs():
    ks = jax.random.split(jax.random.key(0), 16)
    inp = {}
    inp["x"] = jax.random.normal(ks[0], (T, N, F_IN), dtype=jnp.float32)
    inp["edge_index"] = jax.random.randint(ks[1], (T, 2, E), 0, N, dtype=jnp.int32)
    inp["edge_weight"] = jnp.ones((T, E), dtype=jnp.float32)
    s = 0.05
    inp["W"] = jax.random.normal(ks[2], (F_IN, F_OUT), dtype=jnp.float32) * s
    inp["att_l"] = jax.random.normal(ks[3], (H, C), dtype=jnp.float32) * s
    inp["att_r"] = jax.random.normal(ks[4], (H, C), dtype=jnp.float32) * s
    inp["Wr"] = jax.random.normal(ks[5], (F_IN, F_OUT), dtype=jnp.float32) * s
    inp["br"] = jnp.zeros((F_OUT,), dtype=jnp.float32)
    inp["pos_emb"] = jax.random.normal(ks[6], (T, F_OUT), dtype=jnp.float32) * s
    inp["Qw"] = jax.random.normal(ks[7], (F_OUT, F_OUT), dtype=jnp.float32) * s
    inp["Kw"] = jax.random.normal(ks[8], (F_OUT, F_OUT), dtype=jnp.float32) * s
    inp["Vw"] = jax.random.normal(ks[9], (F_OUT, F_OUT), dtype=jnp.float32) * s
    inp["Wff"] = jax.random.normal(ks[10], (F_OUT, F_OUT), dtype=jnp.float32) * s
    inp["bff"] = jnp.zeros((F_OUT,), dtype=jnp.float32)
    return inp

def _segment_softmax(scores, seg, num_segments):
    m = jax.ops.segment_max(scores, seg, num_segments=num_segments)
    m = jnp.where(jnp.isfinite(m), m, 0.0)
    ex = jnp.exp(scores - m[seg])
    den = jax.ops.segment_sum(ex, seg, num_segments=num_segments)
    return ex / (den[seg] + 1e-16)

def _structural_layer(x, edge_index, edge_weight, W, att_l, att_r, Wr, br):
    # GAT-style structural attention per snapshot (DySAT StructuralAttentionLayer)
    h = (x @ W).reshape(N, H, C)
    al = (h * att_l[None, :, :]).sum(-1)
    ar = (h * att_r[None, :, :]).sum(-1)
    src = edge_index[0]
    dst = edge_index[1]
    alpha = al[src] + ar[dst]
    alpha = edge_weight[:, None] * alpha
    alpha = jax.nn.leaky_relu(alpha, 0.2)
    coef = _segment_softmax(alpha, dst, N)
    msg = h[src] * coef[:, :, None]
    out = jax.ops.segment_sum(msg, dst, num_segments=N)
    out = jax.nn.elu(out).reshape(N, H * C)
    return out + x @ Wr + br

def _temporal_layer(x, pos_emb, Qw, Kw, Vw, Wff, bff):
    # DySAT TemporalAttentionLayer: position emb + causal multi-head self-attn over T
    t_in = x + pos_emb[None, :, :]
    q = jnp.einsum('ntf,fd->ntd', t_in, Qw)
    k = jnp.einsum('ntf,fd->ntd', t_in, Kw)
    v = jnp.einsum('ntf,fd->ntd', t_in, Vw)
    def split(z):
        return jnp.concatenate(jnp.split(z, H, axis=2), axis=0)
    q_, k_, v_ = split(q), split(k), split(v)
    scores = jnp.einsum('btd,bsd->bts', q_, k_) / (T ** 0.5)
    mask = jnp.tril(jnp.ones((T, T), dtype=jnp.float32))
    scores = jnp.where(mask[None, :, :] == 0, jnp.float32(-(2**32) + 1), scores)
    attn = jax.nn.softmax(scores, axis=-1)
    out = jnp.einsum('bts,bsd->btd', attn, v_)
    out = jnp.concatenate(jnp.split(out, H, axis=0), axis=2)
    ff = jax.nn.relu(jnp.einsum('ntf,fd->ntd', out, Wff) + bff) + out
    return ff + t_in

def reference(x, edge_index, edge_weight, W, att_l, att_r, Wr, br, pos_emb, Qw, Kw, Vw, Wff, bff):
    outs = []
    for t in range(T):
        outs.append(_structural_layer(x[t], edge_index[t], edge_weight[t], W, att_l, att_r, Wr, br))
    s = jnp.stack(outs, axis=1)  # [N, T, F_OUT] (all snapshots same N -> padding is no-op)
    return _temporal_layer(s, pos_emb, Qw, Kw, Vw, Wff, bff)

if __name__ == "__main__":
    import jax
    _d = setup_inputs()
    print(jax.jit(kernel)(*tuple(_d.values())))

</pallas_src>

<mosaic_0001>
module attributes {stable_mosaic.version = 14 : i64} {
  func.func @_pre_body(%arg0: i32, %arg1: i32, %arg2: memref<1x1000x128xf32, #tpu.memory_space<vmem>>, %arg3: memref<128x128xf32, #tpu.memory_space<vmem>>, %arg4: memref<128x128xf32, #tpu.memory_space<vmem>>, %arg5: memref<128xf32, #tpu.memory_space<vmem>>, %arg6: memref<128x8xf32, #tpu.memory_space<vmem>>, %arg7: memref<128x8xf32, #tpu.memory_space<vmem>>, %arg8: memref<1x1000x128xf32, #tpu.memory_space<vmem>>, %arg9: memref<1x1000x16xf32, #tpu.memory_space<vmem>>, %arg10: memref<1x1000x128xf32, #tpu.memory_space<vmem>>) attributes {dimension_semantics = [#tpu.dimension_semantics<arbitrary>, #tpu.dimension_semantics<arbitrary>], iteration_bounds = array<i64: 4, 10>, scalar_prefetch = 0 : i64, scratch_operands = 0 : i64, tpu.core_type = #tpu.core_type<tc>, window_params = [{transform_indices = @transform_0, window_bounds = array<i64: 1, 1000, 128>}, {pipeline_mode = #tpu.pipeline_mode<synchronous>, transform_indices = @transform_1, window_bounds = array<i64: 128, 128>}, {pipeline_mode = #tpu.pipeline_mode<synchronous>, transform_indices = @transform_2, window_bounds = array<i64: 128, 128>}, {pipeline_mode = #tpu.pipeline_mode<synchronous>, transform_indices = @transform_3, window_bounds = array<i64: 128>}, {pipeline_mode = #tpu.pipeline_mode<synchronous>, transform_indices = @transform_4, window_bounds = array<i64: 128, 8>}, {pipeline_mode = #tpu.pipeline_mode<synchronous>, transform_indices = @transform_5, window_bounds = array<i64: 128, 8>}, {transform_indices = @transform_6, window_bounds = array<i64: 1, 1000, 128>}, {transform_indices = @transform_7, window_bounds = array<i64: 1, 1000, 16>}, {transform_indices = @transform_8, window_bounds = array<i64: 1, 1000, 128>}]} {
    %get3A = arith.constant 0 : index
    %get3A_0 = arith.constant 0 : index
    %get3A_1 = arith.constant 0 : index
    %get3A_2 = vector.load %arg2[%get3A, %get3A_0, %get3A_1] : memref<1x1000x128xf32, #tpu.memory_space<vmem>>, vector<1x1000x128xf32>
    %get3A_3 = vector.shape_cast %get3A_2 : vector<1x1000x128xf32> to vector<1000x128xf32>
    %get3A_4 = arith.constant 0 : index
    %get3A_5 = arith.constant 0 : index
    %get3A_6 = vector.load %arg3[%get3A_4, %get3A_5] : memref<128x128xf32, #tpu.memory_space<vmem>>, vector<128x128xf32>
    %dot_general3A = arith.constant dense<0.000000e+00> : vector<1000x128xf32>
    %dot_general3A_7 = tpu.matmul %get3A_3, %get3A_6, %dot_general3A {dimension_numbers = #tpu.dot_dimension_numbers<[1], [0], [0], [1], [0, 0, 1, 1], [], []>, transpose_lhs_hint = false} : vector<1000x128xf32>, vector<128x128xf32>, vector<1000x128xf32> -> vector<1000x128xf32>
    %swap3A = arith.constant 0 : index
    %swap3A_8 = arith.constant 0 : index
    %swap3A_9 = arith.constant 0 : index
    %swap3A_10 = vector.load %arg8[%swap3A, %swap3A_8, %swap3A_9] : memref<1x1000x128xf32, #tpu.memory_space<vmem>>, vector<1x1000x128xf32>
    %swap3A_11 = vector.shape_cast %swap3A_10 : vector<1x1000x128xf32> to vector<1000x128xf32>
    %swap3A_12 = vector.shape_cast %dot_general3A_7 : vector<1000x128xf32> to vector<1x1000x128xf32>
    tpu.vector_store %arg8[%swap3A, %swap3A_8, %swap3A_9], %swap3A_12 {strides = array<i32>} : memref<1x1000x128xf32, #tpu.memory_space<vmem>>, vector<1x1000x128xf32>,
    %get3A_13 = arith.constant 0 : index
    %get3A_14 = arith.constant 0 : index
    %get3A_15 = vector.load %arg6[%get3A_13, %get3A_14] : memref<128x8xf32, #tpu.memory_space<vmem>>, vector<128x8xf32>
    %dot_general3A_16 = arith.constant dense<0.000000e+00> : vector<1000x8xf32>
    %dot_general3A_17 = tpu.matmul %dot_general3A_7, %get3A_15, %dot_general3A_16 {dimension_numbers = #tpu.dot_dimension_numbers<[1], [0], [0], [1], [0, 0, 1, 1], [], []>, transpose_lhs_hint = false} : vector<1000x128xf32>, vector<128x8xf32>, vector<1000x8xf32> -> vector<1000x8xf32>
    %get3A_18 = arith.constant 0 : index
    %get3A_19 = arith.constant 0 : index
    %get3A_20 = vector.load %arg7[%get3A_18, %get3A_19] : memref<128x8xf32, #tpu.memory_space<vmem>>, vector<128x8xf32>
    %dot_general3A_21 = arith.constant dense<0.000000e+00> : vector<1000x8xf32>
    %dot_general3A_22 = tpu.matmul %dot_general3A_7, %get3A_20, %dot_general3A_21 {dimension_numbers = #tpu.dot_dimension_numbers<[1], [0], [0], [1], [0, 0, 1, 1], [], []>, transpose_lhs_hint = false} : vector<1000x128xf32>, vector<128x8xf32>, vector<1000x8xf32> -> vector<1000x8xf32>
    %concatenate3A = tpu.concatenate %dot_general3A_17, %dot_general3A_22 in 1 : vector<1000x8xf32>, vector<1000x8xf32> -> vector<1000x16xf32>
    %swap3A_23 = arith.constant 0 : index
    %swap3A_24 = arith.constant 0 : index
    %swap3A_25 = arith.constant 0 : index
    %swap3A_26 = vector.load %arg9[%swap3A_23, %swap3A_24, %swap3A_25] : memref<1x1000x16xf32, #tpu.memory_space<vmem>>, vector<1x1000x16xf32>
    %swap3A_27 = vector.shape_cast %swap3A_26 : vector<1x1000x16xf32> to vector<1000x16xf32>
    %swap3A_28 = vector.shape_cast %concatenate3A : vector<1000x16xf32> to vector<1x1000x16xf32>
    tpu.vector_store %arg9[%swap3A_23, %swap3A_24, %swap3A_25], %swap3A_28 {strides = array<i32>} : memref<1x1000x16xf32, #tpu.memory_space<vmem>>, vector<1x1000x16xf32>,
    %get3A_29 = arith.constant 0 : index
    %get3A_30 = arith.constant 0 : index
    %get3A_31 = vector.load %arg4[%get3A_29, %get3A_30] : memref<128x128xf32, #tpu.memory_space<vmem>>, vector<128x128xf32>
    %dot_general3A_32 = arith.constant dense<0.000000e+00> : vector<1000x128xf32>
    %dot_general3A_33 = tpu.matmul %get3A_3, %get3A_31, %dot_general3A_32 {dimension_numbers = #tpu.dot_dimension_numbers<[1], [0], [0], [1], [0, 0, 1, 1], [], []>, transpose_lhs_hint = false} : vector<1000x128xf32>, vector<128x128xf32>, vector<1000x128xf32> -> vector<1000x128xf32>
    %get3A_34 = arith.constant 0 : index
    %get3A_35 = vector.load %arg5[%get3A_34] : memref<128xf32, #tpu.memory_space<vmem>>, vector<128xf32>
    %broadcast_in_dim3A = vector.shape_cast %get3A_35 : vector<128xf32> to vector<1x128xf32>
    %add3A = vector.broadcast %broadcast_in_dim3A : vector<1x128xf32> to vector<1000x128xf32>
    %add3A_36 = arith.addf %dot_general3A_33, %add3A : vector<1000x128xf32>
    %swap3A_37 = arith.constant 0 : index
    %swap3A_38 = arith.constant 0 : index
    %swap3A_39 = arith.constant 0 : index
    %swap3A_40 = vector.load %arg10[%swap3A_37, %swap3A_38, %swap3A_39] : memref<1x1000x128xf32, #tpu.memory_space<vmem>>, vector<1x1000x128xf32>
    %swap3A_41 = vector.shape_cast %swap3A_40 : vector<1x1000x128xf32> to vector<1000x128xf32>
    %swap3A_42 = vector.shape_cast %add3A_36 : vector<1000x128xf32> to vector<1x1000x128xf32>
    tpu.vector_store %arg10[%swap3A_37, %swap3A_38, %swap3A_39], %swap3A_42 {strides = array<i32>} : memref<1x1000x128xf32, #tpu.memory_space<vmem>>, vector<1x1000x128xf32>,
    return
  }
  func.func @transform_0(%arg0: i32, %arg1: i32) -> (i32, i32, i32) {
    %c0_i32 = arith.constant 0 : i32
    %c0_i32_0 = arith.constant 0 : i32
    return %arg0, %arg1, %c0_i32 : i32, i32, i32
  }
  func.func @transform_1(%arg0: i32, %arg1: i32) -> (i32, i32) {
    %c0_i32 = arith.constant 0 : i32
    %c0_i32_0 = arith.constant 0 : i32
    %c0_i32_1 = arith.constant 0 : i32
    return %c0_i32, %c0_i32_0 : i32, i32
  }
  func.func @transform_2(%arg0: i32, %arg1: i32) -> (i32, i32) {
    %c0_i32 = arith.constant 0 : i32
    %c0_i32_0 = arith.constant 0 : i32
    %c0_i32_1 = arith.constant 0 : i32
    return %c0_i32, %c0_i32_0 : i32, i32
  }
  func.func @transform_3(%arg0: i32, %arg1: i32) -> i32 {
    %c0_i32 = arith.constant 0 : i32
    %c0_i32_0 = arith.constant 0 : i32
    return %c0_i32 : i32
  }
  func.func @transform_4(%arg0: i32, %arg1: i32) -> (i32, i32) {
    %c0_i32 = arith.constant 0 : i32
    %c0_i32_0 = arith.constant 0 : i32
    %c0_i32_1 = arith.constant 0 : i32
    return %c0_i32, %c0_i32_0 : i32, i32
  }
  func.func @transform_5(%arg0: i32, %arg1: i32) -> (i32, i32) {
    %c0_i32 = arith.constant 0 : i32
    %c0_i32_0 = arith.constant 0 : i32
    %c0_i32_1 = arith.constant 0 : i32
    return %c0_i32, %c0_i32_0 : i32, i32
  }
  func.func @transform_6(%arg0: i32, %arg1: i32) -> (i32, i32, i32) {
    %c0_i32 = arith.constant 0 : i32
    %c0_i32_0 = arith.constant 0 : i32
    return %arg0, %arg1, %c0_i32 : i32, i32, i32
  }
  func.func @transform_7(%arg0: i32, %arg1: i32) -> (i32, i32, i32) {
    %c0_i32 = arith.constant 0 : i32
    %c0_i32_0 = arith.constant 0 : i32
    return %arg0, %arg1, %c0_i32 : i32, i32, i32
  }
  func.func @transform_8(%arg0: i32, %arg1: i32) -> (i32, i32, i32) {
    %c0_i32 = arith.constant 0 : i32
    %c0_i32_0 = arith.constant 0 : i32
    return %arg0, %arg1, %c0_i32 : i32, i32, i32
  }
}

module attributes {stable_mosaic.version = 14 : i64} {
  func.func @_temporal_body(%arg0: i32, %arg1: memref<4x1000x128xf32, #tpu.memory_space<vmem>>, %arg2: memref<4x1000x128xf32, #tpu.memory_space<vmem>>, %arg3: memref<4x128xf32, #tpu.memory_space<vmem>>, %arg4: memref<128x128xf32, #tpu.memory_space<vmem>>, %arg5: memref<128x128xf32, #tpu.memory_space<vmem>>, %arg6: memref<128x128xf32, #tpu.memory_space<vmem>>, %arg7: memref<128x128xf32, #tpu.memory_space<vmem>>, %arg8: memref<128xf32, #tpu.memory_space<vmem>>, %arg9: memref<128x8xf32, #tpu.memory_space<vmem>>, %arg10: memref<8x128xf32, #tpu.memory_space<vmem>>, %arg11: memref<1000x4x128xf32, #tpu.memory_space<vmem>>) attributes {dimension_semantics = [#tpu.dimension_semantics<arbitrary>], iteration_bounds = array<i64: 10>, scalar_prefetch = 0 : i64, scratch_operands = 0 : i64, tpu.core_type = #tpu.core_type<tc>, window_params = [{transform_indices = @transform_0, window_bounds = array<i64: 4, 1000, 128>}, {transform_indices = @transform_1, window_bounds = array<i64: 4, 1000, 128>}, {pipeline_mode = #tpu.pipeline_mode<synchronous>, transform_indices = @transform_2, window_bounds = array<i64: 4, 128>}, {pipeline_mode = #tpu.pipeline_mode<synchronous>, transform_indices = @transform_3, window_bounds = array<i64: 128, 128>}, {pipeline_mode = #tpu.pipeline_mode<synchronous>, transform_indices = @transform_4, window_bounds = array<i64: 128, 128>}, {pipeline_mode = #tpu.pipeline_mode<synchronous>, transform_indices = @transform_5, window_bounds = array<i64: 128, 128>}, {pipeline_mode = #tpu.pipeline_mode<synchronous>, transform_indices = @transform_6, window_bounds = array<i64: 128, 128>}, {pipeline_mode = #tpu.pipeline_mode<synchronous>, transform_indices = @transform_7, window_bounds = array<i64: 128>}, {pipeline_mode = #tpu.pipeline_mode<synchronous>, transform_indices = @transform_8, window_bounds = array<i64: 128, 8>}, {pipeline_mode = #tpu.pipeline_mode<synchronous>, transform_indices = @transform_9, window_bounds = array<i64: 8, 128>}, {transform_indices = @transform_10, window_bounds = array<i64: 1000, 4, 128>}]} {
    %get3A = arith.constant 0 : index
    %get3A_0 = arith.constant 0 : index
    %get3A_1 = vector.load %arg4[%get3A, %get3A_0] : memref<128x128xf32, #tpu.memory_space<vmem>>, vector<128x128xf32>
    %get3A_2 = arith.constant 0 : index
    %get3A_3 = arith.constant 0 : index
    %get3A_4 = vector.load %arg5[%get3A_2, %get3A_3] : memref<128x128xf32, #tpu.memory_space<vmem>>, vector<128x128xf32>
    %get3A_5 = arith.constant 0 : index
    %get3A_6 = arith.constant 0 : index
    %get3A_7 = vector.load %arg6[%get3A_5, %get3A_6] : memref<128x128xf32, #tpu.memory_space<vmem>>, vector<128x128xf32>
    %get3A_8 = arith.constant 0 : index
    %get3A_9 = arith.constant 0 : index
    %get3A_10 = vector.load %arg9[%get3A_8, %get3A_9] : memref<128x8xf32, #tpu.memory_space<vmem>>, vector<128x8xf32>
    %get3A_11 = arith.constant 0 : index
    %get3A_12 = arith.constant 0 : index
    %get3A_13 = vector.load %arg10[%get3A_11, %get3A_12] : memref<8x128xf32, #tpu.memory_space<vmem>>, vector<8x128xf32>
    %get3A_14 = arith.constant 0 : index
    %get3A_15 = arith.constant 0 : index
    %get3A_16 = arith.constant 0 : index
    %get3A_17 = vector.load %arg1[%get3A_14, %get3A_15, %get3A_16] : memref<4x1000x128xf32, #tpu.memory_space<vmem>>, vector<1x1000x128xf32>
    %get3A_18 = vector.shape_cast %get3A_17 : vector<1x1000x128xf32> to vector<1000x128xf32>
    %gt3A = arith.constant 0.000000e+00 : f32
    %gt3A_19 = vector.broadcast %gt3A : f32 to vector<1000x128xf32>
    %gt3A_20 = arith.cmpf ogt, %get3A_18, %gt3A_19 : vector<1000x128xf32>
    %exp3A = math.exp %get3A_18 : vector<1000x128xf32>
    %sub3A = arith.constant 1.000000e+00 : f32
    %sub3A_21 = vector.broadcast %sub3A : f32 to vector<1000x128xf32>
    %sub3A_22 = arith.subf %exp3A, %sub3A_21 : vector<1000x128xf32>
    %select_n3A = arith.select %gt3A_20, %get3A_18, %sub3A_22 : vector<1000x128xi1>, vector<1000x128xf32>
    %get3A_23 = arith.constant 0 : index
    %get3A_24 = arith.constant 0 : index
    %get3A_25 = arith.constant 0 : index
    %get3A_26 = vector.load %arg2[%get3A_23, %get3A_24, %get3A_25] : memref<4x1000x128xf32, #tpu.memory_space<vmem>>, vector<1x1000x128xf32>
    %get3A_27 = vector.shape_cast %get3A_26 : vector<1x1000x128xf32> to vector<1000x128xf32>
    %add3A = arith.addf %select_n3A, %get3A_27 : vector<1000x128xf32>
    %get3A_28 = arith.constant 0 : index
    %get3A_29 = arith.constant 0 : index
    %get3A_30 = vector.load %arg3[%get3A_28, %get3A_29] : memref<4x128xf32, #tpu.memory_space<vmem>>, vector<1x128xf32>
    %get3A_31 = vector.shape_cast %get3A_30 : vector<1x128xf32> to vector<128xf32>
    %broadcast_in_dim3A = vector.shape_cast %get3A_31 : vector<128xf32> to vector<1x128xf32>
    %add3A_32 = vector.broadcast %broadcast_in_dim3A : vector<1x128xf32> to vector<1000x128xf32>
    %add3A_33 = arith.addf %add3A, %add3A_32 : vector<1000x128xf32>
    %dot_general3A = arith.constant dense<0.000000e+00> : vector<1000x128xf32>
    %dot_general3A_34 = tpu.matmul %add3A_33, %get3A_1, %dot_general3A {dimension_numbers = #tpu.dot_dimension_numbers<[1], [0], [0], [1], [0, 0, 1, 1], [], []>, transpose_lhs_hint = false} : vector<1000x128xf32>, vector<128x128xf32>, vector<1000x128xf32> -> vector<1000x128xf32>
    %dot_general3A_35 = arith.constant dense<0.000000e+00> : vector<1000x128xf32>
    %dot_general3A_36 = tpu.matmul %add3A_33, %get3A_4, %dot_general3A_35 {dimension_numbers = #tpu.dot_dimension_numbers<[1], [0], [0], [1], [0, 0, 1, 1], [], []>, transpose_lhs_hint = false} : vector<1000x128xf32>, vector<128x128xf32>, vector<1000x128xf32> -> vector<1000x128xf32>
    %dot_general3A_37 = arith.constant dense<0.000000e+00> : vector<1000x128xf32>
    %dot_general3A_38 = tpu.matmul %add3A_33, %get3A_7, %dot_general3A_37 {dimension_numbers = #tpu.dot_dimension_numbers<[1], [0], [0], [1], [0, 0, 1, 1], [], []>, transpose_lhs_hint = false} : vector<1000x128xf32>, vector<128x128xf32>, vector<1000x128xf32> -> vector<1000x128xf32>
    %get3A_39 = arith.constant 1 : index
    %get3A_40 = arith.constant 0 : index
    %get3A_41 = arith.constant 0 : index
    %get3A_42 = vector.load %arg1[%get3A_39, %get3A_40, %get3A_41] : memref<4x1000x128xf32, #tpu.memory_space<vmem>>, vector<1x1000x128xf32>
    %get3A_43 = vector.shape_cast %get3A_42 : vector<1x1000x128xf32> to vector<1000x128xf32>
    %gt3A_44 = arith.constant 0.000000e+00 : f32
    %gt3A_45 = vector.broadcast %gt3A_44 : f32 to vector<1000x128xf32>
    %gt3A_46 = arith.cmpf ogt, %get3A_43, %gt3A_45 : vector<1000x128xf32>
    %exp3A_47 = math.exp %get3A_43 : vector<1000x128xf32>
    %sub3A_48 = arith.constant 1.000000e+00 : f32
    %sub3A_49 = vector.broadcast %sub3A_48 : f32 to vector<1000x128xf32>
    %sub3A_50 = arith.subf %exp3A_47, %sub3A_49 : vector<1000x128xf32>
    %select_n3A_51 = arith.select %gt3A_46, %get3A_43, %sub3A_50 : vector<1000x128xi1>, vector<1000x128xf32>
    %get3A_52 = arith.constant 1 : index
    %get3A_53 = arith.constant 0 : index
    %get3A_54 = arith.constant 0 : index
    %get3A_55 = vector.load %arg2[%get3A_52, %get3A_53, %get3A_54] : memref<4x1000x128xf32, #tpu.memory_space<vmem>>, vector<1x1000x128xf32>
    %get3A_56 = vector.shape_cast %get3A_55 : vector<1x1000x128xf32> to vector<1000x128xf32>
    %add3A_57 = arith.addf %select_n3A_51, %get3A_56 : vector<1000x128xf32>
    %get3A_58 = arith.constant 1 : index
    %get3A_59 = arith.constant 0 : index
    %get3A_60 = vector.load %arg3[%get3A_58, %get3A_59] : memref<4x128xf32, #tpu.memory_space<vmem>>, vector<1x128xf32>
    %get3A_61 = vector.shape_cast %get3A_60 : vector<1x128xf32> to vector<128xf32>
    %broadcast_in_dim3A_62 = vector.shape_cast %get3A_61 : vector<128xf32> to vector<1x128xf32>
    %add3A_63 = vector.broadcast %broadcast_in_dim3A_62 : vector<1x128xf32> to vector<1000x128xf32>
    %add3A_64 = arith.addf %add3A_57, %add3A_63 : vector<1000x128xf32>
    %dot_general3A_65 = arith.constant dense<0.000000e+00> : vector<1000x128xf32>
    %dot_general3A_66 = tpu.matmul %add3A_64, %get3A_1, %dot_general3A_65 {dimension_numbers = #tpu.dot_dimension_numbers<[1], [0], [0], [1], [0, 0, 1, 1], [], []>, transpose_lhs_hint = false} : vector<1000x128xf32>, vector<128x128xf32>, vector<1000x128xf32> -> vector<1000x128xf32>
    %dot_general3A_67 = arith.constant dense<0.000000e+00> : vector<1000x128xf32>
    %dot_general3A_68 = tpu.matmul %add3A_64, %get3A_4, %dot_general3A_67 {dimension_numbers = #tpu.dot_dimension_numbers<[1], [0], [0], [1], [0, 0, 1, 1], [], []>, transpose_lhs_hint = false} : vector<1000x128xf32>, vector<128x128xf32>, vector<1000x128xf32> -> vector<1000x128xf32>
    %dot_general3A_69 = arith.constant dense<0.000000e+00> : vector<1000x128xf32>
    %dot_general3A_70 = tpu.matmul %add3A_64, %get3A_7, %dot_general3A_69 {dimension_numbers = #tpu.dot_dimension_numbers<[1], [0], [0], [1], [0, 0, 1, 1], [], []>, transpose_lhs_hint = false} : vector<1000x128xf32>, vector<128x128xf32>, vector<1000x128xf32> -> vector<1000x128xf32>
    %get3A_71 = arith.constant 2 : index
    %get3A_72 = arith.constant 0 : index
    %get3A_73 = arith.constant 0 : index
    %get3A_74 = vector.load %arg1[%get3A_71, %get3A_72, %get3A_73] : memref<4x1000x128xf32, #tpu.memory_space<vmem>>, vector<1x1000x128xf32>
    %get3A_75 = vector.shape_cast %get3A_74 : vector<1x1000x128xf32> to vector<1000x128xf32>
    %gt3A_76 = arith.constant 0.000000e+00 : f32
    %gt3A_77 = vector.broadcast %gt3A_76 : f32 to vector<1000x128xf32>
    %gt3A_78 = arith.cmpf ogt, %get3A_75, %gt3A_77 : vector<1000x128xf32>
    %exp3A_79 = math.exp %get3A_75 : vector<1000x128xf32>
    %sub3A_80 = arith.constant 1.000000e+00 : f32
    %sub3A_81 = vector.broadcast %sub3A_80 : f32 to vector<1000x128xf32>
    %sub3A_82 = arith.subf %exp3A_79, %sub3A_81 : vector<1000x128xf32>
    %select_n3A_83 = arith.select %gt3A_78, %get3A_75, %sub3A_82 : vector<1000x128xi1>, vector<1000x128xf32>
    %get3A_84 = arith.constant 2 : index
    %get3A_85 = arith.constant 0 : index
    %get3A_86 = arith.constant 0 : index
    %get3A_87 = vector.load %arg2[%get3A_84, %get3A_85, %get3A_86] : memref<4x1000x128xf32, #tpu.memory_space<vmem>>, vector<1x1000x128xf32>
    %get3A_88 = vector.shape_cast %get3A_87 : vector<1x1000x128xf32> to vector<1000x128xf32>
    %add3A_89 = arith.addf %select_n3A_83, %get3A_88 : vector<1000x128xf32>
    %get3A_90 = arith.constant 2 : index
    %get3A_91 = arith.constant 0 : index
    %get3A_92 = vector.load %arg3[%get3A_90, %get3A_91] : memref<4x128xf32, #tpu.memory_space<vmem>>, vector<1x128xf32>
    %get3A_93 = vector.shape_cast %get3A_92 : vector<1x128xf32> to vector<128xf32>
    %broadcast_in_dim3A_94 = vector.shape_cast %get3A_93 : vector<128xf32> to vector<1x128xf32>
    %add3A_95 = vector.broadcast %broadcast_in_dim3A_94 : vector<1x128xf32> to vector<1000x128xf32>
    %add3A_96 = arith.addf %add3A_89, %add3A_95 : vector<1000x128xf32>
    %dot_general3A_97 = arith.constant dense<0.000000e+00> : vector<1000x128xf32>
    %dot_general3A_98 = tpu.matmul %add3A_96, %get3A_1, %dot_general3A_97 {dimension_numbers = #tpu.dot_dimension_numbers<[1], [0], [0], [1], [0, 0, 1, 1], [], []>, transpose_lhs_hint = false} : vector<1000x128xf32>, vector<128x128xf32>, vector<1000x128xf32> -> vector<1000x128xf32>
    %dot_general3A_99 = arith.constant dense<0.000000e+00> : vector<1000x128xf32>
    %dot_general3A_100 = tpu.matmul %add3A_96, %get3A_4, %dot_general3A_99 {dimension_numbers = #tpu.dot_dimension_numbers<[1], [0], [0], [1], [0, 0, 1, 1], [], []>, transpose_lhs_hint = false} : vector<1000x128xf32>, vector<128x128xf32>, vector<1000x128xf32> -> vector<1000x128xf32>
    %dot_general3A_101 = arith.constant dense<0.000000e+00> : vector<1000x128xf32>
    %dot_general3A_102 = tpu.matmul %add3A_96, %get3A_7, %dot_general3A_101 {dimension_numbers = #tpu.dot_dimension_numbers<[1], [0], [0], [1], [0, 0, 1, 1], [], []>, transpose_lhs_hint = false} : vector<1000x128xf32>, vector<128x128xf32>, vector<1000x128xf32> -> vector<1000x128xf32>
    %get3A_103 = arith.constant 3 : index
    %get3A_104 = arith.constant 0 : index
    %get3A_105 = arith.constant 0 : index
    %get3A_106 = vector.load %arg1[%get3A_103, %get3A_104, %get3A_105] : memref<4x1000x128xf32, #tpu.memory_space<vmem>>, vector<1x1000x128xf32>
    %get3A_107 = vector.shape_cast %get3A_106 : vector<1x1000x128xf32> to vector<1000x128xf32>
    %gt3A_108 = arith.constant 0.000000e+00 : f32
    %gt3A_109 = vector.broadcast %gt3A_108 : f32 to vector<1000x128xf32>
    %gt3A_110 = arith.cmpf ogt, %get3A_107, %gt3A_109 : vector<1000x128xf32>
    %exp3A_111 = math.exp %get3A_107 : vector<1000x128xf32>
    %sub3A_112 = arith.constant 1.000000e+00 : f32
    %sub3A_113 = vector.broadcast %sub3A_112 : f32 to vector<1000x128xf32>
    %sub3A_114 = arith.subf %exp3A_111, %sub3A_113 : vector<1000x128xf32>
    %select_n3A_115 = arith.select %gt3A_110, %get3A_107, %sub3A_114 : vector<1000x128xi1>, vector<1000x128xf32>
    %get3A_116 = arith.constant 3 : index
    %get3A_117 = arith.constant 0 : index
    %get3A_118 = arith.constant 0 : index
    %get3A_119 = vector.load %arg2[%get3A_116, %get3A_117, %get3A_118] : memref<4x1000x128xf32, #tpu.memory_space<vmem>>, vector<1x1000x128xf32>
    %get3A_120 = vector.shape_cast %get3A_119 : vector<1x1000x128xf32> to vector<1000x128xf32>
    %add3A_121 = arith.addf %select_n3A_115, %get3A_120 : vector<1000x128xf32>
    %get3A_122 = arith.constant 3 : index
    %get3A_123 = arith.constant 0 : index
    %get3A_124 = vector.load %arg3[%get3A_122, %get3A_123] : memref<4x128xf32, #tpu.memory_space<vmem>>, vector<1x128xf32>
    %get3A_125 = vector.shape_cast %get3A_124 : vector<1x128xf32> to vector<128xf32>
    %broadcast_in_dim3A_126 = vector.shape_cast %get3A_125 : vector<128xf32> to vector<1x128xf32>
    %add3A_127 = vector.broadcast %broadcast_in_dim3A_126 : vector<1x128xf32> to vector<1000x128xf32>
    %add3A_128 = arith.addf %add3A_121, %add3A_127 : vector<1000x128xf32>
    %dot_general3A_129 = arith.constant dense<0.000000e+00> : vector<1000x128xf32>
    %dot_general3A_130 = tpu.matmul %add3A_128, %get3A_1, %dot_general3A_129 {dimension_numbers = #tpu.dot_dimension_numbers<[1], [0], [0], [1], [0, 0, 1, 1], [], []>, transpose_lhs_hint = false} : vector<1000x128xf32>, vector<128x128xf32>, vector<1000x128xf32> -> vector<1000x128xf32>
    %dot_general3A_131 = arith.constant dense<0.000000e+00> : vector<1000x128xf32>
    %dot_general3A_132 = tpu.matmul %add3A_128, %get3A_4, %dot_general3A_131 {dimension_numbers = #tpu.dot_dimension_numbers<[1], [0], [0], [1], [0, 0, 1, 1], [], []>, transpose_lhs_hint = false} : vector<1000x128xf32>, vector<128x128xf32>, vector<1000x128xf32> -> vector<1000x128xf32>
    %dot_general3A_133 = arith.constant dense<0.000000e+00> : vector<1000x128xf32>
    %dot_general3A_134 = tpu.matmul %add3A_128, %get3A_7, %dot_general3A_133 {dimension_numbers = #tpu.dot_dimension_numbers<[1], [0], [0], [1], [0, 0, 1, 1], [], []>, transpose_lhs_hint = false} : vector<1000x128xf32>, vector<128x128xf32>, vector<1000x128xf32> -> vector<1000x128xf32>
    %mul3A = arith.mulf %dot_general3A_34, %dot_general3A_36 : vector<1000x128xf32>
    %dot_general3A_135 = arith.constant dense<0.000000e+00> : vector<1000x8xf32>
    %dot_general3A_136 = tpu.matmul %mul3A, %get3A_10, %dot_general3A_135 {dimension_numbers = #tpu.dot_dimension_numbers<[1], [0], [0], [1], [0, 0, 1, 1], [], []>, transpose_lhs_hint = false} : vector<1000x128xf32>, vector<128x8xf32>, vector<1000x8xf32> -> vector<1000x8xf32>
    %mul3A_137 = arith.constant 5.000000e-01 : f32
    %mul3A_138 = vector.broadcast %mul3A_137 : f32 to vector<1000x8xf32>
    %mul3A_139 = arith.mulf %dot_general3A_136, %mul3A_138 : vector<1000x8xf32>
    %sub3A_140 = arith.subf %mul3A_139, %mul3A_139 : vector<1000x8xf32>
    %exp3A_141 = math.exp %sub3A_140 : vector<1000x8xf32>
    %div3A = arith.constant 1.000000e+00 : f32
    %div3A_142 = vector.broadcast %div3A : f32 to vector<1000x8xf32>
    %div3A_143 = arith.divf %div3A_142, %exp3A_141 : vector<1000x8xf32>
    %mul3A_144 = arith.mulf %exp3A_141, %div3A_143 : vector<1000x8xf32>
    %dot_general3A_145 = arith.constant dense<0.000000e+00> : vector<1000x128xf32>
    %dot_general3A_146 = tpu.matmul %mul3A_144, %get3A_13, %dot_general3A_145 {dimension_numbers = #tpu.dot_dimension_numbers<[1], [0], [0], [1], [0, 0, 1, 1], [], []>, transpose_lhs_hint = false} : vector<1000x8xf32>, vector<8x128xf32>, vector<1000x128xf32> -> vector<1000x128xf32>
    %mul3A_147 = arith.mulf %dot_general3A_146, %dot_general3A_38 : vector<1000x128xf32>
    %get3A_148 = arith.constant 0 : index
    %get3A_149 = arith.constant 0 : index
    %get3A_150 = vector.load %arg7[%get3A_148, %get3A_149] : memref<128x128xf32, #tpu.memory_space<vmem>>, vector<128x128xf32>
    %dot_general3A_151 = arith.constant dense<0.000000e+00> : vector<1000x128xf32>
    %dot_general3A_152 = tpu.matmul %mul3A_147, %get3A_150, %dot_general3A_151 {dimension_numbers = #tpu.dot_dimension_numbers<[1], [0], [0], [1], [0, 0, 1, 1], [], []>, transpose_lhs_hint = false} : vector<1000x128xf32>, vector<128x128xf32>, vector<1000x128xf32> -> vector<1000x128xf32>
    %get3A_153 = arith.constant 0 : index
    %get3A_154 = vector.load %arg8[%get3A_153] : memref<128xf32, #tpu.memory_space<vmem>>, vector<128xf32>
    %broadcast_in_dim3A_155 = vector.shape_cast %get3A_154 : vector<128xf32> to vector<1x128xf32>
    %add3A_156 = vector.broadcast %broadcast_in_dim3A_155 : vector<1x128xf32> to vector<1000x128xf32>
    %add3A_157 = arith.addf %dot_general3A_152, %add3A_156 : vector<1000x128xf32>
    %max3A = arith.constant 0.000000e+00 : f32
    %max3A_158 = vector.broadcast %max3A : f32 to vector<1000x128xf32>
    %max3A_159 = arith.maximumf %add3A_157, %max3A_158 : vector<1000x128xf32>
    %add3A_160 = arith.addf %max3A_159, %mul3A_147 : vector<1000x128xf32>
    %add3A_161 = arith.addf %add3A_160, %add3A_33 : vector<1000x128xf32>
    %swap3A = arith.constant 0 : index
    %swap3A_162 = arith.constant 0 : index
    %swap3A_163 = arith.constant 0 : index
    %swap3A_164 = vector.load %arg11[%swap3A, %swap3A_162, %swap3A_163] : memref<1000x4x128xf32, #tpu.memory_space<vmem>>, vector<1000x1x128xf32>
    %swap3A_165 = vector.shape_cast %swap3A_164 : vector<1000x1x128xf32> to vector<1000x128xf32>
    %swap3A_166 = vector.shape_cast %add3A_161 : vector<1000x128xf32> to vector<1000x1x128xf32>
    tpu.vector_store %arg11[%swap3A, %swap3A_162, %swap3A_163], %swap3A_166 {strides = array<i32>} : memref<1000x4x128xf32, #tpu.memory_space<vmem>>, vector<1000x1x128xf32>,
    %mul3A_167 = arith.mulf %dot_general3A_66, %dot_general3A_36 : vector<1000x128xf32>
    %dot_general3A_168 = arith.constant dense<0.000000e+00> : vector<1000x8xf32>
    %dot_general3A_169 = tpu.matmul %mul3A_167, %get3A_10, %dot_general3A_168 {dimension_numbers = #tpu.dot_dimension_numbers<[1], [0], [0], [1], [0, 0, 1, 1], [], []>, transpose_lhs_hint = false} : vector<1000x128xf32>, vector<128x8xf32>, vector<1000x8xf32> -> vector<1000x8xf32>
    %mul3A_170 = arith.constant 5.000000e-01 : f32
    %mul3A_171 = vector.broadcast %mul3A_170 : f32 to vector<1000x8xf32>
    %mul3A_172 = arith.mulf %dot_general3A_169, %mul3A_171 : vector<1000x8xf32>
    %mul3A_173 = arith.mulf %dot_general3A_66, %dot_general3A_68 : vector<1000x128xf32>
    %dot_general3A_174 = arith.constant dense<0.000000e+00> : vector<1000x8xf32>
    %dot_general3A_175 = tpu.matmul %mul3A_173, %get3A_10, %dot_general3A_174 {dimension_numbers = #tpu.dot_dimension_numbers<[1], [0], [0], [1], [0, 0, 1, 1], [], []>, transpose_lhs_hint = false} : vector<1000x128xf32>, vector<128x8xf32>, vector<1000x8xf32> -> vector<1000x8xf32>
    %mul3A_176 = arith.constant 5.000000e-01 : f32
    %mul3A_177 = vector.broadcast %mul3A_176 : f32 to vector<1000x8xf32>
    %mul3A_178 = arith.mulf %dot_general3A_175, %mul3A_177 : vector<1000x8xf32>
    %max3A_179 = arith.maximumf %mul3A_172, %mul3A_178 : vector<1000x8xf32>
    %sub3A_180 = arith.subf %mul3A_172, %max3A_179 : vector<1000x8xf32>
    %exp3A_181 = math.exp %sub3A_180 : vector<1000x8xf32>
    %sub3A_182 = arith.subf %mul3A_178, %max3A_179 : vector<1000x8xf32>
    %exp3A_183 = math.exp %sub3A_182 : vector<1000x8xf32>
    %add3A_184 = arith.addf %exp3A_181, %exp3A_183 : vector<1000x8xf32>
    %div3A_185 = arith.constant 1.000000e+00 : f32
    %div3A_186 = vector.broadcast %div3A_185 : f32 to vector<1000x8xf32>
    %div3A_187 = arith.divf %div3A_186, %add3A_184 : vector<1000x8xf32>
    %mul3A_188 = arith.mulf %exp3A_181, %div3A_187 : vector<1000x8xf32>
    %dot_general3A_189 = arith.constant dense<0.000000e+00> : vector<1000x128xf32>
    %dot_general3A_190 = tpu.matmul %mul3A_188, %get3A_13, %dot_general3A_189 {dimension_numbers = #tpu.dot_dimension_numbers<[1], [0], [0], [1], [0, 0, 1, 1], [], []>, transpose_lhs_hint = false} : vector<1000x8xf32>, vector<8x128xf32>, vector<1000x128xf32> -> vector<1000x128xf32>
    %mul3A_191 = arith.mulf %dot_general3A_190, %dot_general3A_38 : vector<1000x128xf32>
    %mul3A_192 = arith.mulf %exp3A_183, %div3A_187 : vector<1000x8xf32>
    %dot_general3A_193 = arith.constant dense<0.000000e+00> : vector<1000x128xf32>
    %dot_general3A_194 = tpu.matmul %mul3A_192, %get3A_13, %dot_general3A_193 {dimension_numbers = #tpu.dot_dimension_numbers<[1], [0], [0], [1], [0, 0, 1, 1], [], []>, transpose_lhs_hint = false} : vector<1000x8xf32>, vector<8x128xf32>, vector<1000x128xf32> -> vector<1000x128xf32>
    %mul3A_195 = arith.mulf %dot_general3A_194, %dot_general3A_70 : vector<1000x128xf32>
    %add3A_196 = arith.addf %mul3A_191, %mul3A_195 : vector<1000x128xf32>
    %get3A_197 = arith.constant 0 : index
    %get3A_198 = arith.constant 0 : index
    %get3A_199 = vector.load %arg7[%get3A_197, %get3A_198] : memref<128x128xf32, #tpu.memory_space<vmem>>, vector<128x128xf32>
    %dot_general3A_200 = arith.constant dense<0.000000e+00> : vector<1000x128xf32>
    %dot_general3A_201 = tpu.matmul %add3A_196, %get3A_199, %dot_general3A_200 {dimension_numbers = #tpu.dot_dimension_numbers<[1], [0], [0], [1], [0, 0, 1, 1], [], []>, transpose_lhs_hint = false} : vector<1000x128xf32>, vector<128x128xf32>, vector<1000x128xf32> -> vector<1000x128xf32>
    %get3A_202 = arith.constant 0 : index
    %get3A_203 = vector.load %arg8[%get3A_202] : memref<128xf32, #tpu.memory_space<vmem>>, vector<128xf32>
    %broadcast_in_dim3A_204 = vector.shape_cast %get3A_203 : vector<128xf32> to vector<1x128xf32>
    %add3A_205 = vector.broadcast %broadcast_in_dim3A_204 : vector<1x128xf32> to vector<1000x128xf32>
    %add3A_206 = arith.addf %dot_general3A_201, %add3A_205 : vector<1000x128xf32>
    %max3A_207 = arith.constant 0.000000e+00 : f32
    %max3A_208 = vector.broadcast %max3A_207 : f32 to vector<1000x128xf32>
    %max3A_209 = arith.maximumf %add3A_206, %max3A_208 : vector<1000x128xf32>
    %add3A_210 = arith.addf %max3A_209, %add3A_196 : vector<1000x128xf32>
    %add3A_211 = arith.addf %add3A_210, %add3A_64 : vector<1000x128xf32>
    %swap3A_212 = arith.constant 0 : index
    %swap3A_213 = arith.constant 1 : index
    %swap3A_214 = arith.constant 0 : index
    %swap3A_215 = vector.load %arg11[%swap3A_212, %swap3A_213, %swap3A_214] : memref<1000x4x128xf32, #tpu.memory_space<vmem>>, vector<1000x1x128xf32>
    %swap3A_216 = vector.shape_cast %swap3A_215 : vector<1000x1x128xf32> to vector<1000x128xf32>
    %swap3A_217 = vector.shape_cast %add3A_211 : vector<1000x128xf32> to vector<1000x1x128xf32>
    tpu.vector_store %arg11[%swap3A_212, %swap3A_213, %swap3A_214], %swap3A_217 {strides = array<i32>} : memref<1000x4x128xf32, #tpu.memory_space<vmem>>, vector<1000x1x128xf32>,
    %mul3A_218 = arith.mulf %dot_general3A_98, %dot_general3A_36 : vector<1000x128xf32>
    %dot_general3A_219 = arith.constant dense<0.000000e+00> : vector<1000x8xf32>
    %dot_general3A_220 = tpu.matmul %mul3A_218, %get3A_10, %dot_general3A_219 {dimension_numbers = #tpu.dot_dimension_numbers<[1], [0], [0], [1], [0, 0, 1, 1], [], []>, transpose_lhs_hint = false} : vector<1000x128xf32>, vector<128x8xf32>, vector<1000x8xf32> -> vector<1000x8xf32>
    %mul3A_221 = arith.constant 5.000000e-01 : f32
    %mul3A_222 = vector.broadcast %mul3A_221 : f32 to vector<1000x8xf32>
    %mul3A_223 = arith.mulf %dot_general3A_220, %mul3A_222 : vector<1000x8xf32>
    %mul3A_224 = arith.mulf %dot_general3A_98, %dot_general3A_68 : vector<1000x128xf32>
    %dot_general3A_225 = arith.constant dense<0.000000e+00> : vector<1000x8xf32>
    %dot_general3A_226 = tpu.matmul %mul3A_224, %get3A_10, %dot_general3A_225 {dimension_numbers = #tpu.dot_dimension_numbers<[1], [0], [0], [1], [0, 0, 1, 1], [], []>, transpose_lhs_hint = false} : vector<1000x128xf32>, vector<128x8xf32>, vector<1000x8xf32> -> vector<1000x8xf32>
    %mul3A_227 = arith.constant 5.000000e-01 : f32
    %mul3A_228 = vector.broadcast %mul3A_227 : f32 to vector<1000x8xf32>
    %mul3A_229 = arith.mulf %dot_general3A_226, %mul3A_228 : vector<1000x8xf32>
    %mul3A_230 = arith.mulf %dot_general3A_98, %dot_general3A_100 : vector<1000x128xf32>
    %dot_general3A_231 = arith.constant dense<0.000000e+00> : vector<1000x8xf32>
    %dot_general3A_232 = tpu.matmul %mul3A_230, %get3A_10, %dot_general3A_231 {dimension_numbers = #tpu.dot_dimension_numbers<[1], [0], [0], [1], [0, 0, 1, 1], [], []>, transpose_lhs_hint = false} : vector<1000x128xf32>, vector<128x8xf32>, vector<1000x8xf32> -> vector<1000x8xf32>
    %mul3A_233 = arith.constant 5.000000e-01 : f32
    %mul3A_234 = vector.broadcast %mul3A_233 : f32 to vector<1000x8xf32>
    %mul3A_235 = arith.mulf %dot_general3A_232, %mul3A_234 : vector<1000x8xf32>
    %max3A_236 = arith.maximumf %mul3A_223, %mul3A_229 : vector<1000x8xf32>
    %max3A_237 = arith.maximumf %max3A_236, %mul3A_235 : vector<1000x8xf32>
    %sub3A_238 = arith.subf %mul3A_223, %max3A_237 : vector<1000x8xf32>
    %exp3A_239 = math.exp %sub3A_238 : vector<1000x8xf32>
    %sub3A_240 = arith.subf %mul3A_229, %max3A_237 : vector<1000x8xf32>
    %exp3A_241 = math.exp %sub3A_240 : vector<1000x8xf32>
    %sub3A_242 = arith.subf %mul3A_235, %max3A_237 : vector<1000x8xf32>
    %exp3A_243 = math.exp %sub3A_242 : vector<1000x8xf32>
    %add3A_244 = arith.addf %exp3A_239, %exp3A_241 : vector<1000x8xf32>
    %add3A_245 = arith.addf %add3A_244, %exp3A_243 : vector<1000x8xf32>
    %div3A_246 = arith.constant 1.000000e+00 : f32
    %div3A_247 = vector.broadcast %div3A_246 : f32 to vector<1000x8xf32>
    %div3A_248 = arith.divf %div3A_247, %add3A_245 : vector<1000x8xf32>
    %mul3A_249 = arith.mulf %exp3A_239, %div3A_248 : vector<1000x8xf32>
    %dot_general3A_250 = arith.constant dense<0.000000e+00> : vector<1000x128xf32>
    %dot_general3A_251 = tpu.matmul %mul3A_249, %get3A_13, %dot_general3A_250 {dimension_numbers = #tpu.dot_dimension_numbers<[1], [0], [0], [1], [0, 0, 1, 1], [], []>, transpose_lhs_hint = false} : vector<1000x8xf32>, vector<8x128xf32>, vector<1000x128xf32> -> vector<1000x128xf32>
    %mul3A_252 = arith.mulf %dot_general3A_251, %dot_general3A_38 : vector<1000x128xf32>
    %mul3A_253 = arith.mulf %exp3A_241, %div3A_248 : vector<1000x8xf32>
    %dot_general3A_254 = arith.constant dense<0.000000e+00> : vector<1000x128xf32>
    %dot_general3A_255 = tpu.matmul %mul3A_253, %get3A_13, %dot_general3A_254 {dimension_numbers = #tpu.dot_dimension_numbers<[1], [0], [0], [1], [0, 0, 1, 1], [], []>, transpose_lhs_hint = false} : vector<1000x8xf32>, vector<8x128xf32>, vector<1000x128xf32> -> vector<1000x128xf32>
    %mul3A_256 = arith.mulf %dot_general3A_255, %dot_general3A_70 : vector<1000x128xf32>
    %add3A_257 = arith.addf %mul3A_252, %mul3A_256 : vector<1000x128xf32>
    %mul3A_258 = arith.mulf %exp3A_243, %div3A_248 : vector<1000x8xf32>
    %dot_general3A_259 = arith.constant dense<0.000000e+00> : vector<1000x128xf32>
    %dot_general3A_260 = tpu.matmul %mul3A_258, %get3A_13, %dot_general3A_259 {dimension_numbers = #tpu.dot_dimension_numbers<[1], [0], [0], [1], [0, 0, 1, 1], [], []>, transpose_lhs_hint = false} : vector<1000x8xf32>, vector<8x128xf32>, vector<1000x128xf32> -> vector<1000x128xf32>
    %mul3A_261 = arith.mulf %dot_general3A_260, %dot_general3A_102 : vector<1000x128xf32>
    %add3A_262 = arith.addf %add3A_257, %mul3A_261 : vector<1000x128xf32>
    %get3A_263 = arith.constant 0 : index
    %get3A_264 = arith.constant 0 : index
    %get3A_265 = vector.load %arg7[%get3A_263, %get3A_264] : memref<128x128xf32, #tpu.memory_space<vmem>>, vector<128x128xf32>
    %dot_general3A_266 = arith.constant dense<0.000000e+00> : vector<1000x128xf32>
    %dot_general3A_267 = tpu.matmul %add3A_262, %get3A_265, %dot_general3A_266 {dimension_numbers = #tpu.dot_dimension_numbers<[1], [0], [0], [1], [0, 0, 1, 1], [], []>, transpose_lhs_hint = false} : vector<1000x128xf32>, vector<128x128xf32>, vector<1000x128xf32> -> vector<1000x128xf32>
    %get3A_268 = arith.constant 0 : index
    %get3A_269 = vector.load %arg8[%get3A_268] : memref<128xf32, #tpu.memory_space<vmem>>, vector<128xf32>
    %broadcast_in_dim3A_270 = vector.shape_cast %get3A_269 : vector<128xf32> to vector<1x128xf32>
    %add3A_271 = vector.broadcast %broadcast_in_dim3A_270 : vector<1x128xf32> to vector<1000x128xf32>
    %add3A_272 = arith.addf %dot_general3A_267, %add3A_271 : vector<1000x128xf32>
    %max3A_273 = arith.constant 0.000000e+00 : f32
    %max3A_274 = vector.broadcast %max3A_273 : f32 to vector<1000x128xf32>
    %max3A_275 = arith.maximumf %add3A_272, %max3A_274 : vector<1000x128xf32>
    %add3A_276 = arith.addf %max3A_275, %add3A_262 : vector<1000x128xf32>
    %add3A_277 = arith.addf %add3A_276, %add3A_96 : vector<1000x128xf32>
    %swap3A_278 = arith.constant 0 : index
    %swap3A_279 = arith.constant 2 : index
    %swap3A_280 = arith.constant 0 : index
    %swap3A_281 = vector.load %arg11[%swap3A_278, %swap3A_279, %swap3A_280] : memref<1000x4x128xf32, #tpu.memory_space<vmem>>, vector<1000x1x128xf32>
    %swap3A_282 = vector.shape_cast %swap3A_281 : vector<1000x1x128xf32> to vector<1000x128xf32>
    %swap3A_283 = vector.shape_cast %add3A_277 : vector<1000x128xf32> to vector<1000x1x128xf32>
    tpu.vector_store %arg11[%swap3A_278, %swap3A_279, %swap3A_280], %swap3A_283 {strides = array<i32>} : memref<1000x4x128xf32, #tpu.memory_space<vmem>>, vector<1000x1x128xf32>,
    %mul3A_284 = arith.mulf %dot_general3A_130, %dot_general3A_36 : vector<1000x128xf32>
    %dot_general3A_285 = arith.constant dense<0.000000e+00> : vector<1000x8xf32>
    %dot_general3A_286 = tpu.matmul %mul3A_284, %get3A_10, %dot_general3A_285 {dimension_numbers = #tpu.dot_dimension_numbers<[1], [0], [0], [1], [0, 0, 1, 1], [], []>, transpose_lhs_hint = false} : vector<1000x128xf32>, vector<128x8xf32>, vector<1000x8xf32> -> vector<1000x8xf32>
    %mul3A_287 = arith.constant 5.000000e-01 : f32
    %mul3A_288 = vector.broadcast %mul3A_287 : f32 to vector<1000x8xf32>
    %mul3A_289 = arith.mulf %dot_general3A_286, %mul3A_288 : vector<1000x8xf32>
    %mul3A_290 = arith.mulf %dot_general3A_130, %dot_general3A_68 : vector<1000x128xf32>
    %dot_general3A_291 = arith.constant dense<0.000000e+00> : vector<1000x8xf32>
    %dot_general3A_292 = tpu.matmul %mul3A_290, %get3A_10, %dot_general3A_291 {dimension_numbers = #tpu.dot_dimension_numbers<[1], [0], [0], [1], [0, 0, 1, 1], [], []>, transpose_lhs_hint = false} : vector<1000x128xf32>, vector<128x8xf32>, vector<1000x8xf32> -> vector<1000x8xf32>
    %mul3A_293 = arith.constant 5.000000e-01 : f32
    %mul3A_294 = vector.broadcast %mul3A_293 : f32 to vector<1000x8xf32>
    %mul3A_295 = arith.mulf %dot_general3A_292, %mul3A_294 : vector<1000x8xf32>
    %mul3A_296 = arith.mulf %dot_general3A_130, %dot_general3A_100 : vector<1000x128xf32>
    %dot_general3A_297 = arith.constant dense<0.000000e+00> : vector<1000x8xf32>
    %dot_general3A_298 = tpu.matmul %mul3A_296, %get3A_10, %dot_general3A_297 {dimension_numbers = #tpu.dot_dimension_numbers<[1], [0], [0], [1], [0, 0, 1, 1], [], []>, transpose_lhs_hint = false} : vector<1000x128xf32>, vector<128x8xf32>, vector<1000x8xf32> -> vector<1000x8xf32>
    %mul3A_299 = arith.constant 5.000000e-01 : f32
    %mul3A_300 = vector.broadcast %mul3A_299 : f32 to vector<1000x8xf32>
    %mul3A_301 = arith.mulf %dot_general3A_298, %mul3A_300 : vector<1000x8xf32>
    %mul3A_302 = arith.mulf %dot_general3A_130, %dot_general3A_132 : vector<1000x128xf32>
    %dot_general3A_303 = arith.constant dense<0.000000e+00> : vector<1000x8xf32>
    %dot_general3A_304 = tpu.matmul %mul3A_302, %get3A_10, %dot_general3A_303 {dimension_numbers = #tpu.dot_dimension_numbers<[1], [0], [0], [1], [0, 0, 1, 1], [], []>, transpose_lhs_hint = false} : vector<1000x128xf32>, vector<128x8xf32>, vector<1000x8xf32> -> vector<1000x8xf32>
    %mul3A_305 = arith.constant 5.000000e-01 : f32
    %mul3A_306 = vector.broadcast %mul3A_305 : f32 to vector<1000x8xf32>
    %mul3A_307 = arith.mulf %dot_general3A_304, %mul3A_306 : vector<1000x8xf32>
    %max3A_308 = arith.maximumf %mul3A_289, %mul3A_295 : vector<1000x8xf32>
    %max3A_309 = arith.maximumf %max3A_308, %mul3A_301 : vector<1000x8xf32>
    %max3A_310 = arith.maximumf %max3A_309, %mul3A_307 : vector<1000x8xf32>
    %sub3A_311 = arith.subf %mul3A_289, %max3A_310 : vector<1000x8xf32>
    %exp3A_312 = math.exp %sub3A_311 : vector<1000x8xf32>
    %sub3A_313 = arith.subf %mul3A_295, %max3A_310 : vector<1000x8xf32>
    %exp3A_314 = math.exp %sub3A_313 : vector<1000x8xf32>
    %sub3A_315 = arith.subf %mul3A_301, %max3A_310 : vector<1000x8xf32>
    %exp3A_316 = math.exp %sub3A_315 : vector<1000x8xf32>
    %sub3A_317 = arith.subf %mul3A_307, %max3A_310 : vector<1000x8xf32>
    %exp3A_318 = math.exp %sub3A_317 : vector<1000x8xf32>
    %add3A_319 = arith.addf %exp3A_312, %exp3A_314 : vector<1000x8xf32>
    %add3A_320 = arith.addf %add3A_319, %exp3A_316 : vector<1000x8xf32>
    %add3A_321 = arith.addf %add3A_320, %exp3A_318 : vector<1000x8xf32>
    %div3A_322 = arith.constant 1.000000e+00 : f32
    %div3A_323 = vector.broadcast %div3A_322 : f32 to vector<1000x8xf32>
    %div3A_324 = arith.divf %div3A_323, %add3A_321 : vector<1000x8xf32>
    %mul3A_325 = arith.mulf %exp3A_312, %div3A_324 : vector<1000x8xf32>
    %dot_general3A_326 = arith.constant dense<0.000000e+00> : vector<1000x128xf32>
    %dot_general3A_327 = tpu.matmul %mul3A_325, %get3A_13, %dot_general3A_326 {dimension_numbers = #tpu.dot_dimension_numbers<[1], [0], [0], [1], [0, 0, 1, 1], [], []>, transpose_lhs_hint = false} : vector<1000x8xf32>, vector<8x128xf32>, vector<1000x128xf32> -> vector<1000x128xf32>
    %mul3A_328 = arith.mulf %dot_general3A_327, %dot_general3A_38 : vector<1000x128xf32>
    %mul3A_329 = arith.mulf %exp3A_314, %div3A_324 : vector<1000x8xf32>
    %dot_general3A_330 = arith.constant dense<0.000000e+00> : vector<1000x128xf32>
    %dot_general3A_331 = tpu.matmul %mul3A_329, %get3A_13, %dot_general3A_330 {dimension_numbers = #tpu.dot_dimension_numbers<[1], [0], [0], [1], [0, 0, 1, 1], [], []>, transpose_lhs_hint = false} : vector<1000x8xf32>, vector<8x128xf32>, vector<1000x128xf32> -> vector<1000x128xf32>
    %mul3A_332 = arith.mulf %dot_general3A_331, %dot_general3A_70 : vector<1000x128xf32>
    %add3A_333 = arith.addf %mul3A_328, %mul3A_332 : vector<1000x128xf32>
    %mul3A_334 = arith.mulf %exp3A_316, %div3A_324 : vector<1000x8xf32>
    %dot_general3A_335 = arith.constant dense<0.000000e+00> : vector<1000x128xf32>
    %dot_general3A_336 = tpu.matmul %mul3A_334, %get3A_13, %dot_general3A_335 {dimension_numbers = #tpu.dot_dimension_numbers<[1], [0], [0], [1], [0, 0, 1, 1], [], []>, transpose_lhs_hint = false} : vector<1000x8xf32>, vector<8x128xf32>, vector<1000x128xf32> -> vector<1000x128xf32>
    %mul3A_337 = arith.mulf %dot_general3A_336, %dot_general3A_102 : vector<1000x128xf32>
    %add3A_338 = arith.addf %add3A_333, %mul3A_337 : vector<1000x128xf32>
    %mul3A_339 = arith.mulf %exp3A_318, %div3A_324 : vector<1000x8xf32>
    %dot_general3A_340 = arith.constant dense<0.000000e+00> : vector<1000x128xf32>
    %dot_general3A_341 = tpu.matmul %mul3A_339, %get3A_13, %dot_general3A_340 {dimension_numbers = #tpu.dot_dimension_numbers<[1], [0], [0], [1], [0, 0, 1, 1], [], []>, transpose_lhs_hint = false} : vector<1000x8xf32>, vector<8x128xf32>, vector<1000x128xf32> -> vector<1000x128xf32>
    %mul3A_342 = arith.mulf %dot_general3A_341, %dot_general3A_134 : vector<1000x128xf32>
    %add3A_343 = arith.addf %add3A_338, %mul3A_342 : vector<1000x128xf32>
    %get3A_344 = arith.constant 0 : index
    %get3A_345 = arith.constant 0 : index
    %get3A_346 = vector.load %arg7[%get3A_344, %get3A_345] : memref<128x128xf32, #tpu.memory_space<vmem>>, vector<128x128xf32>
    %dot_general3A_347 = arith.constant dense<0.000000e+00> : vector<1000x128xf32>
    %dot_general3A_348 = tpu.matmul %add3A_343, %get3A_346, %dot_general3A_347 {dimension_numbers = #tpu.dot_dimension_numbers<[1], [0], [0], [1], [0, 0, 1, 1], [], []>, transpose_lhs_hint = false} : vector<1000x128xf32>, vector<128x128xf32>, vector<1000x128xf32> -> vector<1000x128xf32>
    %get3A_349 = arith.constant 0 : index
    %get3A_350 = vector.load %arg8[%get3A_349] : memref<128xf32, #tpu.memory_space<vmem>>, vector<128xf32>
    %broadcast_in_dim3A_351 = vector.shape_cast %get3A_350 : vector<128xf32> to vector<1x128xf32>
    %add3A_352 = vector.broadcast %broadcast_in_dim3A_351 : vector<1x128xf32> to vector<1000x128xf32>
    %add3A_353 = arith.addf %dot_general3A_348, %add3A_352 : vector<1000x128xf32>
    %max3A_354 = arith.constant 0.000000e+00 : f32
    %max3A_355 = vector.broadcast %max3A_354 : f32 to vector<1000x128xf32>
    %max3A_356 = arith.maximumf %add3A_353, %max3A_355 : vector<1000x128xf32>
    %add3A_357 = arith.addf %max3A_356, %add3A_343 : vector<1000x128xf32>
    %add3A_358 = arith.addf %add3A_357, %add3A_128 : vector<1000x128xf32>
    %swap3A_359 = arith.constant 0 : index
    %swap3A_360 = arith.constant 3 : index
    %swap3A_361 = arith.constant 0 : index
    %swap3A_362 = vector.load %arg11[%swap3A_359, %swap3A_360, %swap3A_361] : memref<1000x4x128xf32, #tpu.memory_space<vmem>>, vector<1000x1x128xf32>
    %swap3A_363 = vector.shape_cast %swap3A_362 : vector<1000x1x128xf32> to vector<1000x128xf32>
    %swap3A_364 = vector.shape_cast %add3A_358 : vector<1000x128xf32> to vector<1000x1x128xf32>
    tpu.vector_store %arg11[%swap3A_359, %swap3A_360, %swap3A_361], %swap3A_364 {strides = array<i32>} : memref<1000x4x128xf32, #tpu.memory_space<vmem>>, vector<1000x1x128xf32>,
    return
  }
  func.func @transform_0(%arg0: i32) -> (i32, i32, i32) {
    %c0_i32 = arith.constant 0 : i32
    %c0_i32_0 = arith.constant 0 : i32
    %c0_i32_1 = arith.constant 0 : i32
    return %c0_i32, %arg0, %c0_i32_0 : i32, i32, i32
  }
  func.func @transform_1(%arg0: i32) -> (i32, i32, i32) {
    %c0_i32 = arith.constant 0 : i32
    %c0_i32_0 = arith.constant 0 : i32
    %c0_i32_1 = arith.constant 0 : i32
    return %c0_i32, %arg0, %c0_i32_0 : i32, i32, i32
  }
  func.func @transform_2(%arg0: i32) -> (i32, i32) {
    %c0_i32 = arith.constant 0 : i32
    %c0_i32_0 = arith.constant 0 : i32
    %c0_i32_1 = arith.constant 0 : i32
    return %c0_i32, %c0_i32_0 : i32, i32
  }
  func.func @transform_3(%arg0: i32) -> (i32, i32) {
    %c0_i32 = arith.constant 0 : i32
    %c0_i32_0 = arith.constant 0 : i32
    %c0_i32_1 = arith.constant 0 : i32
    return %c0_i32, %c0_i32_0 : i32, i32
  }
  func.func @transform_4(%arg0: i32) -> (i32, i32) {
    %c0_i32 = arith.constant 0 : i32
    %c0_i32_0 = arith.constant 0 : i32
    %c0_i32_1 = arith.constant 0 : i32
    return %c0_i32, %c0_i32_0 : i32, i32
  }
  func.func @transform_5(%arg0: i32) -> (i32, i32) {
    %c0_i32 = arith.constant 0 : i32
    %c0_i32_0 = arith.constant 0 : i32
    %c0_i32_1 = arith.constant 0 : i32
    return %c0_i32, %c0_i32_0 : i32, i32
  }
  func.func @transform_6(%arg0: i32) -> (i32, i32) {
    %c0_i32 = arith.constant 0 : i32
    %c0_i32_0 = arith.constant 0 : i32
    %c0_i32_1 = arith.constant 0 : i32
    return %c0_i32, %c0_i32_0 : i32, i32
  }
  func.func @transform_7(%arg0: i32) -> i32 {
    %c0_i32 = arith.constant 0 : i32
    %c0_i32_0 = arith.constant 0 : i32
    return %c0_i32 : i32
  }
  func.func @transform_8(%arg0: i32) -> (i32, i32) {
    %c0_i32 = arith.constant 0 : i32
    %c0_i32_0 = arith.constant 0 : i32
    %c0_i32_1 = arith.constant 0 : i32
    return %c0_i32, %c0_i32_0 : i32, i32
  }
  func.func @transform_9(%arg0: i32) -> (i32, i32) {
    %c0_i32 = arith.constant 0 : i32
    %c0_i32_0 = arith.constant 0 : i32
    %c0_i32_1 = arith.constant 0 : i32
    return %c0_i32, %c0_i32_0 : i32, i32
  }
  func.func @transform_10(%arg0: i32) -> (i32, i32, i32) {
    %c0_i32 = arith.constant 0 : i32
    %c0_i32_0 = arith.constant 0 : i32
    %c0_i32_1 = arith.constant 0 : i32
    return %arg0, %c0_i32, %c0_i32_0 : i32, i32, i32
  }
}

</mosaic_0001>

<sc_bundles>
// kernel: scatter_offload_async_start.1
scs
__scs_entry_jumppad:
0x0: {  	(pc) =	sbr.rel $0x88, $3  }
0x1: {  	(tag) =	ssettag $0x0;
	lr =	simm.s32 $0x1  }
0x2: {  	[smem:$0x3F93] =	sst lr;
	_ =	strace $0xD0000000  }
0x3: {  	_ = 	snop  }
0x4: {  	_ = 	snop  }
0x5: {  	_ = 	snop  }
0x6: {  	_ = 	snop  }
0x7: {  	_ = 	snop  }
__scs_overlays_trampoline_lowered:
0x8: {  	[smem:$0x3FA2] =	sst s0  }
0x9: {  	[smem:$0x3FA3] =	sst s1  }
0xa: {  	[smem:$0x3FA4] =	sst s2  }
0xb: {  	[smem:$0x3FA5] =	sst s3  }
0xc: {  	[smem:$0x3FA6] =	sst s4  }
0xd: {  	[smem:$0x3FA7] =	sst s5  }
0xe: {  	[smem:$0x3FA8] =	sst s6  }
0xf: {  	[smem:$0x3FA9] =	sst s7  }
0x10: {  	[smem:$0x3FAA] =	sst s8  }
0x11: {  	[smem:$0x3FAB] =	sst s9;
	s0 =	simm.s32 @!p0 $0x0  }
0x12: {  	s1 =	sld [smem:$0x3F91];
	s0 =	simm.s32 @p0 $0x1  }
0x13: {  	[smem:$0x3FAC] =	sst s0;
	s0 =	simm.s32 @!p1 $0x0  }
0x14: {  	s2 =	sld [smem:$0x3F90];
	s0 =	simm.s32 @p1 $0x1  }
0x15: {  	[smem:$0x3FAD] =	sst s0;
	s0 =	simm.s32 @!p2 $0x0  }
0x16: {  	s3 =	sld [smem:$0x3FDB];
	s0 =	simm.s32 @p2 $0x1  }
0x17: {  	s4 =	simm.s32 $0x1BF5;
	[smem:$0x3FAF] =	sst s0  }
0x18: {  	s0 =	sld [smem:$0x3F92];
	_ =	swait.ge [sflag:s4], $0x0  }
0x19: {  	s7 =	sld [smem:$0x3F93]  }
0x1a: {  	s8 =	sadd.s32 $0xFFFFE003, lr  }
0x1b: {  	s9 =	sadd.s32 $0xFFFFFEF7, lr;
	s5 =	simm.s32 $0xFFFFFFFF;
	p2 =	slt.u32 s8, $0xFFFFF086  }
0x1c: {  	p1 =	slt.u32 s9, $0xF7A;
	s5 =	simm.s32 @!p2 $0x0  }
0x1d: {  	s5 =	simm.s32 @p1 $0x1;
	p0 =	seq.s32 s7, s2  }
0x1e: {  	s7 =	smul.u32 @!p0 $0xF7A, s2;
	p2 =	seq.s32 @!p0 s5, $0x0  }
0x1f: {  	s9 =	smul.u32 $0xF7A, s1;
	s8 =	simm.s32 @!p0 $0x1BF5;
	p2 =	por !p2, p0  }
0x20: {  	[sflag:s8] =	ssyncset.s32 @!p0 $0xFFFFF086;
	s6 =	sadd.s32 @!p0 s3, s7;
	s7 =	simm.s32 @!p0 $0x108  }
0x21: {  	s3 =	sadd.s32 s3, s9;
	s6 =	sadd.s32 @!p0 $0x88, s6;
	s7 =	simm.s32 @p2 $0x1082  }
0x22: {  	[simem:s7], [sflag:s8] =	dma.local @!p0 [hbm:s6], $0xF7A  }
0x23: {  	s9 =	sor.u32 $0xD0000000, s2;
	s6 =	simm.s32 $0x108;
	_ =	swait.ge @!p0 [sflag:s8], $0x0  }
0x24: {  	s3 =	sadd.s32 $0x88, s3;
	s6 =	simm.s32 @!p1 $0x1082;
	[sflag:s4] =	ssyncset.s32 $0xFFFFF086  }
0x25: {  	[simem:s6], [sflag:s4] =	dma.local [hbm:s3], $0xF7A  }
0x26: {  	[smem:$0x3F93] =	sst s1;
	(tag) =	ssettag s2;
	_ =	strace s9  }
0x27: {  	s1 =	sld [smem:$0x3FA3]  }
0x28: {  	s2 =	sld [smem:$0x3FA4]  }
0x29: {  	s4 =	sld [smem:$0x3FA6]  }
0x2a: {  	p0 =	seq.s32 s5, $0x0;
	s5 =	sld [smem:$0x3FA7]  }
0x2b: {  	s6 =	sld [smem:$0x3FA8]  }
0x2c: {  	s7 =	sld [smem:$0x3FA9]  }
0x2d: {  	s3 =	simm.s32 $0x108;
	s8 =	sld [smem:$0x3FAA]  }
0x2e: {  	s3 =	simm.s32 @!p0 $0x1082;
	s9 =	sld [smem:$0x3FAB]  }
0x2f: {  	lr =	sadd.s32 s0, s3;
	s0 =	sld [smem:$0x3FA2]  }
0x30: {  	s3 =	sld [smem:$0x3FA5]  }
0x31: {  	[smem:$0x3FAE] =	sst s10  }
0x32: {  	s10 =	sld [smem:$0x3FAC];
	_ =	sdelay $0x3  }
0x33: {  	p0 =	seq.s32 s10, $0x1;
	s10 =	sld [smem:$0x3FAE];
	_ =	sdelay $0x3  }
0x34: {  	[smem:$0x3FAE] =	sst s10  }
0x35: {  	s10 =	sld [smem:$0x3FAD];
	_ =	sdelay $0x3  }
0x36: {  	p1 =	seq.s32 s10, $0x1;
	s10 =	sld [smem:$0x3FAE];
	_ =	sdelay $0x3  }
0x37: {  	[smem:$0x3FAE] =	sst s10  }
0x38: {  	s10 =	sld [smem:$0x3FAF]  }
0x39: {  	_ = 	snop;
	(pc) =	sbr.ind lr, $3  }
0x3a: {  	_ = 	snop  }
0x3b: {  	_ = 	snop  }
0x3c: {  	p2 =	seq.s32 s10, $0x1;
	s10 =	sld [smem:$0x3FAE]  }
0x3d: {  	_ =	shalt  }
0x3e: {  	_ =	shalt  }
0x3f: {  	_ =	shalt  }
0x40: {  	_ =	shalt  }
0x41: {  	_ =	shalt  }
0x42: {  	_ =	shalt  }
0x43: {  	_ =	shalt  }
0x44: {  	_ =	shalt  }
0x45: {  	_ =	shalt  }
0x46: {  	_ =	shalt  }
0x47: {  	_ =	shalt  }
0x48: {  	_ =	shalt  }
0x49: {  	_ =	shalt  }
0x4a: {  	_ =	shalt  }
0x4b: {  	_ =	shalt  }
0x4c: {  	_ =	shalt  }
0x4d: {  	_ =	shalt  }
0x4e: {  	_ =	shalt  }
0x4f: {  	_ =	shalt  }
0x50: {  	_ =	shalt  }
0x51: {  	_ =	shalt  }
0x52: {  	_ =	shalt  }
0x53: {  	_ =	shalt  }
0x54: {  	_ =	shalt  }
0x55: {  	_ =	shalt  }
0x56: {  	_ =	shalt  }
0x57: {  	_ =	shalt  }
0x58: {  	_ =	shalt  }
0x59: {  	_ =	shalt  }
0x5a: {  	_ =	shalt  }
0x5b: {  	_ =	shalt  }
0x5c: {  	_ =	shalt  }
0x5d: {  	_ =	shalt  }
0x5e: {  	_ =	shalt  }
0x5f: {  	_ =	shalt  }
0x60: {  	_ =	shalt  }
0x61: {  	_ =	shalt  }
0x62: {  	_ =	shalt  }
0x63: {  	_ =	shalt  }
0x64: {  	_ =	shalt  }
0x65: {  	_ =	shalt  }
0x66: {  	_ =	shalt  }
0x67: {  	_ =	shalt  }
0x68: {  	_ =	shalt  }
0x69: {  	_ =	shalt  }
0x6a: {  	_ =	shalt  }
0x6b: {  	_ =	shalt  }
0x6c: {  	_ =	shalt  }
0x6d: {  	_ =	shalt  }
0x6e: {  	_ =	shalt  }
0x6f: {  	_ =	shalt  }
0x70: {  	_ =	shalt  }
0x71: {  	_ =	shalt  }
0x72: {  	_ =	shalt  }
0x73: {  	_ =	shalt  }
0x74: {  	_ =	shalt  }
0x75: {  	_ =	shalt  }
0x76: {  	_ =	shalt  }
0x77: {  	_ =	shalt  }
0x78: {  	_ =	shalt  }
0x79: {  	_ =	shalt  }
0x7a: {  	_ =	shalt  }
0x7b: {  	_ =	shalt  }
0x7c: {  	_ =	shalt  }
0x7d: {  	_ =	shalt  }
0x7e: {  	_ =	shalt  }
0x7f: {  	_ =	shalt  }
0x80: {  	_ =	shalt  }
0x81: {  	_ =	shalt  }
0x82: {  	_ =	shalt  }
0x83: {  	_ =	shalt  }
0x84: {  	_ =	shalt  }
0x85: {  	_ =	shalt  }
0x86: {  	_ =	shalt  }
0x87: {  	_ =	shalt  }
.Lfunc_end0:
.L_simem_size_0:
called_computation.1_lowered:
.L_overlay_start_0:
0x88: {  	s2 =	sld [smem:$0x3FD9]  }
0x89: {  	s3 =	sld [smem:$0x3FFE];
	_ =	sdelay $0x1  }
0x8a: {  	s1 =	srdreg.scid  }
0x8b: {  	s0 =	sand.u32 $0x1, s1  }
0x8c: {  	s16 =	sshll.u32 s0, $0xA;
	s2 =	sadd.s32 s3, s2  }
0x8d: {  	s2 =	sadd.s32 s2, s16  }
0x8e: {  	[smem:$0x3FBA] =	sst s2  }
0x8f: {  	_ = 	snop  }
0x90: {  	s2 =	sld [smem:$0x3FD0];
	(tm) =	ssettm $0x1  }
0x91: {  	s17 =	sld [smem:$0x3FFB];
	_ =	sdelay $0x3  }
0x92: {  	_ =	strace s17  }
0x93: {  	s3 =	sld [smem:$0x3FFC];
	_ =	sdelay $0x3  }
0x94: {  	_ =	strace s3  }
0x95: {  	s3 =	sld [smem:$0x3FFD];
	_ =	sdelay $0x3  }
0x96: {  	_ =	strace s3  }
0x97: {  	_ =	strace $0x8FFFFFFF  }
0x98: {  	s18 =	sld [smem:$0x3FDB];
	_ =	sdelay $0x1  }
0x99: {  	s4 =	simm.s32 $_scs_section_size  }
0x9a: {  	s5 =	simm.s32 $_size__tile_overlayer_lowered;
	s6 =	simm.s32 $_tile_overlayer_lowered  }
0x9b: {  	s21 =	simm.s32 $0x1BFF;
	s20 =	sshll.u32 s6, $0x1;
	s3 =	sadd.s32 s4, s18  }
0x9c: {  	s7 =	simm.s32 $0x0;
	s19 =	sshll.u32 s5, $0x1;
	s5 =	sadd.s32 s20, s3  }
0x9d: {  	[timem:s7], [sflag:s21] =	dma.local [hbm:s5], s19  }
0x9e: {  	_ =	swait.ge [sflag:s21], s19  }
0x9f: {  	s4 =	ssub.s32 $0x0, s19;
	[sflag:s21] =	ssyncset.done $0x0  }
0xa0: {  	[sflag:s21] =	ssyncadd.s32 s4;
	_ =	sdelay $0x1  }
0xa1: {  	s22 =	simm.s32 $0x1B8B  }
0xa2: {  	_ =	swait.ge [sflag:s22], $0x1  }
0xa3: {  	[sflag:s22] =	ssyncset.done $0x0  }
0xa4: {  	s23 =	sld [smem:$0x3FFE];
	[sflag:s22] =	ssyncadd.s32 $0xFFFFFFFF  }
0xa5: {  	s25 =	simm.s32 $0x1B8E;
	s24 =	sld [smem:$0x0]  }
0xa6: {  	s26 =	simm.s32 $execute0_lowered;
	[smem:$0x3FD2] =	sst s25  }
0xa7: {  	s6 =	sshll.u32 s26, $0x1;
	_ =	strace $0x80000052;
	[dreg:$0x1] =	wrdreg $0xFFFFFFFF  }
0xa8: {  	s28 =	simm.s32 $_size_execute0_lowered;
	s3 =	sadd.s32 s3, s6;
	[dreg:$0x0] =	wrdreg $0x0  }
0xa9: {  	s6 =	sshll.u32 s28, $0x1;
	[dreg:$0x2] =	wrdreg s3  }
0xaa: {  	[dreg:$0x3] =	wrdreg s6  }
0xab: {  	[dreg:$0x4] =	wrdreg $0xC0  }
0xac: {  	_ =	task [dreg:s7], $0x5FFFF  }
0xad: {  	[dreg:$0x1] =	wrdreg $0xFFFFFFFF  }
0xae: {  	[dreg:$0x0] =	wrdreg $0x60  }
0xaf: {  	[dreg:$0x2] =	wrdreg s2  }
0xb0: {  	[dreg:$0x3] =	wrdreg s23  }
0xb1: {  	[dreg:$0x4] =	wrdreg s1  }
0xb2: {  	[dreg:$0x5] =	wrdreg s24  }
0xb3: {  	[dreg:$0x6] =	wrdreg $0x9  }
0xb4: {  	_ =	task.clear_ibuf [dreg:s7], $0x7FFFF;
	_ =	strace $0x90000052  }
0xb5: {  	s29 =	simm.s32 $0x9;
	_ =	strace $0x80000054  }
0xb6: {  	_ =	swait.ge [sflag:s29], $0x1  }
0xb7: {  	[sflag:s29] =	ssyncadd.s32 $0xFFFFFFFF  }
0xb8: {  	_ =	strace $0x90000054  }
0xb9: {  	_ =	sfence  }
0xba: {  	s30 =	sld [smem:$0x0];
	_ =	sdelay $0x2  }
0xbb: {  	s31 =	sshll.u32 s1, $0xD;
	s1 =	sshrl.u32 s1, $0x2  }
0xbc: {  	s3 =	sand.u32 $0x4000, s31;
	s1 =	sadd.s32 s1, s30  }
0xbd: {  	s0 =	sor.u32 s3, s0;
	s1 =	sshll.u32 s1, $0x11  }
0xbe: {  	s0 =	sor.u32 s1, s0  }
0xbf: {  	s0 =	sadd.s32 $0x8F2B, s0  }
0xc0: {  	[sflag:s0] =	ssyncadd.remote.s32 $0x1  }
0xc1: {  	_ =	sfence.sel $0xFFFF  }
0xc2: {  	[dreg:$0x0] =	wrdreg $0xFFFFFFFF;
	(pc) =	sbr.abs _section_cstart, $3  }
0xc3: {  	[dreg:$0x1] =	wrdreg $0xFFFFFFFF  }
0xc4: {  	_ =	task.clear_ibuf [dreg:s7], $0x2FFFF;
	_ =	strace $0x9FFFFFFF  }
0xc5: {  	(tm) =	ssettm $0x7FFFFFFF  }
tec
execute0_lowered:
.L_overlay_start_1:
0x0: {  	(tag) =	ssettag $0x1  }
0x1: {  	s1 =	rddreg [dreg:$0x0]  }
0x2: {  	s2 =	rddreg [dreg:$0x1]  }
0x3: {  	s3 =	rddreg [dreg:$0x2];
	_ =	strace $0x80000053;
	s0 =	simm.s32 $0x1  }
0x4: {  	v0 =	vimm.s32 $0x0;
	[sflag:s0] =	ssyncpa.u1 $0x0;
	s0 =	simm.s32 $0x108  }
0x5: {  	[tilespmem:s0+$0x70] =	vst v0  }
0x6: {  	[tilespmem:s0+$0x60] =	vst v0  }
0x7: {  	[tilespmem:s0+$0x50] =	vst v0  }
0x8: {  	[tilespmem:s0+$0x40] =	vst v0  }
0x9: {  	[tilespmem:s0+$0x30] =	vst v0  }
0xa: {  	s15 =	sadd.s32 $0x13DA400, s2;
	s6 =	sadd.s32 $0x153A000, s2;
	[tilespmem:s0+$0x20] =	vst v0  }
0xb: {  	s14 =	sadd.s32 $0x1401600, s2;
	s5 =	sand.u32 $0x1, s3;
	s3 =	simm.s32 $0x40;
	[tilespmem:s0+$0x10] =	vst v0  }
.LBB2_1:
0xc: {  	s3 =	sadd.s32 $0x40, s3;
	[tilespmem:s0+$0x0] =	vst v0;
	s0 =	sadd.s32 $0x80, s0  }
0xd: {  	p0 =	slt.u32 s3, $0x3C40;
	[tilespmem:s0+$0x70] =	vst v0  }
0xe: {  	[tilespmem:s0+$0x60] =	vst v0  }
.Ltmp0:
0xf: {  	[tilespmem:s0+$0x50] =	vst v0;
	(pc) =	sbr.rel @p0 .LBB2_1-.Ltmp0, $4  }
0x10: {  	[tilespmem:s0+$0x40] =	vst v0  }
0x11: {  	[tilespmem:s0+$0x30] =	vst v0  }
0x12: {  	[tilespmem:s0+$0x20] =	vst v0  }
0x13: {  	[tilespmem:s0+$0x10] =	vst v0  }
0x14: {  	s9 =	stileid.u32  }
0x15: {  	s2 =	smul.u32 $0xA6, s9  }
0x16: {  	s3 =	smin.u32 s9, $0xB  }
0x17: {  	s2 =	sadd.s32 s3, s2  }
0x18: {  	p0 =	slt.u32 s9, $0xB;
	s7 =	smul.u32 $0xF0, s2;
	s2 =	simm.s32 $0x9C90  }
0x19: {  	s2 =	simm.s32 @!p0 $0x9BA0  }
0x1a: {  	s2 =	sadd.s32 s2, s7  }
0x1b: {  	s8 =	smin.u32 s2, $0x9C400  }
0x1c: {  	s2 =	ssub.s32 s8, s7  }
0x1d: {  	p0 =	sgt.s32 s2, $0x0  }
0x1e: {  	s29 =	simm.s32 $0x2;
	s10 =	simm.s32 $0x9;
	s2 =	simm.s32 @!p0 $0x0  }
0x1f: {  	s4 =	simm.s32 $0xA;
	s11 =	simm.s32 $0xB;
	s28 =	smulhi.u32 $0x88888889, s2  }
0x20: {  	[dreg:$0x5] =	wrdreg s5;
	s31 =	smul.u32 $0x13880, s5;
	s12 =	simm.s32 $0x1  }
0x21: {  	s22 =	simm.s32 $0x0;
	s18 =	simm.s32 $0xC;
	s30 =	sshrl.u32 s28, $0x7  }
0x22: {  	s20 =	simm.s32 $0x0;
	s21 =	simm.s32 $0x0;
	s3 =	smul.u32 $0xF0, s30  }
.Ltmp1:
0x23: {  	[tilespmem:s0+$0x0] =	vst v0;
	v0 =	vimm.s32 $0xFFFFFFFF;
	[sflag:s29] =	ssyncpa.u1 $0x0;
	s16 =	sshll.u32 s9, $0x8;
	(pc) =	sbr.rel .LBB2_3-.Ltmp1, $4  }
0x24: {  	[tilespmem:$0xF208] =	vst v0;
	[sflag:s10] =	ssyncpa.u1 $0x0;
	p0 =	sne.s32 s2, s3;
	s2 =	simm.s32 $0x1  }
0x25: {  	s14 =	sadd.s32 s31, s14;
	[sflag:s4] =	ssyncpa.u1 $0x0;
	s2 =	simm.s32 @!p0 $0x0  }
0x26: {  	s15 =	sadd.s32 s31, s15;
	[sflag:s11] =	ssyncpa.u1 $0x0;
	s13 =	sadd.s32 s2, s30  }
0x27: {  	v0 =	vlaneseq.u32;
	s19 =	smov.u32 s7;
	p0 =	por $0x0, $0x0;
	s17 =	sadd.s32 $0x1, s13  }
.LBB2_18:
0x28: {  	s0 =	sshrl.u32 s31, $0x2  }
.LBB2_20:
0x29: {  	_ =	swait.ge [sflag:s18], s0  }
0x2a: {  	s31 =	ssub.s32 $0x0, s0;
	v1 =	vmov s24;
	vm0 =	veq.s32 v0, $0x0;
	[sflag:s18] =	ssyncset.done $0x0  }
0x2b: {  	vm15 =	veq.s32 v0, $0x2;
	v1 =	vsel vm0, s30, v1;
	[sflag:s18] =	ssyncadd.s32 s31  }
0x2c: {  	v1 =	vsel vm15, s22, v1;
	[sflag:s18] =	ssyncpa.u1 $0x1  }
0x2d: {  	[tilespmem:$0xF208] =	vst v1  }
.LBB2_21:
0x2e: {  	s0 =	sadd.s32 $0xF0, s19  }
0x2f: {  	s2 =	smov.u32 s7;
	p1 =	slt.s32 s0, s8  }
0x30: {  	s2 =	smov.u32 @p1 s0;
	p1 =	sne.s32 s21, s17  }
.Ltmp2:
0x31: {  	_ = 	snop;
	(pc) =	sbr.rel @!p1 .LBB2_22-.Ltmp2, $3  }
0x32: {  	_ =	sdelay $0x1  }
0x33: {  	s22 =	smov.u32 s20;
	s31 =	sadd.s32 $0x1, s21;
	s20 =	smov.u32 s19  }
0x34: {  	p0 =	por !p0, !p0;
	s21 =	smov.u32 s31;
	s19 =	smov.u32 s2  }
.LBB2_3:
0x35: {  	p1 =	sge.u32 s21, s13  }
0x36: {  	s0 =	smulhi.u32 @!p1 $0xAAAAAAAB, s21  }
0x37: {  	s2 =	smov.u32 s19;
	p2 =	sgt.s32 @!p1 s19, $0x9C310  }
0x38: {  	s3 =	sshra.s32 @!p1 s19, $0x1F;
	p2 =	por !p2, p1;
	s0 =	sshrl.u32 @!p1 s0, $0x1  }
0x39: {  	s3 =	sand.u32 @!p1 s3, s19;
	s2 =	simm.s32 @p2 $0x9C310;
	s0 =	smul.u32 @!p1 $0x3, s0  }
0x3a: {  	s2 =	ssub.s32 @!p1 s2, s3  }
0x3b: {  	s2 =	sadd.s32 @!p1 $0xFFF63CF0, s2;
	s0 =	ssub.s32 @!p1 s21, s0  }
0x3c: {  	s3 =	sshll.u32 @!p1 s2, $0x2;
	p2 =	sgt.s32 @!p1 s2, $0xEF;
	s0 =	smul.u32 @!p1 $0x3C0, s0  }
0x3d: {  	s4 =	sand.u32 @!p1 $0x7, s19;
	s2 =	ssub.s32 @!p1 $0x3C0, s3;
	p2 =	por !p2, p1  }
0x3e: {  	s3 =	sshrl.u32 @!p1 s19, $0x3;
	s2 =	sshrl.u32 @!p1 s2, $0x2;
	s0 =	sshrl.u32 @!p1 s0, $0x2  }
0x3f: {  	s3 =	sadd.s32 @!p1 s3, s14;
	s2 =	simm.s32 @!p2 $0x0;
	s0 =	sadd.s32 @!p1 $0x10248, s0  }
0x40: {  	[tilespmem:s0], [sflag:$0xA] =	stream.linear.gather @!p1 [hbm4b:s3+s4], s2, $0x38;
	[tilespmem:$0x1F6F8] =	vst v63  }
0x41: {  	s0 =	sadd.s32 $0xFFFFFFFF, s21  }
0x42: {  	p1 =	sge.u32 s0, s13  }
0x43: {  	p2 =	sgt.s32 @!p1 s20, $0x9C310  }
0x44: {  	s2 =	smov.u32 s20;
	s3 =	sshra.s32 @!p1 s20, $0x1F;
	p2 =	por !p2, p1  }
0x45: {  	s3 =	sand.u32 @!p1 s3, s20;
	s2 =	simm.s32 @p2 $0x9C310  }
0x46: {  	s2 =	ssub.s32 @!p1 s2, s3  }
0x47: {  	s2 =	sadd.s32 @!p1 $0xFFF63CF0, s2  }
0x48: {  	s4 =	sand.u32 @!p1 $0x1, s0;
	s3 =	sshll.u32 @!p1 s2, $0x2  }
0x49: {  	p2 =	sgt.s32 @!p1 s2, $0xEF;
	s2 =	ssub.s32 @!p1 $0x3C0, s3;
	s3 =	smulhi.u32 @!p1 $0xAAAAAAAB, s0  }
0x4a: {  	s23 =	smul.u32 @!p1 $0x3C0, s4;
	p2 =	por !p2, p1;
	s2 =	sshrl.u32 @!p1 s2, $0x2  }
0x4b: {  	s5 =	simm.s32 @!p1 $0xA;
	s2 =	simm.s32 @!p2 $0x0;
	s3 =	sshrl.u32 @!p1 s3, $0x1  }
0x4c: {  	s23 =	sshrl.u32 @!p1 s23, $0x2;
	_ =	swait.ge @!p1 [sflag:s5], s2;
	s3 =	smul.u32 @!p1 $0x3, s3  }
0x4d: {  	s23 =	sadd.s32 @!p1 $0x10518, s23;
	s24 =	ssub.s32 @!p1 $0x0, s2;
	[sflag:s5] =	ssyncset.done @!p1 $0x0  }
0x4e: {  	[sflag:s5] =	ssyncadd.s32 @!p1 s24;
	s5 =	sshrl.u32 @!p1 s20, $0x3;
	s0 =	ssub.s32 @!p1 s0, s3  }
0x4f: {  	s24 =	sand.u32 @!p1 $0x7, s20;
	s5 =	sadd.s32 @!p1 s5, s15;
	s0 =	smul.u32 @!p1 $0x3C0, s0  }
0x50: {  	[tilespmem:s23], [sflag:$0xB] =	stream.linear.gather @!p1 [hbm4b:s5+s24], s2, $0x38;
	[tilespmem:$0x1F6F8] =	vst v63  }
0x51: {  	s3 =	ssub.s32 @!p1 $0x9C400, s20;
	s2 =	smul.u32 @!p1 $0x1E000, s4  }
0x52: {  	p2 =	slt.s32 @!p1 s3, $0xF0  }
0x53: {  	p2 =	por !p2, p1;
	s0 =	sshrl.u32 @!p1 s0, $0x2;
	s2 =	sshrl.u32 @!p1 s2, $0x2  }
0x54: {  	s3 =	simm.s32 @p2 $0xF0;
	s0 =	sadd.s32 @!p1 $0x10248, s0;
	s2 =	sor.u32 @!p1 $0x106F8, s2  }
0x55: {  	[tilespmem:s2], [sflag:$0x9] =	stream.indirect.gather @!p1 [hbm4b:s6+s3], $0x80, s0, s3, $0xb8;
	[tilespmem:$0x1F6F8] =	vst v63  }
0x56: {  	p1 =	slt.u32 s21, $0x2  }
.Ltmp3:
0x57: {  	_ = 	snop;
	(pc) =	sbr.rel @p1 .LBB2_21-.Ltmp3, $1  }
0x58: {  	_ =	sdelay $0x3  }
0x59: {  	p1 =	sgt.s32 s22, $0x9C310  }
0x5a: {  	s0 =	smov.u32 s22;
	s2 =	sshra.s32 s22, $0x1F;
	s3 =	ssub.s32 $0x9C400, s22  }
0x5b: {  	s0 =	simm.s32 @!p1 $0x9C310;
	s2 =	sand.u32 s2, s22;
	p1 =	slt.s32 s3, $0xF0  }
0x5c: {  	s0 =	ssub.s32 s0, s2;
	s3 =	simm.s32 @!p1 $0xF0  }
0x5d: {  	s0 =	sadd.s32 $0xFFF63CF0, s0;
	s25 =	sshll.u32 s3, $0x7  }
0x5e: {  	s26 =	sshll.u32 s0, $0x2;
	s2 =	sand.u32 $0x3FFFFF80, s25  }
0x5f: {  	p1 =	sgt.s32 s0, $0xEF;
	s29 =	ssub.s32 $0x3C0, s26;
	_ =	swait.ge [sflag:s10], s2  }
0x60: {  	s2 =	ssub.s32 $0x0, s2;
	[sflag:s10] =	ssyncset.done $0x0;
	s0 =	sshrl.u32 s29, $0x2  }
0x61: {  	[sflag:s10] =	ssyncadd.s32 s2;
	s0 =	simm.s32 @p1 $0x0  }
0x62: {  	_ =	swait.ge [sflag:s11], s0  }
0x63: {  	s0 =	ssub.s32 $0x0, s0;
	[sflag:s11] =	ssyncset.done $0x0  }
0x64: {  	[sflag:s11] =	ssyncadd.s32 s0  }
0x65: {  	v1 =	vld [tilespmem:$0xF208];
	_ =	sdelay $0x4  }
0x66: {  	(v2sf) =	vpush v1, $0x0  }
0x67: {  	(v2sf) =	vpush v1, $0x1  }
0x68: {  	(v2sf) =	vpush v1, $0x2;
	_ =	sdelay $0x3  }
0x69: {  	s0 =	sadd.s32 $0xF0, s22  }
0x6a: {  	s2 =	ssub.s32 $0x138800, s22;
	p1 =	slt.s32 s8, s0  }
0x6b: {  	s0 =	smov.u32 @p1 s8;
	p1 =	sgt.s32 s2, $0x0  }
0x6c: {  	s26 =	ssub.s32 s0, s22;
	s2 =	simm.s32 @!p1 $0x0  }
0x6d: {  	p1 =	slt.s32 s2, s26  }
0x6e: {  	s26 =	smov.u32 @p1 s2  }
0x6f: {  	s25 =	simm.s32 $0x1;
	p1 =	slt.s32 s26, $0x1  }
.Ltmp4:
0x70: {  	s25 =	simm.s32 @!p0 $0x0;
	(pc) =	sbr.rel @p1 .LBB2_8-.Ltmp4, $4  }
0x71: {  	s31 =	smul.u32 $0x3C0, s25  }
0x72: {  	s28 =	spop (v2sf)  }
0x73: {  	s0 =	sshrl.u32 s31, $0x2;
	s30 =	spop (v2sf)  }
0x74: {  	s23 =	sadd.s32 $0x10518, s0;
	s22 =	spop (v2sf)  }
0x75: {  	s0 =	smin.u32 s26, $0x10  }
0x76: {  	v1 =	vmov s0  }
0x77: {  	p2 =	sgt.s32 s26, $0x10;
	vm1 =	vgt.u32 v1, v0  }
.Ltmp5:
0x78: {  	_ = 	snop;
	(pc) =	sbr.rel @!p2 .LBB2_7-.Ltmp5, $2  }
0x79: {  	_ =	sdelay $0x2  }
0x7a: {  	s4 =	simm.s32 $0x10;
	s24 =	sadd.s32 $0xFFFFFFF0, s26;
	s0 =	smov.u32 s23;
	vm0 =	vmmov vm1  }
.LBB2_6:
0x7b: {  	s2 =	smin.u32 s24, $0x10;
	s4 =	sadd.s32 $0x10, s4;
	v1 =	vld.msk [tilespmem:s0+$0x0 ss:$0x1], vm1  }
0x7c: {  	v2 =	vmov s2;
	p2 =	slt.s32 s4, s26  }
0x7d: {  	vm1 =	vgt.u32 v2, v0  }
.Ltmp6:
0x7e: {  	(pc) =	sbr.rel @p2 .LBB2_6-.Ltmp6, $3  }
0x7f: {  	_ =	sdelay $0x1  }
0x80: {  	v1 =	vshll.u32 v1, $0x4  }
0x81: {  	s24 =	sadd.s32 $0xFFFFFFF0, s24;
	[tilespmem:s0+$0x0] =	vst.msk vm0, v1;
	s0 =	sadd.s32 $0x10, s0;
	vm0 =	vmmov vm1  }
.LBB2_7:
0x82: {  	_ =	sdelay $0x4  }
0x83: {  	v1 =	vld.msk [tilespmem:s0+$0x0 ss:$0x1], vm1;
	_ =	sdelay $0x4  }
0x84: {  	v1 =	vshll.u32 v1, $0x4  }
0x85: {  	[tilespmem:s0+$0x0] =	vst.msk vm0, v1  }
.LBB2_8:
0x86: {  	s0 =	sand.u32 $0x1, s21  }
0x87: {  	s0 =	smul.u32 $0xF0, s0  }
0x88: {  	p2 =	sne.s32 s30, $0xFFFFFFFF  }
0x89: {  	v1 =	vld.msk @!p2 [tilespmem:s0+$0x10518], $0x1;
	_ =	sdelay $0x4  }
0x8a: {  	(v2sf) =	vpush @!p2 v1, $0x0;
	_ =	sdelay $0xc  }
.Ltmp7:
0x8b: {  	_ = 	snop;
	(pc) =	sbr.rel @p1 .LBB2_19-.Ltmp7, $4  }
0x8c: {  	_ = 	snop  }
0x8d: {  	s29 =	spop @!p2 (v2sf)  }
0x8e: {  	s22 =	simm.s32 @!p2 $0x0;
	s24 =	smov.u32 s29  }
0x8f: {  	[sflag:s18] =	ssyncpa.u1 $0x0;
	s29 =	smov.u32 @p2 s28;
	s24 =	smov.u32 @p2 s30  }
0x90: {  	v1 =	vld.msk [tilespmem:s23+$0x0], $0x1;
	_ =	sdelay $0x4  }
0x91: {  	(v2sf) =	vpush v1, $0x0;
	_ =	sdelay $0xe  }
0x92: {  	s2 =	smul.u32 $0x1E000, s25;
	s0 =	spop (v2sf)  }
0x93: {  	s26 =	ssub.s32 $0x0, s26;
	p1 =	seq.s32 s29, s0  }
0x94: {  	s30 =	sadd.s32 $0x1, s26;
	s2 =	sshrl.u32 s2, $0x2;
	p2 =	sgt.s32 @!p1 s29, $0x0  }
0x95: {  	s25 =	sor.u32 $0x10738, s2;
	s2 =	smov.u32 s29;
	p2 =	por !p2, p1  }
0x96: {  	s2 =	simm.s32 @p2 $0x0;
	p2 =	seq.s32 s30, $0x0  }
.Ltmp8:
0x97: {  	_ = 	snop;
	(pc) =	sbr.rel @p2 .LBB2_11-.Ltmp8, $4  }
0x98: {  	_ = 	snop  }
0x99: {  	s28 =	simm.s32 $0x0;
	s31 =	sadd.s32 $0x1, s23;
	s2 =	smin.u32 @!p1 s2, $0x9C3F0  }
0x9a: {  	s4 =	simm.s32 @!p1 $0x1;
	s5 =	simm.s32 @!p1 $0x7988;
	s3 =	sand.u32 @!p1 $0xFFFF8, s2  }
0x9b: {  	s4 =	smov.u32 @p1 s28;
	s2 =	sand.u32 @!p1 $0x7, s2;
	s3 =	sadd.s32 @!p1 s1, s3  }
.LBB2_10:
0x9c: {  	s9 =	smov.u32 s4  }
0x9d: {  	[tilespmem:s5], [sflag:$0x2] =	stream.linear.gather @!p1 [hbm4b:s3+s2], $0x80, $0x38;
	[tilespmem:$0x1F6F8] =	vst v63  }
0x9e: {  	s30 =	sadd.s32 $0x1, s30;
	s2 =	smov.u32 s0;
	v1 =	vld.msk [tilespmem:s31+$0x0], $0x1  }
0x9f: {  	p2 =	seq.s32 s30, $0x0;
	_ =	sdelay $0x3  }
0xa0: {  	(v2sf) =	vpush v1, $0x0;
	_ =	sdelay $0xe  }
0xa1: {  	s0 =	spop (v2sf)  }
0xa2: {  	p1 =	seq.s32 s2, s0  }
0xa3: {  	p3 =	sgt.s32 @!p1 s2, $0x0;
	s3 =	sshll.u32 @!p1 s4, $0x9;
	s4 =	sadd.s32 @!p1 $0x1, s4  }
.Ltmp9:
0xa4: {  	p3 =	por !p3, p1;
	s3 =	sshra.s32 @!p1 s3, $0x2;
	(pc) =	sbr.rel @!p2 .LBB2_10-.Ltmp9, $4  }
0xa5: {  	s4 =	smov.u32 @p1 s9;
	s2 =	simm.s32 @p3 $0x0;
	s5 =	sadd.s32 @!p1 $0x7988, s3  }
0xa6: {  	s2 =	smin.u32 @!p1 s2, $0x9C3F0  }
0xa7: {  	s3 =	sand.u32 @!p1 $0xFFFF8, s2;
	s2 =	sand.u32 @!p1 $0x7, s2  }
0xa8: {  	s31 =	sadd.s32 $0x1, s31;
	s3 =	sadd.s32 @!p1 s1, s3  }
.LBB2_11:
0xa9: {  	[tilespmem:s5], [sflag:$0x2] =	stream.linear.gather @!p1 [hbm4b:s3+s2], $0x80, $0x38;
	[tilespmem:$0x1F6F8] =	vst v63  }
.Ltmp10:
0xaa: {  	s0 =	sshll.u32 s4, $0x7;
	(pc) =	sbr.rel .LBB2_12-.Ltmp10, $4  }
0xab: {  	s30 =	simm.s32 $0x2;
	s0 =	sand.u32 $0x3FFFFF80, s0  }
0xac: {  	_ =	swait.ge [sflag:s30], s0  }
0xad: {  	s0 =	ssub.s32 $0x0, s0;
	[sflag:s30] =	ssyncset.done $0x0  }
0xae: {  	s31 =	simm.s32 $0x0;
	[sflag:s30] =	ssyncadd.s32 s0  }
.LBB2_13:
0xaf: {  	v1 =	vld [tilespmem:s25+$0xFFFFFFC0];
	_ =	sdelay $0x3  }
0xb0: {  	s0 =	sshra.s32 s0, $0x2  }
0xb1: {  	[tilespmem:s0+$0x108] =	vst.add.f32.msk $0xffff, v1  }
0xb2: {  	v1 =	vld [tilespmem:s25+$0xFFFFFFD0];
	_ =	sdelay $0x4  }
0xb3: {  	[tilespmem:s0+$0x118] =	vst.add.f32.msk $0xffff, v1  }
0xb4: {  	v1 =	vld [tilespmem:s25+$0xFFFFFFE0];
	_ =	sdelay $0x4  }
0xb5: {  	[tilespmem:s0+$0x128] =	vst.add.f32.msk $0xffff, v1  }
0xb6: {  	v1 =	vld [tilespmem:s25+$0xFFFFFFF0];
	_ =	sdelay $0x4  }
0xb7: {  	[tilespmem:s0+$0x138] =	vst.add.f32.msk $0xffff, v1  }
0xb8: {  	v1 =	vld [tilespmem:s25+$0x0];
	_ =	sdelay $0x4  }
0xb9: {  	[tilespmem:s0+$0x148] =	vst.add.f32.msk $0xffff, v1  }
0xba: {  	v1 =	vld [tilespmem:s25+$0x10];
	_ =	sdelay $0x4  }
0xbb: {  	[tilespmem:s0+$0x158] =	vst.add.f32.msk $0xffff, v1  }
0xbc: {  	v1 =	vld [tilespmem:s25+$0x20];
	_ =	sdelay $0x4  }
0xbd: {  	[tilespmem:s0+$0x168] =	vst.add.f32.msk $0xffff, v1  }
0xbe: {  	v1 =	vld [tilespmem:s25+$0x30];
	_ =	sdelay $0x4  }
0xbf: {  	[tilespmem:s0+$0x178] =	vst.add.f32.msk $0xffff, v1  }
.LBB2_17:
0xc0: {  	s26 =	sadd.s32 $0x1, s26  }
0xc1: {  	p1 =	seq.s32 s26, $0x0  }
.Ltmp11:
0xc2: {  	_ = 	snop;
	(pc) =	sbr.rel @p1 .LBB2_18-.Ltmp11, $2  }
0xc3: {  	_ =	sdelay $0x2  }
0xc4: {  	s23 =	sadd.s32 $0x1, s23;
	s25 =	sadd.s32 $0x80, s25;
	s29 =	smov.u32 s30  }
.LBB2_12:
0xc5: {  	v1 =	vld.msk [tilespmem:s23+$0x0], $0x1;
	_ =	sdelay $0x4  }
0xc6: {  	(v2sf) =	vpush v1, $0x0;
	_ =	sdelay $0xe  }
0xc7: {  	s30 =	spop (v2sf)  }
0xc8: {  	p1 =	sne.s32 s29, s30  }
.Ltmp12:
0xc9: {  	_ = 	snop;
	(pc) =	sbr.rel @!p1 .LBB2_13-.Ltmp12, $2  }
0xca: {  	_ =	sdelay $0x2  }
0xcb: {  	s0 =	sshll.u32 s22, $0x9  }
0xcc: {  	p1 =	seq.s32 s29, s24  }
.Ltmp13:
0xcd: {  	_ = 	snop;
	(pc) =	sbr.rel @!p1 .LBB2_15-.Ltmp13, $1  }
0xce: {  	_ =	sdelay $0x3  }
0xcf: {  	s0 =	sshra.s32 s0, $0x2  }
.Ltmp14:
0xd0: {  	s0 =	sadd.s32 $0x108, s0;
	(pc) =	sbr.rel .LBB2_16-.Ltmp14, $4  }
0xd1: {  	[spmem:s16] =	stream.linear.scatter [tilespmem:s0], [sflag:$0x1], $0x80, $0x38;
	[tilespmem:$0x1F6F8] =	vst v63  }
0xd2: {  	_ =	swait.ge [sflag:s12], $0x80  }
0xd3: {  	[sflag:s12] =	ssyncset.done $0x0  }
0xd4: {  	[sflag:s12] =	ssyncadd.s32 $0xFFFFFF80  }
.LBB2_15:
0xd5: {  	s2 =	sshll.u32 s28, $0x9  }
0xd6: {  	s2 =	sshra.s32 s2, $0x2  }
0xd7: {  	v1 =	vld [tilespmem:s2+$0x7988];
	_ =	sdelay $0x3  }
0xd8: {  	s0 =	sshra.s32 s0, $0x2  }
0xd9: {  	[tilespmem:s0+$0x108] =	vst.add.f32.msk $0xffff, v1  }
0xda: {  	v1 =	vld [tilespmem:s2+$0x7998];
	_ =	sdelay $0x4  }
0xdb: {  	[tilespmem:s0+$0x118] =	vst.add.f32.msk $0xffff, v1  }
0xdc: {  	v1 =	vld [tilespmem:s2+$0x79A8];
	_ =	sdelay $0x4  }
0xdd: {  	[tilespmem:s0+$0x128] =	vst.add.f32.msk $0xffff, v1  }
0xde: {  	v1 =	vld [tilespmem:s2+$0x79B8];
	_ =	sdelay $0x4  }
0xdf: {  	[tilespmem:s0+$0x138] =	vst.add.f32.msk $0xffff, v1  }
0xe0: {  	v1 =	vld [tilespmem:s2+$0x79C8];
	_ =	sdelay $0x4  }
0xe1: {  	[tilespmem:s0+$0x148] =	vst.add.f32.msk $0xffff, v1  }
0xe2: {  	v1 =	vld [tilespmem:s2+$0x79D8];
	_ =	sdelay $0x4  }
0xe3: {  	[tilespmem:s0+$0x158] =	vst.add.f32.msk $0xffff, v1  }
0xe4: {  	v1 =	vld [tilespmem:s2+$0x79E8];
	_ =	sdelay $0x4  }
0xe5: {  	[tilespmem:s0+$0x168] =	vst.add.f32.msk $0xffff, v1  }
0xe6: {  	v1 =	vld [tilespmem:s2+$0x79F8];
	_ =	sdelay $0x2  }
0xe7: {  	p1 =	sgt.u32 s29, $0x9C3F0  }
0xe8: {  	s2 =	sand.u32 @!p1 $0xFFFF8, s29  }
0xe9: {  	s3 =	sadd.s32 $0x108, s0;
	[tilespmem:s0+$0x178] =	vst.add.f32.msk $0xffff, v1;
	s0 =	sadd.s32 @!p1 s1, s2;
	s2 =	sand.u32 @!p1 $0x7, s29  }
0xea: {  	[hbm4b:s0+s2] =	stream.linear.scatter @!p1 [tilespmem:s3], [sflag:$0xC], $0x80, $0x38;
	[tilespmem:$0x1F6F8] =	vst v63  }
0xeb: {  	s0 =	simm.s32 $0x0  }
0xec: {  	s0 =	simm.s32 @!p1 $0x200  }
0xed: {  	s31 =	sadd.s32 s0, s31  }
.LBB2_16:
0xee: {  	s0 =	sadd.s32 $0x1, s22  }
0xef: {  	s2 =	smulhi.u32 $0x88888889, s0;
	_ =	sdelay $0x1  }
0xf0: {  	v1 =	vld [tilespmem:s25+$0xFFFFFFC0];
	s2 =	sshrl.u32 s2, $0x7  }
0xf1: {  	s2 =	smul.u32 $0xF0, s2;
	_ =	sdelay $0x1  }
0xf2: {  	s22 =	ssub.s32 s0, s2  }
0xf3: {  	s0 =	sshll.u32 s22, $0x7  }
0xf4: {  	[tilespmem:s0+$0x108] =	vst v1  }
0xf5: {  	v1 =	vld [tilespmem:s25+$0xFFFFFFD0];
	_ =	sdelay $0x4  }
0xf6: {  	[tilespmem:s0+$0x118] =	vst v1  }
0xf7: {  	v1 =	vld [tilespmem:s25+$0xFFFFFFE0];
	_ =	sdelay $0x4  }
0xf8: {  	[tilespmem:s0+$0x128] =	vst v1  }
0xf9: {  	v1 =	vld [tilespmem:s25+$0xFFFFFFF0];
	_ =	sdelay $0x4  }
0xfa: {  	[tilespmem:s0+$0x138] =	vst v1  }
0xfb: {  	v1 =	vld [tilespmem:s25+$0x0];
	_ =	sdelay $0x4  }
0xfc: {  	[tilespmem:s0+$0x148] =	vst v1  }
0xfd: {  	v1 =	vld [tilespmem:s25+$0x10];
	_ =	sdelay $0x4  }
0xfe: {  	[tilespmem:s0+$0x158] =	vst v1  }
0xff: {  	v1 =	vld [tilespmem:s25+$0x20];
	_ =	sdelay $0x4  }
0x100: {  	[tilespmem:s0+$0x168] =	vst v1  }
0x101: {  	v1 =	vld [tilespmem:s25+$0x30]  }
.Ltmp15:
0x102: {  	_ = 	snop;
	(pc) =	sbr.rel .LBB2_17-.Ltmp15, $2  }
0x103: {  	_ =	sdelay $0x2  }
0x104: {  	s28 =	sadd.s32 $0x1, s28;
	[tilespmem:s0+$0x178] =	vst v1  }
.LBB2_19:
.Ltmp16:
0x105: {  	(pc) =	sbr.rel .LBB2_20-.Ltmp16, $4  }
0x106: {  	_ = 	snop  }
0x107: {  	s0 =	simm.s32 $0x2  }
0x108: {  	_ =	swait.ge [sflag:s0], $0x0  }
0x109: {  	s30 =	smov.u32 s29;
	[sflag:s0] =	ssyncset.done $0x0;
	s0 =	simm.s32 $0x0  }
.LBB2_22:
0x10a: {  	_ =	sfence.sel $0x180000  }
0x10b: {  	s0 =	simm.s32 $0x9;
	[bflag:$0x0] =	sbarrier.arrive $0xFFFF  }
0x10c: {  	s24 =	simm.s32 $0xA;
	[sflag:s0] =	ssyncpa.u1 $0x1  }
0x10d: {  	s25 =	simm.s32 $0xB;
	[sflag:s24] =	ssyncpa.u1 $0x1  }
0x10e: {  	s26 =	simm.s32 $0x2;
	[sflag:s25] =	ssyncpa.u1 $0x1  }
0x10f: {  	[sflag:s26] =	ssyncpa.u1 $0x1  }
0x110: {  	v0 =	vld [tilespmem:$0xF208];
	_ =	sdelay $0x4  }
0x111: {  	(v2sf) =	vpush v0, $0x0  }
0x112: {  	(v2sf) =	vpush v0, $0x1;
	_ =	sdelay $0x1  }
0x113: {  	(v2sf) =	vpush v0, $0x2;
	_ =	sdelay $0xb  }
0x114: {  	s0 =	spop (v2sf)  }
0x115: {  	s2 =	spop (v2sf)  }
0x116: {  	s3 =	smov.u32 s0;
	p0 =	sne.s32 s0, s2  }
0x117: {  	s4 =	spop (v2sf);
	s3 =	simm.s32 @!p0 $0xFFFFFFFF  }
0x118: {  	v2 =	vimm.s32 $0x1;
	v3 =	vlaneseq.u32;
	p0 =	seq.s32 s4, $0xFFFFFFFF;
	v1 =	vmov s3  }
0x119: {  	s16 =	stileid.u32;
	v0 =	vperm.xlane v0, v2;
	p1 =	sne.s32 @!p0 s0, s2;
	v1 =	vperm.xlane v1, v3  }
0x11a: {  	vm0 =	vcmask $0x3F04;
	s6 =	simm.s32 $0xF208;
	s0 =	simm.s32 @!p0 $0x1;
	p1 =	por !p1, p0  }
0x11b: {  	s3 =	sshll.u32 s16, $0x1;
	s2 =	sshll.u32 @!p0 s4, $0x9;
	s0 =	simm.s32 @p1 $0x0;
	v0 =	vsel vm0, v1, v0  }
0x11c: {  	s5 =	sor.u32 $0x1000, s3;
	s2 =	sshra.s32 @!p0 s2, $0x2;
	s0 =	sor.u32 @!p0 s0, s3;
	[tilespmem:$0xF208] =	vst v0  }
0x11d: {  	[spmem:s5] =	stream.linear.scatter [tilespmem:s6], [sflag:$0x1], $0x2, $0x38;
	[tilespmem:$0x1F6F8] =	vst v63  }
0x11e: {  	s2 =	sadd.s32 @!p0 $0x108, s2;
	s0 =	sshll.u32 @!p0 s0, $0x7  }
0x11f: {  	[spmem:s0] =	stream.linear.scatter @!p0 [tilespmem:s2], [sflag:$0x1], $0x80, $0x38;
	[tilespmem:$0x1F6F8] =	vst v63  }
0x120: {  	s0 =	simm.s32 @!p0 $0x82  }
0x121: {  	s28 =	simm.s32 $0x1;
	s0 =	simm.s32 @p0 $0x2  }
0x122: {  	_ =	swait.ge [sflag:s28], s0  }
0x123: {  	s0 =	ssub.s32 $0x0, s0;
	[sflag:s28] =	ssyncset.done $0x0  }
0x124: {  	p0 =	sne.s32 s16, $0x0;
	[sflag:s28] =	ssyncadd.s32 s0  }
.Ltmp17:
0x125: {  	_ =	sfence.stream.spmem;
	(pc) =	sbr.rel @p0 .LBB2_39-.Ltmp17, $4  }
0x126: {  	s29 =	simm.s32 $0x3;
	[bflag:$0x0] =	sbarrier.arrive $0xFFFF  }
0x127: {  	s30 =	simm.s32 $0x4;
	[sflag:s29] =	ssyncpa.u1 $0x1  }
0x128: {  	s31 =	simm.s32 $0x3C;
	[sflag:s30] =	ssyncpa.u1 $0x1  }
0x129: {  	s15 =	rddreg [dreg:$0x5];
	[sflag:s31] =	ssyncpa.u1 $0x1  }
0x12a: {  	_ =	sfence.stream.spmem;
	s0 =	simm.s32 $0x5  }
0x12b: {  	s2 =	simm.s32 $0x1000;
	s3 =	simm.s32 $0xF218;
	[sflag:s0] =	ssyncpa.u1 $0x0  }
0x12c: {  	[tilespmem:s3], [sflag:$0x5] =	stream.linear.gather [spmem:s2], $0x20, $0x38;
	[tilespmem:$0x1F6F8] =	vst v63  }
0x12d: {  	s26 =	simm.s32 $0x0;
	s28 =	simm.s32 $0xF238  }
0x12e: {  	[tilespmem:s28], [sflag:$0x5] =	stream.linear.gather [spmem:s26], $0x1000, $0x38;
	[tilespmem:$0x1F6F8] =	vst v63  }
0x12f: {  	_ =	swait.ge [sflag:s0], $0x1020  }
0x130: {  	[sflag:s0] =	ssyncset.done $0x0  }
0x131: {  	s29 =	simm.s32 $0x0;
	[sflag:s0] =	ssyncadd.s32 $0xFFFFEFE0  }
0x132: {  	v0 =	vld.msk [tilespmem:s29+$0xF218], $0x1;
	_ =	sdelay $0x1  }
0x133: {  	s30 =	simm.s32 $0x1  }
0x134: {  	v1 =	vld.msk [tilespmem:s30+$0xF218], $0x1;
	_ =	sdelay $0x1  }
0x135: {  	(v2sf) =	vpush v0, $0x0;
	_ =	sdelay $0x2  }
0x136: {  	(v2sf) =	vpush v1, $0x0;
	_ =	sdelay $0x2  }
0x137: {  	s31 =	simm.s32 $0x2  }
0x138: {  	v0 =	vld.msk [tilespmem:s31+$0xF218], $0x1;
	_ =	sdelay $0x2  }
0x139: {  	s4 =	simm.s32 $0xFFFFFFFF;
	s5 =	simm.s32 $0xFFFFFFFF;
	s0 =	simm.s32 $0xC  }
.LBB2_24:
0x13a: {  	s2 =	smov.u32 s5;
	s3 =	smov.u32 s4  }
0x13b: {  	s4 =	sshra.s32 s0, $0x2;
	p1 =	sne.s32 s0, $0x7C;
	s0 =	sadd.s32 $0x4, s0;
	(v2sf) =	vpush v0, $0x0  }
0x13c: {  	v0 =	vld.msk [tilespmem:s4+$0xF218], $0x1  }
.Ltmp18:
0x13d: {  	(pc) =	sbr.rel @p1 .LBB2_24-.Ltmp18, $4  }
0x13e: {  	s5 =	spop (v2sf)  }
0x13f: {  	p2 =	sne.s32 s3, $0xFFFFFFFF;
	s4 =	smov.u32 s5  }
0x140: {  	p3 =	seq.s32 s5, $0xFFFFFFFF;
	s4 =	smov.u32 @p2 s3  }
0x141: {  	s5 =	smov.u32 @p3 s2;
	s4 =	smov.u32 @p3 s3  }
0x142: {  	(v2sf) =	vpush v0, $0x0;
	_ =	sdelay $0x8  }
0x143: {  	s0 =	spop (v2sf)  }
0x144: {  	p1 =	sne.s32 s4, $0xFFFFFFFF;
	s2 =	smov.u32 s0  }
0x145: {  	s9 =	simm.s32 $0x6;
	p2 =	seq.s32 s0, $0xFFFFFFFF;
	s2 =	smov.u32 @p1 s4  }
0x146: {  	s6 =	simm.s32 $0x0;
	s2 =	smov.u32 @p2 s4;
	s3 =	spop (v2sf)  }
0x147: {  	s0 =	smov.u32 @p2 s5;
	p1 =	sne.s32 s2, $0xFFFFFFFF;
	s4 =	smov.u32 s3  }
.Ltmp19:
0x148: {  	p2 =	seq.s32 s3, $0xFFFFFFFF;
	s4 =	smov.u32 @p1 s2;
	(pc) =	sbr.rel .LBB2_26-.Ltmp19, $4  }
0x149: {  	s10 =	simm.s32 $0xF188;
	s4 =	smov.u32 @p2 s2;
	s7 =	spop (v2sf)  }
0x14a: {  	s11 =	simm.s32 $0x0;
	p1 =	sne.s32 s4, $0xFFFFFFFF;
	s8 =	smov.u32 s7  }
0x14b: {  	s3 =	smov.u32 @p2 s0;
	p2 =	seq.s32 s7, $0xFFFFFFFF;
	s8 =	smov.u32 @p1 s4  }
0x14c: {  	[sflag:s9] =	ssyncpa.u1 $0x0;
	s7 =	smov.u32 @p2 s3;
	s8 =	smov.u32 @p2 s4  }
.LBB2_32:
0x14d: {  	p1 =	sgt.u32 s12, $0x9C3F0  }
0x14e: {  	p2 =	seq.s32 @!p1 s12, s8  }
0x14f: {  	p1 =	por p1, p2  }
0x150: {  	p2 =	sne.s32 @!p1 s12, s7  }
0x151: {  	p1 =	por p1, !p2  }
0x152: {  	s0 =	sshll.u32 @p1 s11, $0x9  }
0x153: {  	s0 =	sand.u32 @!p1 $0xFFFF8, s12  }
0x154: {  	s2 =	sand.u32 @!p1 $0x7, s12;
	s0 =	sadd.s32 @!p1 s1, s0  }
0x155: {  	[tilespmem:s10], [sflag:$0x6] =	stream.linear.gather @!p1 [hbm4b:s0+s2], $0x80, $0x38;
	[tilespmem:$0x1F6F8] =	vst v63  }
0x156: {  	_ =	swait.ge @!p1 [sflag:s9], $0x80  }
0x157: {  	[sflag:s9] =	ssyncset.done @!p1 $0x0  }
0x158: {  	[sflag:s9] =	ssyncadd.s32 @!p1 $0xFFFFFF80  }
0x159: {  	v1 =	vld @!p1 [tilespmem:$0xF188];
	_ =	sdelay $0x2  }
0x15a: {  	s0 =	sshll.u32 @!p1 s11, $0x9  }
0x15b: {  	s2 =	sshrl.u32 @!p1 s0, $0x2  }
0x15c: {  	[tilespmem:s2+$0xF238] =	vst.add.f32.msk @!p1 $0xffff, v1  }
0x15d: {  	v1 =	vld @!p1 [tilespmem:$0xF198];
	_ =	sdelay $0x4  }
0x15e: {  	[tilespmem:s2+$0xF248] =	vst.add.f32.msk @!p1 $0xffff, v1  }
0x15f: {  	v1 =	vld @!p1 [tilespmem:$0xF1A8];
	_ =	sdelay $0x4  }
0x160: {  	[tilespmem:s2+$0xF258] =	vst.add.f32.msk @!p1 $0xffff, v1  }
0x161: {  	v1 =	vld @!p1 [tilespmem:$0xF1B8];
	_ =	sdelay $0x4  }
0x162: {  	[tilespmem:s2+$0xF268] =	vst.add.f32.msk @!p1 $0xffff, v1  }
0x163: {  	v1 =	vld @!p1 [tilespmem:$0xF1C8];
	_ =	sdelay $0x4  }
0x164: {  	[tilespmem:s2+$0xF278] =	vst.add.f32.msk @!p1 $0xffff, v1  }
0x165: {  	v1 =	vld @!p1 [tilespmem:$0xF1D8];
	_ =	sdelay $0x4  }
0x166: {  	[tilespmem:s2+$0xF288] =	vst.add.f32.msk @!p1 $0xffff, v1  }
0x167: {  	v1 =	vld @!p1 [tilespmem:$0xF1E8];
	_ =	sdelay $0x4  }
0x168: {  	[tilespmem:s2+$0xF298] =	vst.add.f32.msk @!p1 $0xffff, v1  }
0x169: {  	v1 =	vld @!p1 [tilespmem:$0xF1F8];
	_ =	sdelay $0x4  }
0x16a: {  	[tilespmem:s2+$0xF2A8] =	vst.add.f32.msk @!p1 $0xffff, v1  }
0x16b: {  	s0 =	sshrl.u32 s0, $0x2;
	[tilespmem:s6+$0xF218] =	vst.msk $0x1, v0  }
0x16c: {  	v0 =	vld [tilespmem:s0+$0xF238];
	_ =	sdelay $0x2  }
0x16d: {  	s31 =	sshll.u32 s6, $0x9  }
0x16e: {  	s2 =	sshra.s32 s31, $0x2  }
0x16f: {  	[tilespmem:s2+$0xF238] =	vst v0  }
0x170: {  	v0 =	vld [tilespmem:s0+$0xF248];
	_ =	sdelay $0x4  }
0x171: {  	[tilespmem:s2+$0xF248] =	vst v0  }
0x172: {  	v0 =	vld [tilespmem:s0+$0xF258];
	_ =	sdelay $0x4  }
0x173: {  	[tilespmem:s2+$0xF258] =	vst v0  }
0x174: {  	v0 =	vld [tilespmem:s0+$0xF268];
	_ =	sdelay $0x4  }
0x175: {  	[tilespmem:s2+$0xF268] =	vst v0  }
0x176: {  	v0 =	vld [tilespmem:s0+$0xF278];
	_ =	sdelay $0x4  }
0x177: {  	[tilespmem:s2+$0xF278] =	vst v0  }
0x178: {  	v0 =	vld [tilespmem:s0+$0xF288];
	_ =	sdelay $0x4  }
0x179: {  	[tilespmem:s2+$0xF288] =	vst v0  }
0x17a: {  	v0 =	vld [tilespmem:s0+$0xF298];
	_ =	sdelay $0x4  }
0x17b: {  	[tilespmem:s2+$0xF298] =	vst v0  }
0x17c: {  	v0 =	vld [tilespmem:s0+$0xF2A8];
	_ =	sdelay $0x4  }
0x17d: {  	s6 =	sadd.s32 $0x1, s6;
	[tilespmem:s2+$0xF2A8] =	vst v0  }
.LBB2_33:
0x17e: {  	s11 =	sadd.s32 $0x1, s11  }
0x17f: {  	p1 =	sne.s32 s11, $0x20  }
.Ltmp20:
0x180: {  	_ = 	snop;
	(pc) =	sbr.rel @!p1 .LBB2_34-.Ltmp20, $1  }
0x181: {  	_ =	sdelay $0x3  }
.LBB2_26:
0x182: {  	v0 =	vld.msk [tilespmem:s11+$0xF218], $0x1;
	_ =	sdelay $0x4  }
0x183: {  	(v2sf) =	vpush v0, $0x0;
	_ =	sdelay $0xe  }
0x184: {  	s12 =	spop (v2sf)  }
0x185: {  	p1 =	seq.s32 s12, $0xFFFFFFFF  }
.Ltmp21:
0x186: {  	_ = 	snop;
	(pc) =	sbr.rel @p1 .LBB2_33-.Ltmp21, $1  }
0x187: {  	_ =	sdelay $0x3  }
0x188: {  	p1 =	slt.s32 s6, $0x1  }
.Ltmp22:
0x189: {  	_ = 	snop;
	(pc) =	sbr.rel @p1 .LBB2_32-.Ltmp22, $1  }
0x18a: {  	_ =	sdelay $0x3  }
0x18b: {  	s13 =	simm.s32 $0xF218;
	p1 =	por $0x0, $0x0  }
0x18c: {  	v1 =	vld.msk @!p1 [tilespmem:s13+$0x0], $0x1;
	_ =	sdelay $0x4  }
0x18d: {  	(v2sf) =	vpush @!p1 v1, $0x0;
	_ =	sdelay $0xd  }
0x18e: {  	p3 =	sne.s32 s6, $0x1  }
.Ltmp23:
0x18f: {  	s0 =	spop @!p1 (v2sf);
	(pc) =	sbr.rel @!p3 .LBB2_30-.Ltmp23, $4  }
0x190: {  	p2 =	seq.s32 @!p1 s12, s0  }
0x191: {  	s14 =	simm.s32 $0x0;
	p2 =	por !p2, p1  }
0x192: {  	s2 =	simm.s32 $0xFFFFFFFF;
	s14 =	simm.s32 @p2 $0xFFFFFFFF  }
0x193: {  	s0 =	simm.s32 $0x1;
	s14 =	smov.u32 @p1 s2  }
.LBB2_29:
0x194: {  	s2 =	smov.u32 s14;
	p1 =	sne.s32 s14, $0xFFFFFFFF  }
0x195: {  	s13 =	sadd.s32 $0x1, s13;
	s14 =	smov.u32 s0;
	s0 =	sadd.s32 $0x1, s0  }
0x196: {  	p2 =	sne.s32 s6, s0;
	v1 =	vld.msk @!p1 [tilespmem:s13+$0x0], $0x1;
	_ =	sdelay $0x4  }
0x197: {  	(v2sf) =	vpush @!p1 v1, $0x0;
	_ =	sdelay $0xe  }
.Ltmp24:
0x198: {  	s3 =	spop @!p1 (v2sf);
	(pc) =	sbr.rel @p2 .LBB2_29-.Ltmp24, $4  }
0x199: {  	p3 =	seq.s32 @!p1 s12, s3  }
0x19a: {  	p3 =	por !p3, p1  }
0x19b: {  	s14 =	simm.s32 @p3 $0xFFFFFFFF  }
0x19c: {  	s14 =	smov.u32 @p1 s2  }
.LBB2_30:
0x19d: {  	p1 =	seq.s32 s14, $0xFFFFFFFF  }
.Ltmp25:
0x19e: {  	_ = 	snop;
	(pc) =	sbr.rel @p1 .LBB2_32-.Ltmp25, $1  }
0x19f: {  	_ =	sdelay $0x3  }
0x1a0: {  	s0 =	sshll.u32 s11, $0x7  }
0x1a1: {  	s0 =	sand.u32 $0x3FFFFF80, s0  }
0x1a2: {  	v0 =	vld [tilespmem:s0+$0xF238];
	_ =	sdelay $0x2  }
0x1a3: {  	s2 =	sshll.u32 s14, $0x9  }
0x1a4: {  	s2 =	sshra.s32 s2, $0x2  }
0x1a5: {  	[tilespmem:s2+$0xF238] =	vst.add.f32.msk $0xffff, v0  }
0x1a6: {  	v0 =	vld [tilespmem:s0+$0xF248];
	_ =	sdelay $0x4  }
0x1a7: {  	[tilespmem:s2+$0xF248] =	vst.add.f32.msk $0xffff, v0  }
0x1a8: {  	v0 =	vld [tilespmem:s0+$0xF258];
	_ =	sdelay $0x4  }
0x1a9: {  	[tilespmem:s2+$0xF258] =	vst.add.f32.msk $0xffff, v0  }
0x1aa: {  	v0 =	vld [tilespmem:s0+$0xF268];
	_ =	sdelay $0x4  }
0x1ab: {  	[tilespmem:s2+$0xF268] =	vst.add.f32.msk $0xffff, v0  }
0x1ac: {  	v0 =	vld [tilespmem:s0+$0xF278];
	_ =	sdelay $0x4  }
0x1ad: {  	[tilespmem:s2+$0xF278] =	vst.add.f32.msk $0xffff, v0  }
0x1ae: {  	v0 =	vld [tilespmem:s0+$0xF288];
	_ =	sdelay $0x4  }
0x1af: {  	[tilespmem:s2+$0xF288] =	vst.add.f32.msk $0xffff, v0  }
0x1b0: {  	v0 =	vld [tilespmem:s0+$0xF298];
	_ =	sdelay $0x4  }
0x1b1: {  	[tilespmem:s2+$0xF298] =	vst.add.f32.msk $0xffff, v0  }
0x1b2: {  	v0 =	vld [tilespmem:s0+$0xF2A8]  }
.Ltmp26:
0x1b3: {  	_ = 	snop;
	(pc) =	sbr.rel .LBB2_33-.Ltmp26, $2  }
0x1b4: {  	_ =	sdelay $0x2  }
0x1b5: {  	[tilespmem:s2+$0xF2A8] =	vst.add.f32.msk $0xffff, v0  }
.LBB2_34:
0x1b6: {  	s0 =	simm.s32 $0x6;
	p1 =	seq.s32 s6, $0x0  }
0x1b7: {  	[sflag:s0] =	ssyncpa.u1 $0x1;
	v0 =	vimm.s32 @p1 $0xFFFFFFFF  }
0x1b8: {  	s9 =	sadd.s32 $0xFFFFFFFF, s6;
	[tilespmem:$0x10238] =	vst @p1 v0  }
0x1b9: {  	v0 =	vld.msk @!p1 [tilespmem:s9+$0xF218], $0x1;
	_ =	sdelay $0x1  }
0x1ba: {  	v1 =	vld.msk @!p1 [tilespmem:$0xF218], $0x1;
	_ =	sdelay $0x2  }
0x1bb: {  	p2 =	seq.s32 @!p1 s9, $0x0;
	v0 =	vbroadcast @!p1 v0, $0x0  }
0x1bc: {  	vm0 =	vmmov @!p1 $0x1;
	p2 =	por !p2, p1  }
0x1bd: {  	v1 =	vnsel @!p1 vm0, $0xFFFFFFFF, v1;
	vm0 =	vcmask @!p1 $0x308;
	v0 =	vpsel !p2, $0xFFFFFFFF, v0  }
0x1be: {  	p2 =	sne.s32 @!p1 s8, s7;
	v0 =	vsel @!p1 vm0, v1, v0  }
0x1bf: {  	s0 =	simm.s32 @!p1 $0xF238;
	s2 =	simm.s32 @!p1 $0x0;
	p3 =	por !p2, p1;
	[tilespmem:$0x10238] =	vst @!p1 v0  }
0x1c0: {  	[spmem:s2] =	stream.linear.scatter @!p1 [tilespmem:s0], [sflag:$0x1], $0x80, $0x38;
	[tilespmem:$0x1F6F8] =	vst v63  }
0x1c1: {  	s0 =	sshll.u32 @!p3 s9, $0x9  }
0x1c2: {  	s0 =	sshra.s32 @!p3 s0, $0x2  }
0x1c3: {  	s2 =	simm.s32 @!p3 $0x80;
	s0 =	sadd.s32 @!p3 $0xF238, s0  }
0x1c4: {  	[spmem:s2] =	stream.linear.scatter @!p3 [tilespmem:s0], [sflag:$0x1], $0x80, $0x38;
	[tilespmem:$0x1F6F8] =	vst v63  }
0x1c5: {  	s0 =	simm.s32 @!p3 $0x1  }
0x1c6: {  	_ =	swait.ge @!p3 [sflag:s0], $0x100  }
0x1c7: {  	p1 =	por p2, p1;
	[sflag:s0] =	ssyncset.done @!p3 $0x0  }
0x1c8: {  	[sflag:s0] =	ssyncadd.s32 @!p3 $0xFFFFFF00;
	s0 =	simm.s32 @!p1 $0x1  }
0x1c9: {  	_ =	swait.ge @!p1 [sflag:s0], $0x80  }
0x1ca: {  	s29 =	simm.s32 $0x10238;
	[sflag:s0] =	ssyncset.done @!p1 $0x0  }
0x1cb: {  	s30 =	simm.s32 $0x1000;
	s31 =	simm.s32 $0x1;
	[sflag:s0] =	ssyncadd.s32 @!p1 $0xFFFFFF80  }
0x1cc: {  	[spmem:s30] =	stream.linear.scatter [tilespmem:s29], [sflag:$0x1], $0x10, $0x38;
	[tilespmem:$0x1F6F8] =	vst v63  }
0x1cd: {  	_ =	swait.ge [sflag:s31], $0x10  }
0x1ce: {  	[sflag:s31] =	ssyncset.done $0x0  }
0x1cf: {  	p1 =	seq.s32 s15, $0x0;
	s8 =	rddreg [dreg:$0x2];
	[sflag:s31] =	ssyncadd.s32 $0xFFFFFFF0  }
0x1d0: {  	s2 =	sshll.u32 @p1 s8, $0xE;
	s7 =	rddreg [dreg:$0x3]  }
0x1d1: {  	s0 =	sadd.s32 @p1 $0x15C3C, s2;
	s2 =	sshll.u32 @p1 s7, $0x11  }
0x1d2: {  	_ =	sfence.stream.spmem;
	s0 =	sor.u32 @p1 s2, s0  }
0x1d3: {  	[sflag:s0] =	ssyncadd.remote.s32 @p1 $0x1;
	s0 =	simm.s32 @p1 $0x4  }
0x1d4: {  	s3 =	simm.s32 @!p1 $0x3C;
	s2 =	sand.u32 $0xFFFFFFFE, s8;
	_ =	swait.ge @p1 [sflag:s0], $0x22  }
0x1d5: {  	s4 =	simm.s32 @!p1 $0x0;
	s2 =	sadd.s32 @!p1 $0x4, s2;
	[sflag:s0] =	ssyncset.done @p1 $0x0  }
0x1d6: {  	s5 =	simm.s32 @!p1 $0x100;
	[sflag:s0] =	ssyncadd.s32 @p1 $0xFFFFFFDE;
	s0 =	sshll.u32 @!p1 s2, $0x1A  }
0x1d7: {  	s2 =	sshll.u32 @!p1 s2, $0xD;
	s0 =	sor.u32 @!p1 s0, s7;
	_ =	swait.eq @!p1 [sflag:s3], $0x1  }
0x1d8: {  	s2 =	sor.u32 @!p1 $0x1C04, s2;
	s3 =	simm.s32 @!p1 $0x1C03;
	s0 =	sor.u32 @!p1 $0x80004000, s0  }
0x1d9: {  	[spmem:s5], [sflag:s2] =	dma.general @!p1 [spmem:s4], [sflag:s3], length:$0x20, [dreg:$0x0], stride_count:$0x0, ici_dest:s0, dma_misc:DstOpCode:WRITE  }
0x1da: {  	p2 =	slt.s32 s9, $0x2;
	s4 =	simm.s32 @!p1 $0x200;
	s5 =	simm.s32 @!p1 $0x202  }
0x1db: {  	[spmem:s5], [sflag:s2] =	dma.general @!p1 [spmem:s4], [sflag:s3], length:$0x2, [dreg:$0x0], stride_count:$0x0, ici_dest:s0, dma_misc:DstOpCode:WRITE  }
.Ltmp27:
0x1dc: {  	s0 =	simm.s32 @!p1 $0x3;
	(pc) =	sbr.rel @p2 .LBB2_38-.Ltmp27, $4  }
0x1dd: {  	s2 =	sshll.u32 @!p1 s8, $0xE;
	_ =	swait.ge @!p1 [sflag:s0], $0x22  }
0x1de: {  	s3 =	sshll.u32 @!p1 s7, $0x11;
	s2 =	sadd.s32 @!p1 $0x11C3C, s2;
	[sflag:s0] =	ssyncset.done @!p1 $0x0  }
0x1df: {  	[sflag:s0] =	ssyncadd.s32 @!p1 $0xFFFFFFDE;
	s0 =	sor.u32 @!p1 s3, s2  }
0x1e0: {  	[sflag:s0] =	ssyncadd.remote.s32 @!p1 $0xFFFFFFFF;
	s0 =	simm.s32 $0x0  }
0x1e1: {  	s0 =	simm.s32 $0xF219  }
0x1e2: {  	v0 =	vld.msk [tilespmem:s0+$0x0], $0x1;
	_ =	sdelay $0x4  }
0x1e3: {  	(v2sf) =	vpush v0, $0x0;
	_ =	sdelay $0xb  }
0x1e4: {  	s31 =	sadd.s32 $0xFFFFFFFE, s6  }
0x1e5: {  	s0 =	sadd.s32 $0xFFFFFFFF, s31  }
0x1e6: {  	p2 =	sne.s32 s0, $0x0  }
.Ltmp28:
0x1e7: {  	s2 =	spop (v2sf);
	(pc) =	sbr.rel @!p2 .LBB2_37-.Ltmp28, $4  }
0x1e8: {  	s4 =	simm.s32 $0xF2B8;
	s7 =	simm.s32 $0x0;
	p1 =	sgt.u32 s2, $0x9C3F0  }
0x1e9: {  	s5 =	simm.s32 $0x0;
	s6 =	simm.s32 $0xF21A;
	s3 =	sand.u32 @!p1 $0xFFFF8, s2  }
0x1ea: {  	s2 =	sand.u32 @!p1 $0x7, s2;
	s7 =	simm.s32 @!p1 $0x200;
	s3 =	sadd.s32 @!p1 s1, s3  }
0x1eb: {  	[hbm4b:s3+s2] =	stream.linear.scatter @!p1 [tilespmem:s4], [sflag:$0x5], $0x80, $0x38;
	[tilespmem:$0x1F6F8] =	vst v63  }
.LBB2_36:
0x1ec: {  	v0 =	vld.msk [tilespmem:s6+$0x0], $0x1;
	s0 =	sadd.s32 $0xFFFFFFFF, s0;
	s5 =	sadd.s32 s5, s7  }
0x1ed: {  	p1 =	sne.s32 s0, $0x0;
	_ =	sdelay $0x3  }
0x1ee: {  	(v2sf) =	vpush v0, $0x0;
	_ =	sdelay $0xe  }
.Ltmp29:
0x1ef: {  	s2 =	spop (v2sf);
	(pc) =	sbr.rel @p1 .LBB2_36-.Ltmp29, $4  }
0x1f0: {  	s7 =	simm.s32 $0x0;
	p2 =	sgt.u32 s2, $0x9C3F0  }
0x1f1: {  	s4 =	sadd.s32 $0x80, s4;
	s7 =	simm.s32 @!p2 $0x200;
	s3 =	sand.u32 @!p2 $0xFFFF8, s2  }
0x1f2: {  	s6 =	sadd.s32 $0x1, s6;
	s2 =	sand.u32 @!p2 $0x7, s2;
	s3 =	sadd.s32 @!p2 s1, s3  }
0x1f3: {  	[hbm4b:s3+s2] =	stream.linear.scatter @!p2 [tilespmem:s4], [sflag:$0x5], $0x80, $0x38;
	[tilespmem:$0x1F6F8] =	vst v63  }
.LBB2_37:
0x1f4: {  	s0 =	sadd.s32 s5, s7  }
0x1f5: {  	s0 =	sshrl.u32 s0, $0x2  }
.LBB2_38:
0x1f6: {  	s2 =	simm.s32 $0x5  }
0x1f7: {  	_ =	swait.ge [sflag:s2], s0  }
0x1f8: {  	s31 =	ssub.s32 $0x0, s0;
	[sflag:s2] =	ssyncset.done $0x0  }
0x1f9: {  	[sflag:s2] =	ssyncadd.s32 s31  }
0x1fa: {  	[sflag:s2] =	ssyncpa.u1 $0x1  }
.LBB2_39:
0x1fb: {  	s0 =	sor.u32 s15, s16  }
0x1fc: {  	p1 =	sne.s32 s0, $0x0  }
.Ltmp30:
0x1fd: {  	_ = 	snop;
	(pc) =	sbr.rel @p1 .LBB2_54-.Ltmp30, $3  }
0x1fe: {  	_ =	sdelay $0x1  }
0x1ff: {  	[bflag:$0x0] =	sbarrier.arrive $0xFFFF  }
0x200: {  	_ =	sfence  }
0x201: {  	s0 =	simm.s32 $0x7  }
0x202: {  	s2 =	simm.s32 $0x1000;
	s3 =	simm.s32 $0xF218;
	[sflag:s0] =	ssyncpa.u1 $0x0  }
0x203: {  	[tilespmem:s3], [sflag:$0x7] =	stream.linear.gather [spmem:s2], $0x20, $0x38;
	[tilespmem:$0x1F6F8] =	vst v63  }
0x204: {  	s30 =	simm.s32 $0xF238;
	s2 =	simm.s32 $0x0  }
0x205: {  	[tilespmem:s30], [sflag:$0x7] =	stream.linear.gather [spmem:s2], $0x1000, $0x38;
	[tilespmem:$0x1F6F8] =	vst v63  }
.Ltmp31:
0x206: {  	_ = 	snop;
	(pc) =	sbr.rel .LBB2_41-.Ltmp31, $4  }
0x207: {  	_ =	swait.ge [sflag:s0], $0x1020  }
0x208: {  	[sflag:s0] =	ssyncset.done $0x0  }
0x209: {  	s31 =	simm.s32 $0x8;
	[sflag:s0] =	ssyncadd.s32 $0xFFFFEFE0  }
0x20a: {  	s3 =	simm.s32 $0x0;
	[sflag:s31] =	ssyncpa.u1 $0x0  }
.LBB2_47:
0x20b: {  	p1 =	slt.u32 s4, $0x9C3F1  }
0x20c: {  	s0 =	sand.u32 @p1 $0xFFFF8, s4  }
0x20d: {  	s4 =	sand.u32 @p1 $0x7, s4;
	s5 =	simm.s32 @p1 $0xF188;
	s0 =	sadd.s32 @p1 s1, s0  }
0x20e: {  	[tilespmem:s5], [sflag:$0x8] =	stream.linear.gather @p1 [hbm4b:s0+s4], $0x80, $0x38;
	[tilespmem:$0x1F6F8] =	vst v63  }
0x20f: {  	s0 =	simm.s32 @p1 $0x8  }
0x210: {  	_ =	swait.ge @p1 [sflag:s0], $0x80  }
0x211: {  	[sflag:s0] =	ssyncset.done @p1 $0x0  }
0x212: {  	[sflag:s0] =	ssyncadd.s32 @p1 $0xFFFFFF80  }
0x213: {  	v1 =	vld @p1 [tilespmem:$0xF188];
	_ =	sdelay $0x2  }
0x214: {  	s0 =	sshll.u32 @p1 s3, $0x9  }
0x215: {  	s4 =	sshrl.u32 @p1 s0, $0x2  }
0x216: {  	[tilespmem:s4+$0xF238] =	vst.add.f32.msk @p1 $0xffff, v1  }
0x217: {  	v1 =	vld @p1 [tilespmem:$0xF198];
	_ =	sdelay $0x4  }
0x218: {  	[tilespmem:s4+$0xF248] =	vst.add.f32.msk @p1 $0xffff, v1  }
0x219: {  	v1 =	vld @p1 [tilespmem:$0xF1A8];
	_ =	sdelay $0x4  }
0x21a: {  	[tilespmem:s4+$0xF258] =	vst.add.f32.msk @p1 $0xffff, v1  }
0x21b: {  	v1 =	vld @p1 [tilespmem:$0xF1B8];
	_ =	sdelay $0x4  }
0x21c: {  	[tilespmem:s4+$0xF268] =	vst.add.f32.msk @p1 $0xffff, v1  }
0x21d: {  	v1 =	vld @p1 [tilespmem:$0xF1C8];
	_ =	sdelay $0x4  }
0x21e: {  	[tilespmem:s4+$0xF278] =	vst.add.f32.msk @p1 $0xffff, v1  }
0x21f: {  	v1 =	vld @p1 [tilespmem:$0xF1D8];
	_ =	sdelay $0x4  }
0x220: {  	[tilespmem:s4+$0xF288] =	vst.add.f32.msk @p1 $0xffff, v1  }
0x221: {  	v1 =	vld @p1 [tilespmem:$0xF1E8];
	_ =	sdelay $0x4  }
0x222: {  	[tilespmem:s4+$0xF298] =	vst.add.f32.msk @p1 $0xffff, v1  }
0x223: {  	v1 =	vld @p1 [tilespmem:$0xF1F8];
	_ =	sdelay $0x3  }
0x224: {  	s5 =	sshll.u32 @!p1 s3, $0x9  }
0x225: {  	s5 =	smov.u32 @p1 s0;
	[tilespmem:s4+$0xF2A8] =	vst.add.f32.msk @p1 $0xffff, v1  }
0x226: {  	s0 =	sshrl.u32 s5, $0x2;
	[tilespmem:s2+$0xF218] =	vst.msk $0x1, v0  }
0x227: {  	v0 =	vld [tilespmem:s0+$0xF238];
	_ =	sdelay $0x2  }
0x228: {  	s31 =	sshll.u32 s2, $0x9  }
0x229: {  	s4 =	sshra.s32 s31, $0x2  }
0x22a: {  	[tilespmem:s4+$0xF238] =	vst v0  }
0x22b: {  	v0 =	vld [tilespmem:s0+$0xF248];
	_ =	sdelay $0x4  }
0x22c: {  	[tilespmem:s4+$0xF248] =	vst v0  }
0x22d: {  	v0 =	vld [tilespmem:s0+$0xF258];
	_ =	sdelay $0x4  }
0x22e: {  	[tilespmem:s4+$0xF258] =	vst v0  }
0x22f: {  	v0 =	vld [tilespmem:s0+$0xF268];
	_ =	sdelay $0x4  }
0x230: {  	[tilespmem:s4+$0xF268] =	vst v0  }
0x231: {  	v0 =	vld [tilespmem:s0+$0xF278];
	_ =	sdelay $0x4  }
0x232: {  	[tilespmem:s4+$0xF278] =	vst v0  }
0x233: {  	v0 =	vld [tilespmem:s0+$0xF288];
	_ =	sdelay $0x4  }
0x234: {  	[tilespmem:s4+$0xF288] =	vst v0  }
0x235: {  	v0 =	vld [tilespmem:s0+$0xF298];
	_ =	sdelay $0x4  }
0x236: {  	[tilespmem:s4+$0xF298] =	vst v0  }
0x237: {  	v0 =	vld [tilespmem:s0+$0xF2A8];
	_ =	sdelay $0x4  }
0x238: {  	s2 =	sadd.s32 $0x1, s2;
	[tilespmem:s4+$0xF2A8] =	vst v0  }
.LBB2_48:
0x239: {  	s3 =	sadd.s32 $0x1, s3  }
0x23a: {  	p1 =	sne.s32 s3, $0x20  }
.Ltmp32:
0x23b: {  	_ = 	snop;
	(pc) =	sbr.rel @!p1 .LBB2_49-.Ltmp32, $1  }
0x23c: {  	_ =	sdelay $0x3  }
.LBB2_41:
0x23d: {  	v0 =	vld.msk [tilespmem:s3+$0xF218], $0x1;
	_ =	sdelay $0x4  }
0x23e: {  	(v2sf) =	vpush v0, $0x0;
	_ =	sdelay $0xe  }
0x23f: {  	s4 =	spop (v2sf)  }
0x240: {  	p1 =	seq.s32 s4, $0xFFFFFFFF  }
.Ltmp33:
0x241: {  	_ = 	snop;
	(pc) =	sbr.rel @p1 .LBB2_48-.Ltmp33, $1  }
0x242: {  	_ =	sdelay $0x3  }
0x243: {  	p1 =	slt.s32 s2, $0x1  }
.Ltmp34:
0x244: {  	_ = 	snop;
	(pc) =	sbr.rel @p1 .LBB2_47-.Ltmp34, $1  }
0x245: {  	_ =	sdelay $0x3  }
0x246: {  	s5 =	simm.s32 $0xF218;
	p1 =	por $0x0, $0x0  }
0x247: {  	v1 =	vld.msk @!p1 [tilespmem:s5+$0x0], $0x1;
	_ =	sdelay $0x4  }
0x248: {  	(v2sf) =	vpush @!p1 v1, $0x0;
	_ =	sdelay $0xd  }
0x249: {  	p3 =	sne.s32 s2, $0x1  }
.Ltmp35:
0x24a: {  	s0 =	spop @!p1 (v2sf);
	(pc) =	sbr.rel @!p3 .LBB2_45-.Ltmp35, $4  }
0x24b: {  	p2 =	seq.s32 @!p1 s4, s0  }
0x24c: {  	s6 =	simm.s32 $0x0;
	p2 =	por !p2, p1  }
0x24d: {  	s7 =	simm.s32 $0xFFFFFFFF;
	s6 =	simm.s32 @p2 $0xFFFFFFFF  }
0x24e: {  	s0 =	simm.s32 $0x1;
	s6 =	smov.u32 @p1 s7  }
.LBB2_44:
0x24f: {  	s7 =	smov.u32 s6;
	p1 =	sne.s32 s6, $0xFFFFFFFF  }
0x250: {  	s5 =	sadd.s32 $0x1, s5;
	s6 =	smov.u32 s0;
	s0 =	sadd.s32 $0x1, s0  }
0x251: {  	p2 =	sne.s32 s2, s0;
	v1 =	vld.msk @!p1 [tilespmem:s5+$0x0], $0x1;
	_ =	sdelay $0x4  }
0x252: {  	(v2sf) =	vpush @!p1 v1, $0x0;
	_ =	sdelay $0xe  }
.Ltmp36:
0x253: {  	s8 =	spop @!p1 (v2sf);
	(pc) =	sbr.rel @p2 .LBB2_44-.Ltmp36, $4  }
0x254: {  	p3 =	seq.s32 @!p1 s4, s8  }
0x255: {  	p3 =	por !p3, p1  }
0x256: {  	s6 =	simm.s32 @p3 $0xFFFFFFFF  }
0x257: {  	s6 =	smov.u32 @p1 s7  }
.LBB2_45:
0x258: {  	p1 =	seq.s32 s6, $0xFFFFFFFF  }
.Ltmp37:
0x259: {  	_ = 	snop;
	(pc) =	sbr.rel @p1 .LBB2_47-.Ltmp37, $1  }
0x25a: {  	_ =	sdelay $0x3  }
0x25b: {  	s0 =	sshll.u32 s3, $0x7  }
0x25c: {  	s0 =	sand.u32 $0x3FFFFF80, s0  }
0x25d: {  	v0 =	vld [tilespmem:s0+$0xF238];
	_ =	sdelay $0x2  }
0x25e: {  	s4 =	sshll.u32 s6, $0x9  }
0x25f: {  	s4 =	sshra.s32 s4, $0x2  }
0x260: {  	[tilespmem:s4+$0xF238] =	vst.add.f32.msk $0xffff, v0  }
0x261: {  	v0 =	vld [tilespmem:s0+$0xF248];
	_ =	sdelay $0x4  }
0x262: {  	[tilespmem:s4+$0xF248] =	vst.add.f32.msk $0xffff, v0  }
0x263: {  	v0 =	vld [tilespmem:s0+$0xF258];
	_ =	sdelay $0x4  }
0x264: {  	[tilespmem:s4+$0xF258] =	vst.add.f32.msk $0xffff, v0  }
0x265: {  	v0 =	vld [tilespmem:s0+$0xF268];
	_ =	sdelay $0x4  }
0x266: {  	[tilespmem:s4+$0xF268] =	vst.add.f32.msk $0xffff, v0  }
0x267: {  	v0 =	vld [tilespmem:s0+$0xF278];
	_ =	sdelay $0x4  }
0x268: {  	[tilespmem:s4+$0xF278] =	vst.add.f32.msk $0xffff, v0  }
0x269: {  	v0 =	vld [tilespmem:s0+$0xF288];
	_ =	sdelay $0x4  }
0x26a: {  	[tilespmem:s4+$0xF288] =	vst.add.f32.msk $0xffff, v0  }
0x26b: {  	v0 =	vld [tilespmem:s0+$0xF298];
	_ =	sdelay $0x4  }
0x26c: {  	[tilespmem:s4+$0xF298] =	vst.add.f32.msk $0xffff, v0  }
0x26d: {  	v0 =	vld [tilespmem:s0+$0xF2A8]  }
.Ltmp38:
0x26e: {  	_ = 	snop;
	(pc) =	sbr.rel .LBB2_48-.Ltmp38, $2  }
0x26f: {  	_ =	sdelay $0x2  }
0x270: {  	[tilespmem:s4+$0xF2A8] =	vst.add.f32.msk $0xffff, v0  }
.LBB2_49:
0x271: {  	p1 =	slt.s32 s2, $0x1  }
.Ltmp39:
0x272: {  	_ = 	snop;
	(pc) =	sbr.rel @p1 .LBB2_53-.Ltmp39, $3  }
0x273: {  	_ =	sdelay $0x1  }
0x274: {  	s0 =	simm.s32 $0x8  }
0x275: {  	s3 =	simm.s32 $0x0;
	[sflag:s0] =	ssyncpa.u1 $0x1  }
0x276: {  	s0 =	simm.s32 $0xF218  }
0x277: {  	v0 =	vld.msk [tilespmem:s0+$0x0], $0x1;
	_ =	sdelay $0x4  }
0x278: {  	(v2sf) =	vpush v0, $0x0;
	_ =	sdelay $0xe  }
0x279: {  	s0 =	sadd.s32 $0xFFFFFFFF, s2;
	s5 =	spop (v2sf)  }
0x27a: {  	p2 =	sne.s32 s0, $0x0;
	p1 =	sgt.u32 s5, $0x9C3F0  }
.Ltmp40:
0x27b: {  	s6 =	sand.u32 @!p1 $0xFFFF8, s5;
	(pc) =	sbr.rel @!p2 .LBB2_52-.Ltmp40, $4  }
0x27c: {  	s4 =	simm.s32 $0xF238;
	s5 =	sand.u32 @!p1 $0x7, s5;
	s2 =	sadd.s32 @!p1 s1, s6  }
0x27d: {  	[hbm4b:s2+s5] =	stream.linear.scatter @!p1 [tilespmem:s4], [sflag:$0x7], $0x80, $0x38;
	[tilespmem:$0x1F6F8] =	vst v63  }
0x27e: {  	s5 =	simm.s32 $0x0  }
0x27f: {  	s2 =	simm.s32 $0xF219;
	s5 =	simm.s32 @!p1 $0x200  }
.LBB2_51:
0x280: {  	v0 =	vld.msk [tilespmem:s2+$0x0], $0x1;
	s0 =	sadd.s32 $0xFFFFFFFF, s0;
	s3 =	sadd.s32 s3, s5  }
0x281: {  	p1 =	sne.s32 s0, $0x0;
	_ =	sdelay $0x3  }
0x282: {  	(v2sf) =	vpush v0, $0x0;
	_ =	sdelay $0xe  }
.Ltmp41:
0x283: {  	s6 =	spop (v2sf);
	(pc) =	sbr.rel @p1 .LBB2_51-.Ltmp41, $4  }
0x284: {  	s5 =	simm.s32 $0x0;
	p2 =	sgt.u32 s6, $0x9C3F0  }
0x285: {  	s4 =	sadd.s32 $0x80, s4;
	s5 =	simm.s32 @!p2 $0x200;
	s7 =	sand.u32 @!p2 $0xFFFF8, s6  }
0x286: {  	s2 =	sadd.s32 $0x1, s2;
	s6 =	sand.u32 @!p2 $0x7, s6;
	s7 =	sadd.s32 @!p2 s1, s7  }
0x287: {  	[hbm4b:s7+s6] =	stream.linear.scatter @!p2 [tilespmem:s4], [sflag:$0x7], $0x80, $0x38;
	[tilespmem:$0x1F6F8] =	vst v63  }
.LBB2_52:
0x288: {  	s0 =	sadd.s32 s3, s5  }
0x289: {  	s3 =	sshrl.u32 s0, $0x2  }
.LBB2_53:
0x28a: {  	s0 =	simm.s32 $0x7  }
0x28b: {  	_ =	swait.ge [sflag:s0], s3  }
0x28c: {  	s1 =	ssub.s32 $0x0, s3;
	[sflag:s0] =	ssyncset.done $0x0  }
0x28d: {  	[sflag:s0] =	ssyncadd.s32 s1  }
0x28e: {  	[sflag:s0] =	ssyncpa.u1 $0x1  }
.LBB2_54:
0x28f: {  	_ =	sfence;
	s0 =	simm.s32 $0x1  }
0x290: {  	[sflag:s0] =	ssyncpa.u1 $0x1  }
0x291: {  	_ =	strace $0x90000053  }
0x292: {  	[bflag:$0x2] =	sbarrier.arrive $0xFFFF  }
0x293: {  	s0 =	rddreg [dreg:$0x4]  }
0x294: {  	s0 =	sadd.s32 @!p0 $0x100000, s0  }
0x295: {  	[sflag:s0] =	ssyncadd.tile.s32 @!p0 $0x1;
	_ =	shalt  }
.Lfunc_end2:
_tile_overlayer_lowered:
.L_overlay_start_2:
0x296: {  	(tag) =	ssettag $0x2  }
0x297: {  	s0 =	rddreg [dreg:$0x0];
	s2 =	stileid.u32  }
0x298: {  	s1 =	rddreg [dreg:$0x1];
	p0 =	sne.s32 s2, $0x0  }
0x299: {  	s3 =	rddreg [dreg:$0x2];
	[bflag:$0x3] =	sbarrier.arrive $0xFFFF;
	s2 =	simm.s32 @!p0 $0x1C01  }
0x29a: {  	[timem:s3], [sflag:s2] =	dma.local @!p0 [hbm:s0], s1  }
0x29b: {  	s0 =	simm.s32 @!p0 $0x1  }
0x29c: {  	_ =	swait.ge @!p0 [sflag:s0], s1  }
0x29d: {  	s1 =	ssub.s32 @!p0 $0x0, s1;
	[sflag:s0] =	ssyncset.done @!p0 $0x0  }
0x29e: {  	[sflag:s0] =	ssyncadd.s32 @!p0 s1  }
0x29f: {  	[bflag:$0x3] =	sbarrier.arrive $0xFFFF  }
0x2a0: {  	_ =	shalt  }

// kernel: scatter_offload_async_start
scs
__scs_entry_jumppad:
0x0: {  	(pc) =	sbr.rel $0x88, $3  }
0x1: {  	(tag) =	ssettag $0x0;
	lr =	simm.s32 $0x1  }
0x2: {  	[smem:$0x3F93] =	sst lr;
	_ =	strace $0xD0000000  }
0x3: {  	_ = 	snop  }
0x4: {  	_ = 	snop  }
0x5: {  	_ = 	snop  }
0x6: {  	_ = 	snop  }
0x7: {  	_ = 	snop  }
__scs_overlays_trampoline_lowered:
0x8: {  	[smem:$0x3FA2] =	sst s0  }
0x9: {  	[smem:$0x3FA3] =	sst s1  }
0xa: {  	[smem:$0x3FA4] =	sst s2  }
0xb: {  	[smem:$0x3FA5] =	sst s3  }
0xc: {  	[smem:$0x3FA6] =	sst s4  }
0xd: {  	[smem:$0x3FA7] =	sst s5  }
0xe: {  	[smem:$0x3FA8] =	sst s6  }
0xf: {  	[smem:$0x3FA9] =	sst s7  }
0x10: {  	[smem:$0x3FAA] =	sst s8  }
0x11: {  	[smem:$0x3FAB] =	sst s9;
	s0 =	simm.s32 @!p0 $0x0  }
0x12: {  	s1 =	sld [smem:$0x3F91];
	s0 =	simm.s32 @p0 $0x1  }
0x13: {  	[smem:$0x3FAC] =	sst s0;
	s0 =	simm.s32 @!p1 $0x0  }
0x14: {  	s2 =	sld [smem:$0x3F90];
	s0 =	simm.s32 @p1 $0x1  }
0x15: {  	[smem:$0x3FAD] =	sst s0;
	s0 =	simm.s32 @!p2 $0x0  }
0x16: {  	s3 =	sld [smem:$0x3FDB];
	s0 =	simm.s32 @p2 $0x1  }
0x17: {  	s4 =	simm.s32 $0x1BF5;
	[smem:$0x3FAF] =	sst s0  }
0x18: {  	s0 =	sld [smem:$0x3F92];
	_ =	swait.ge [sflag:s4], $0x0  }
0x19: {  	s7 =	sld [smem:$0x3F93]  }
0x1a: {  	s8 =	sadd.s32 $0xFFFFE003, lr  }
0x1b: {  	s9 =	sadd.s32 $0xFFFFFEF7, lr;
	s5 =	simm.s32 $0xFFFFFFFF;
	p2 =	slt.u32 s8, $0xFFFFF086  }
0x1c: {  	p1 =	slt.u32 s9, $0xF7A;
	s5 =	simm.s32 @!p2 $0x0  }
0x1d: {  	s5 =	simm.s32 @p1 $0x1;
	p0 =	seq.s32 s7, s2  }
0x1e: {  	s7 =	smul.u32 @!p0 $0xF7A, s2;
	p2 =	seq.s32 @!p0 s5, $0x0  }
0x1f: {  	s9 =	smul.u32 $0xF7A, s1;
	s8 =	simm.s32 @!p0 $0x1BF5;
	p2 =	por !p2, p0  }
0x20: {  	[sflag:s8] =	ssyncset.s32 @!p0 $0xFFFFF086;
	s6 =	sadd.s32 @!p0 s3, s7;
	s7 =	simm.s32 @!p0 $0x108  }
0x21: {  	s3 =	sadd.s32 s3, s9;
	s6 =	sadd.s32 @!p0 $0x88, s6;
	s7 =	simm.s32 @p2 $0x1082  }
0x22: {  	[simem:s7], [sflag:s8] =	dma.local @!p0 [hbm:s6], $0xF7A  }
0x23: {  	s9 =	sor.u32 $0xD0000000, s2;
	s6 =	simm.s32 $0x108;
	_ =	swait.ge @!p0 [sflag:s8], $0x0  }
0x24: {  	s3 =	sadd.s32 $0x88, s3;
	s6 =	simm.s32 @!p1 $0x1082;
	[sflag:s4] =	ssyncset.s32 $0xFFFFF086  }
0x25: {  	[simem:s6], [sflag:s4] =	dma.local [hbm:s3], $0xF7A  }
0x26: {  	[smem:$0x3F93] =	sst s1;
	(tag) =	ssettag s2;
	_ =	strace s9  }
0x27: {  	s1 =	sld [smem:$0x3FA3]  }
0x28: {  	s2 =	sld [smem:$0x3FA4]  }
0x29: {  	s4 =	sld [smem:$0x3FA6]  }
0x2a: {  	p0 =	seq.s32 s5, $0x0;
	s5 =	sld [smem:$0x3FA7]  }
0x2b: {  	s6 =	sld [smem:$0x3FA8]  }
0x2c: {  	s7 =	sld [smem:$0x3FA9]  }
0x2d: {  	s3 =	simm.s32 $0x108;
	s8 =	sld [smem:$0x3FAA]  }
0x2e: {  	s3 =	simm.s32 @!p0 $0x1082;
	s9 =	sld [smem:$0x3FAB]  }
0x2f: {  	lr =	sadd.s32 s0, s3;
	s0 =	sld [smem:$0x3FA2]  }
0x30: {  	s3 =	sld [smem:$0x3FA5]  }
0x31: {  	[smem:$0x3FAE] =	sst s10  }
0x32: {  	s10 =	sld [smem:$0x3FAC];
	_ =	sdelay $0x3  }
0x33: {  	p0 =	seq.s32 s10, $0x1;
	s10 =	sld [smem:$0x3FAE];
	_ =	sdelay $0x3  }
0x34: {  	[smem:$0x3FAE] =	sst s10  }
0x35: {  	s10 =	sld [smem:$0x3FAD];
	_ =	sdelay $0x3  }
0x36: {  	p1 =	seq.s32 s10, $0x1;
	s10 =	sld [smem:$0x3FAE];
	_ =	sdelay $0x3  }
0x37: {  	[smem:$0x3FAE] =	sst s10  }
0x38: {  	s10 =	sld [smem:$0x3FAF]  }
0x39: {  	_ = 	snop;
	(pc) =	sbr.ind lr, $3  }
0x3a: {  	_ = 	snop  }
0x3b: {  	_ = 	snop  }
0x3c: {  	p2 =	seq.s32 s10, $0x1;
	s10 =	sld [smem:$0x3FAE]  }
0x3d: {  	_ =	shalt  }
0x3e: {  	_ =	shalt  }
0x3f: {  	_ =	shalt  }
0x40: {  	_ =	shalt  }
0x41: {  	_ =	shalt  }
0x42: {  	_ =	shalt  }
0x43: {  	_ =	shalt  }
0x44: {  	_ =	shalt  }
0x45: {  	_ =	shalt  }
0x46: {  	_ =	shalt  }
0x47: {  	_ =	shalt  }
0x48: {  	_ =	shalt  }
0x49: {  	_ =	shalt  }
0x4a: {  	_ =	shalt  }
0x4b: {  	_ =	shalt  }
0x4c: {  	_ =	shalt  }
0x4d: {  	_ =	shalt  }
0x4e: {  	_ =	shalt  }
0x4f: {  	_ =	shalt  }
0x50: {  	_ =	shalt  }
0x51: {  	_ =	shalt  }
0x52: {  	_ =	shalt  }
0x53: {  	_ =	shalt  }
0x54: {  	_ =	shalt  }
0x55: {  	_ =	shalt  }
0x56: {  	_ =	shalt  }
0x57: {  	_ =	shalt  }
0x58: {  	_ =	shalt  }
0x59: {  	_ =	shalt  }
0x5a: {  	_ =	shalt  }
0x5b: {  	_ =	shalt  }
0x5c: {  	_ =	shalt  }
0x5d: {  	_ =	shalt  }
0x5e: {  	_ =	shalt  }
0x5f: {  	_ =	shalt  }
0x60: {  	_ =	shalt  }
0x61: {  	_ =	shalt  }
0x62: {  	_ =	shalt  }
0x63: {  	_ =	shalt  }
0x64: {  	_ =	shalt  }
0x65: {  	_ =	shalt  }
0x66: {  	_ =	shalt  }
0x67: {  	_ =	shalt  }
0x68: {  	_ =	shalt  }
0x69: {  	_ =	shalt  }
0x6a: {  	_ =	shalt  }
0x6b: {  	_ =	shalt  }
0x6c: {  	_ =	shalt  }
0x6d: {  	_ =	shalt  }
0x6e: {  	_ =	shalt  }
0x6f: {  	_ =	shalt  }
0x70: {  	_ =	shalt  }
0x71: {  	_ =	shalt  }
0x72: {  	_ =	shalt  }
0x73: {  	_ =	shalt  }
0x74: {  	_ =	shalt  }
0x75: {  	_ =	shalt  }
0x76: {  	_ =	shalt  }
0x77: {  	_ =	shalt  }
0x78: {  	_ =	shalt  }
0x79: {  	_ =	shalt  }
0x7a: {  	_ =	shalt  }
0x7b: {  	_ =	shalt  }
0x7c: {  	_ =	shalt  }
0x7d: {  	_ =	shalt  }
0x7e: {  	_ =	shalt  }
0x7f: {  	_ =	shalt  }
0x80: {  	_ =	shalt  }
0x81: {  	_ =	shalt  }
0x82: {  	_ =	shalt  }
0x83: {  	_ =	shalt  }
0x84: {  	_ =	shalt  }
0x85: {  	_ =	shalt  }
0x86: {  	_ =	shalt  }
0x87: {  	_ =	shalt  }
.Lfunc_end0:
.L_simem_size_0:
called_computation_lowered:
.L_overlay_start_0:
0x88: {  	s2 =	sld [smem:$0x3FD9]  }
0x89: {  	s3 =	sld [smem:$0x3FFE];
	_ =	sdelay $0x1  }
0x8a: {  	s1 =	srdreg.scid  }
0x8b: {  	s0 =	sand.u32 $0x1, s1  }
0x8c: {  	s16 =	sshll.u32 s0, $0xA;
	s2 =	sadd.s32 s3, s2  }
0x8d: {  	s2 =	sadd.s32 s2, s16  }
0x8e: {  	[smem:$0x3FBA] =	sst s2  }
0x8f: {  	_ = 	snop  }
0x90: {  	s2 =	sld [smem:$0x3FD0];
	(tm) =	ssettm $0x1  }
0x91: {  	s17 =	sld [smem:$0x3FFB];
	_ =	sdelay $0x3  }
0x92: {  	_ =	strace s17  }
0x93: {  	s3 =	sld [smem:$0x3FFC];
	_ =	sdelay $0x3  }
0x94: {  	_ =	strace s3  }
0x95: {  	s3 =	sld [smem:$0x3FFD];
	_ =	sdelay $0x3  }
0x96: {  	_ =	strace s3  }
0x97: {  	_ =	strace $0x8FFFFFFF  }
0x98: {  	s18 =	sld [smem:$0x3FDB];
	_ =	sdelay $0x1  }
0x99: {  	s4 =	simm.s32 $_scs_section_size  }
0x9a: {  	s5 =	simm.s32 $_size__tile_overlayer_lowered;
	s6 =	simm.s32 $_tile_overlayer_lowered  }
0x9b: {  	s21 =	simm.s32 $0x1BFF;
	s20 =	sshll.u32 s6, $0x1;
	s3 =	sadd.s32 s4, s18  }
0x9c: {  	s7 =	simm.s32 $0x0;
	s19 =	sshll.u32 s5, $0x1;
	s5 =	sadd.s32 s20, s3  }
0x9d: {  	[timem:s7], [sflag:s21] =	dma.local [hbm:s5], s19  }
0x9e: {  	_ =	swait.ge [sflag:s21], s19  }
0x9f: {  	s4 =	ssub.s32 $0x0, s19;
	[sflag:s21] =	ssyncset.done $0x0  }
0xa0: {  	[sflag:s21] =	ssyncadd.s32 s4;
	_ =	sdelay $0x1  }
0xa1: {  	s22 =	simm.s32 $0x1B8B  }
0xa2: {  	_ =	swait.ge [sflag:s22], $0x1  }
0xa3: {  	[sflag:s22] =	ssyncset.done $0x0  }
0xa4: {  	s23 =	sld [smem:$0x3FFE];
	[sflag:s22] =	ssyncadd.s32 $0xFFFFFFFF  }
0xa5: {  	s25 =	simm.s32 $0x1B8E;
	s24 =	sld [smem:$0x0]  }
0xa6: {  	s26 =	simm.s32 $execute0_lowered;
	[smem:$0x3FD2] =	sst s25  }
0xa7: {  	s6 =	sshll.u32 s26, $0x1;
	_ =	strace $0x80000046;
	[dreg:$0x1] =	wrdreg $0xFFFFFFFF  }
0xa8: {  	s28 =	simm.s32 $_size_execute0_lowered;
	s3 =	sadd.s32 s3, s6;
	[dreg:$0x0] =	wrdreg $0x0  }
0xa9: {  	s6 =	sshll.u32 s28, $0x1;
	[dreg:$0x2] =	wrdreg s3  }
0xaa: {  	[dreg:$0x3] =	wrdreg s6  }
0xab: {  	[dreg:$0x4] =	wrdreg $0xC0  }
0xac: {  	_ =	task [dreg:s7], $0x5FFFF  }
0xad: {  	[dreg:$0x1] =	wrdreg $0xFFFFFFFF  }
0xae: {  	[dreg:$0x0] =	wrdreg $0x60  }
0xaf: {  	[dreg:$0x2] =	wrdreg s2  }
0xb0: {  	[dreg:$0x3] =	wrdreg s23  }
0xb1: {  	[dreg:$0x4] =	wrdreg s1  }
0xb2: {  	[dreg:$0x5] =	wrdreg s24  }
0xb3: {  	[dreg:$0x6] =	wrdreg $0xA  }
0xb4: {  	_ =	task.clear_ibuf [dreg:s7], $0x7FFFF;
	_ =	strace $0x90000046  }
0xb5: {  	s29 =	simm.s32 $0xA;
	_ =	strace $0x80000048  }
0xb6: {  	_ =	swait.ge [sflag:s29], $0x1  }
0xb7: {  	[sflag:s29] =	ssyncadd.s32 $0xFFFFFFFF  }
0xb8: {  	_ =	strace $0x90000048  }
0xb9: {  	_ =	sfence  }
0xba: {  	s30 =	sld [smem:$0x0];
	_ =	sdelay $0x2  }
0xbb: {  	s31 =	sshll.u32 s1, $0xD;
	s1 =	sshrl.u32 s1, $0x2  }
0xbc: {  	s3 =	sand.u32 $0x4000, s31;
	s1 =	sadd.s32 s1, s30  }
0xbd: {  	s0 =	sor.u32 s3, s0;
	s1 =	sshll.u32 s1, $0x11  }
0xbe: {  	s0 =	sor.u32 s1, s0  }
0xbf: {  	s0 =	sadd.s32 $0x8F2B, s0  }
0xc0: {  	[sflag:s0] =	ssyncadd.remote.s32 $0x1  }
0xc1: {  	_ =	sfence.sel $0xFFFF  }
0xc2: {  	[dreg:$0x0] =	wrdreg $0xFFFFFFFF;
	(pc) =	sbr.abs _section_cstart, $3  }
0xc3: {  	[dreg:$0x1] =	wrdreg $0xFFFFFFFF  }
0xc4: {  	_ =	task.clear_ibuf [dreg:s7], $0x2FFFF;
	_ =	strace $0x9FFFFFFF  }
0xc5: {  	(tm) =	ssettm $0x7FFFFFFF  }
tec
execute0_lowered:
.L_overlay_start_1:
0x0: {  	(tag) =	ssettag $0x1  }
0x1: {  	s1 =	rddreg [dreg:$0x0]  }
0x2: {  	s11 =	rddreg [dreg:$0x1]  }
0x3: {  	s3 =	rddreg [dreg:$0x2];
	_ =	strace $0x80000047;
	s12 =	simm.s32 $0x1  }
0x4: {  	v0 =	vimm.s32 $0x0;
	[sflag:s12] =	ssyncpa.u1 $0x0  }
0x5: {  	[tilespmem:$0x28] =	vst v0  }
0x6: {  	[tilespmem:$0x38] =	vst v0  }
0x7: {  	[tilespmem:$0x48] =	vst v0  }
0x8: {  	[tilespmem:$0x58] =	vst v0  }
0x9: {  	[tilespmem:$0x68] =	vst v0  }
0xa: {  	[tilespmem:$0x78] =	vst v0  }
0xb: {  	[tilespmem:$0x88] =	vst v0  }
0xc: {  	[tilespmem:$0x98] =	vst v0  }
0xd: {  	[tilespmem:$0xA8] =	vst v0  }
0xe: {  	[tilespmem:$0xB8] =	vst v0  }
0xf: {  	[tilespmem:$0xC8] =	vst v0  }
0x10: {  	[tilespmem:$0xD8] =	vst v0  }
0x11: {  	[tilespmem:$0xE8] =	vst v0  }
0x12: {  	[tilespmem:$0xF8] =	vst v0  }
0x13: {  	[tilespmem:$0x108] =	vst v0  }
0x14: {  	[tilespmem:$0x118] =	vst v0  }
0x15: {  	[tilespmem:$0x128] =	vst v0  }
0x16: {  	[tilespmem:$0x138] =	vst v0  }
0x17: {  	[tilespmem:$0x148] =	vst v0  }
0x18: {  	[tilespmem:$0x158] =	vst v0  }
0x19: {  	[tilespmem:$0x168] =	vst v0  }
0x1a: {  	[tilespmem:$0x178] =	vst v0  }
0x1b: {  	[tilespmem:$0x188] =	vst v0  }
0x1c: {  	[tilespmem:$0x198] =	vst v0  }
0x1d: {  	[tilespmem:$0x1A8] =	vst v0  }
0x1e: {  	[tilespmem:$0x1B8] =	vst v0  }
0x1f: {  	[tilespmem:$0x1C8] =	vst v0  }
0x20: {  	[tilespmem:$0x1D8] =	vst v0  }
0x21: {  	[tilespmem:$0x1E8] =	vst v0  }
0x22: {  	[tilespmem:$0x1F8] =	vst v0  }
0x23: {  	[tilespmem:$0x208] =	vst v0  }
0x24: {  	[tilespmem:$0x218] =	vst v0  }
0x25: {  	[tilespmem:$0x228] =	vst v0  }
0x26: {  	[tilespmem:$0x238] =	vst v0  }
0x27: {  	[tilespmem:$0x248] =	vst v0  }
0x28: {  	[tilespmem:$0x258] =	vst v0  }
0x29: {  	[tilespmem:$0x268] =	vst v0  }
0x2a: {  	[tilespmem:$0x278] =	vst v0  }
0x2b: {  	[tilespmem:$0x288] =	vst v0  }
0x2c: {  	[tilespmem:$0x298] =	vst v0  }
0x2d: {  	[tilespmem:$0x2A8] =	vst v0  }
0x2e: {  	[tilespmem:$0x2B8] =	vst v0  }
0x2f: {  	[tilespmem:$0x2C8] =	vst v0  }
0x30: {  	[tilespmem:$0x2D8] =	vst v0  }
0x31: {  	[tilespmem:$0x2E8] =	vst v0  }
0x32: {  	[tilespmem:$0x2F8] =	vst v0  }
0x33: {  	[tilespmem:$0x308] =	vst v0  }
0x34: {  	[tilespmem:$0x318] =	vst v0  }
0x35: {  	[tilespmem:$0x328] =	vst v0  }
0x36: {  	[tilespmem:$0x338] =	vst v0  }
0x37: {  	[tilespmem:$0x348] =	vst v0  }
0x38: {  	[tilespmem:$0x358] =	vst v0  }
0x39: {  	[tilespmem:$0x368] =	vst v0  }
0x3a: {  	[tilespmem:$0x378] =	vst v0  }
0x3b: {  	[tilespmem:$0x388] =	vst v0  }
0x3c: {  	[tilespmem:$0x398] =	vst v0  }
0x3d: {  	[tilespmem:$0x3A8] =	vst v0  }
0x3e: {  	[tilespmem:$0x3B8] =	vst v0  }
0x3f: {  	[tilespmem:$0x3C8] =	vst v0  }
0x40: {  	[tilespmem:$0x3D8] =	vst v0  }
0x41: {  	[tilespmem:$0x3E8] =	vst v0  }
0x42: {  	[tilespmem:$0x3F8] =	vst v0  }
0x43: {  	[tilespmem:$0x408] =	vst v0  }
0x44: {  	[tilespmem:$0x418] =	vst v0  }
0x45: {  	[tilespmem:$0x428] =	vst v0  }
0x46: {  	[tilespmem:$0x438] =	vst v0  }
0x47: {  	[tilespmem:$0x448] =	vst v0  }
0x48: {  	[tilespmem:$0x458] =	vst v0  }
0x49: {  	[tilespmem:$0x468] =	vst v0  }
0x4a: {  	[tilespmem:$0x478] =	vst v0  }
0x4b: {  	[tilespmem:$0x488] =	vst v0  }
0x4c: {  	[tilespmem:$0x498] =	vst v0  }
0x4d: {  	[tilespmem:$0x4A8] =	vst v0  }
0x4e: {  	[tilespmem:$0x4B8] =	vst v0  }
0x4f: {  	[tilespmem:$0x4C8] =	vst v0  }
0x50: {  	[tilespmem:$0x4D8] =	vst v0  }
0x51: {  	[tilespmem:$0x4E8] =	vst v0  }
0x52: {  	[tilespmem:$0x4F8] =	vst v0  }
0x53: {  	[tilespmem:$0x508] =	vst v0  }
0x54: {  	[tilespmem:$0x518] =	vst v0  }
0x55: {  	[tilespmem:$0x528] =	vst v0  }
0x56: {  	[tilespmem:$0x538] =	vst v0  }
0x57: {  	[tilespmem:$0x548] =	vst v0  }
0x58: {  	[tilespmem:$0x558] =	vst v0  }
0x59: {  	[tilespmem:$0x568] =	vst v0  }
0x5a: {  	[tilespmem:$0x578] =	vst v0  }
0x5b: {  	[tilespmem:$0x588] =	vst v0  }
0x5c: {  	[tilespmem:$0x598] =	vst v0  }
0x5d: {  	[tilespmem:$0x5A8] =	vst v0  }
0x5e: {  	[tilespmem:$0x5B8] =	vst v0  }
0x5f: {  	[tilespmem:$0x5C8] =	vst v0  }
0x60: {  	[tilespmem:$0x5D8] =	vst v0  }
0x61: {  	[tilespmem:$0x5E8] =	vst v0  }
0x62: {  	[tilespmem:$0x5F8] =	vst v0  }
0x63: {  	[tilespmem:$0x608] =	vst v0  }
0x64: {  	[tilespmem:$0x618] =	vst v0  }
0x65: {  	[tilespmem:$0x628] =	vst v0  }
0x66: {  	[tilespmem:$0x638] =	vst v0  }
0x67: {  	[tilespmem:$0x648] =	vst v0  }
0x68: {  	[tilespmem:$0x658] =	vst v0  }
0x69: {  	[tilespmem:$0x668] =	vst v0  }
0x6a: {  	[tilespmem:$0x678] =	vst v0  }
0x6b: {  	[tilespmem:$0x688] =	vst v0  }
0x6c: {  	[tilespmem:$0x698] =	vst v0  }
0x6d: {  	[tilespmem:$0x6A8] =	vst v0  }
0x6e: {  	[tilespmem:$0x6B8] =	vst v0  }
0x6f: {  	[tilespmem:$0x6C8] =	vst v0  }
0x70: {  	[tilespmem:$0x6D8] =	vst v0  }
0x71: {  	[tilespmem:$0x6E8] =	vst v0  }
0x72: {  	[tilespmem:$0x6F8] =	vst v0  }
0x73: {  	[tilespmem:$0x708] =	vst v0  }
0x74: {  	[tilespmem:$0x718] =	vst v0  }
0x75: {  	[tilespmem:$0x728] =	vst v0  }
0x76: {  	[tilespmem:$0x738] =	vst v0  }
0x77: {  	[tilespmem:$0x748] =	vst v0  }
0x78: {  	[tilespmem:$0x758] =	vst v0  }
0x79: {  	[tilespmem:$0x768] =	vst v0  }
0x7a: {  	[tilespmem:$0x778] =	vst v0  }
0x7b: {  	[tilespmem:$0x788] =	vst v0  }
0x7c: {  	[tilespmem:$0x798] =	vst v0  }
0x7d: {  	[tilespmem:$0x7A8] =	vst v0  }
0x7e: {  	[tilespmem:$0x7B8] =	vst v0  }
0x7f: {  	[tilespmem:$0x7C8] =	vst v0  }
0x80: {  	[tilespmem:$0x7D8] =	vst v0  }
0x81: {  	[tilespmem:$0x7E8] =	vst v0  }
0x82: {  	[tilespmem:$0x7F8] =	vst v0  }
0x83: {  	[tilespmem:$0x808] =	vst v0  }
0x84: {  	[tilespmem:$0x818] =	vst v0  }
0x85: {  	[tilespmem:$0x828] =	vst v0  }
0x86: {  	[tilespmem:$0x838] =	vst v0  }
0x87: {  	[tilespmem:$0x848] =	vst v0  }
0x88: {  	[tilespmem:$0x858] =	vst v0  }
0x89: {  	[tilespmem:$0x868] =	vst v0  }
0x8a: {  	[tilespmem:$0x878] =	vst v0  }
0x8b: {  	[tilespmem:$0x888] =	vst v0  }
0x8c: {  	[tilespmem:$0x898] =	vst v0  }
0x8d: {  	[tilespmem:$0x8A8] =	vst v0  }
0x8e: {  	[tilespmem:$0x8B8] =	vst v0  }
0x8f: {  	[tilespmem:$0x8C8] =	vst v0  }
0x90: {  	[tilespmem:$0x8D8] =	vst v0  }
0x91: {  	[tilespmem:$0x8E8] =	vst v0  }
0x92: {  	[tilespmem:$0x8F8] =	vst v0  }
0x93: {  	[tilespmem:$0x908] =	vst v0  }
0x94: {  	[tilespmem:$0x918] =	vst v0  }
0x95: {  	[tilespmem:$0x928] =	vst v0  }
0x96: {  	[tilespmem:$0x938] =	vst v0  }
0x97: {  	[tilespmem:$0x948] =	vst v0  }
0x98: {  	[tilespmem:$0x958] =	vst v0  }
0x99: {  	[tilespmem:$0x968] =	vst v0  }
0x9a: {  	[tilespmem:$0x978] =	vst v0  }
0x9b: {  	[tilespmem:$0x988] =	vst v0  }
0x9c: {  	[tilespmem:$0x998] =	vst v0  }
0x9d: {  	[tilespmem:$0x9A8] =	vst v0  }
0x9e: {  	[tilespmem:$0x9B8] =	vst v0  }
0x9f: {  	[tilespmem:$0x9C8] =	vst v0  }
0xa0: {  	[tilespmem:$0x9D8] =	vst v0  }
0xa1: {  	[tilespmem:$0x9E8] =	vst v0  }
0xa2: {  	[tilespmem:$0x9F8] =	vst v0  }
0xa3: {  	[tilespmem:$0xA08] =	vst v0  }
0xa4: {  	[tilespmem:$0xA18] =	vst v0  }
0xa5: {  	[tilespmem:$0xA28] =	vst v0  }
0xa6: {  	[tilespmem:$0xA38] =	vst v0  }
0xa7: {  	[tilespmem:$0xA48] =	vst v0  }
0xa8: {  	[tilespmem:$0xA58] =	vst v0  }
0xa9: {  	[tilespmem:$0xA68] =	vst v0  }
0xaa: {  	[tilespmem:$0xA78] =	vst v0  }
0xab: {  	[tilespmem:$0xA88] =	vst v0  }
0xac: {  	[tilespmem:$0xA98] =	vst v0  }
0xad: {  	[tilespmem:$0xAA8] =	vst v0  }
0xae: {  	[tilespmem:$0xAB8] =	vst v0  }
0xaf: {  	[tilespmem:$0xAC8] =	vst v0  }
0xb0: {  	[tilespmem:$0xAD8] =	vst v0  }
0xb1: {  	[tilespmem:$0xAE8] =	vst v0  }
0xb2: {  	[tilespmem:$0xAF8] =	vst v0  }
0xb3: {  	[tilespmem:$0xB08] =	vst v0  }
0xb4: {  	[tilespmem:$0xB18] =	vst v0  }
0xb5: {  	[tilespmem:$0xB28] =	vst v0  }
0xb6: {  	[tilespmem:$0xB38] =	vst v0  }
0xb7: {  	[tilespmem:$0xB48] =	vst v0  }
0xb8: {  	[tilespmem:$0xB58] =	vst v0  }
0xb9: {  	[tilespmem:$0xB68] =	vst v0  }
0xba: {  	[tilespmem:$0xB78] =	vst v0  }
0xbb: {  	[tilespmem:$0xB88] =	vst v0  }
0xbc: {  	[tilespmem:$0xB98] =	vst v0  }
0xbd: {  	[tilespmem:$0xBA8] =	vst v0  }
0xbe: {  	[tilespmem:$0xBB8] =	vst v0  }
0xbf: {  	[tilespmem:$0xBC8] =	vst v0  }
0xc0: {  	[tilespmem:$0xBD8] =	vst v0  }
0xc1: {  	[tilespmem:$0xBE8] =	vst v0  }
0xc2: {  	[tilespmem:$0xBF8] =	vst v0  }
0xc3: {  	[tilespmem:$0xC08] =	vst v0  }
0xc4: {  	[tilespmem:$0xC18] =	vst v0  }
0xc5: {  	[tilespmem:$0xC28] =	vst v0  }
0xc6: {  	[tilespmem:$0xC38] =	vst v0  }
0xc7: {  	[tilespmem:$0xC48] =	vst v0  }
0xc8: {  	[tilespmem:$0xC58] =	vst v0  }
0xc9: {  	[tilespmem:$0xC68] =	vst v0  }
0xca: {  	[tilespmem:$0xC78] =	vst v0  }
0xcb: {  	[tilespmem:$0xC88] =	vst v0  }
0xcc: {  	[tilespmem:$0xC98] =	vst v0  }
0xcd: {  	[tilespmem:$0xCA8] =	vst v0  }
0xce: {  	[tilespmem:$0xCB8] =	vst v0  }
0xcf: {  	[tilespmem:$0xCC8] =	vst v0  }
0xd0: {  	[tilespmem:$0xCD8] =	vst v0  }
0xd1: {  	[tilespmem:$0xCE8] =	vst v0  }
0xd2: {  	[tilespmem:$0xCF8] =	vst v0  }
0xd3: {  	[tilespmem:$0xD08] =	vst v0  }
0xd4: {  	[tilespmem:$0xD18] =	vst v0  }
0xd5: {  	[tilespmem:$0xD28] =	vst v0  }
0xd6: {  	[tilespmem:$0xD38] =	vst v0  }
0xd7: {  	[tilespmem:$0xD48] =	vst v0  }
0xd8: {  	[tilespmem:$0xD58] =	vst v0  }
0xd9: {  	[tilespmem:$0xD68] =	vst v0  }
0xda: {  	[tilespmem:$0xD78] =	vst v0  }
0xdb: {  	[tilespmem:$0xD88] =	vst v0  }
0xdc: {  	[tilespmem:$0xD98] =	vst v0  }
0xdd: {  	[tilespmem:$0xDA8] =	vst v0  }
0xde: {  	[tilespmem:$0xDB8] =	vst v0  }
0xdf: {  	[tilespmem:$0xDC8] =	vst v0  }
0xe0: {  	[tilespmem:$0xDD8] =	vst v0  }
0xe1: {  	[tilespmem:$0xDE8] =	vst v0  }
0xe2: {  	[tilespmem:$0xDF8] =	vst v0  }
0xe3: {  	[tilespmem:$0xE08] =	vst v0  }
0xe4: {  	[tilespmem:$0xE18] =	vst v0  }
0xe5: {  	[tilespmem:$0xE28] =	vst v0  }
0xe6: {  	[tilespmem:$0xE38] =	vst v0  }
0xe7: {  	[tilespmem:$0xE48] =	vst v0  }
0xe8: {  	[tilespmem:$0xE58] =	vst v0  }
0xe9: {  	[tilespmem:$0xE68] =	vst v0  }
0xea: {  	[tilespmem:$0xE78] =	vst v0  }
0xeb: {  	[tilespmem:$0xE88] =	vst v0  }
0xec: {  	[tilespmem:$0xE98] =	vst v0  }
0xed: {  	[tilespmem:$0xEA8] =	vst v0  }
0xee: {  	[tilespmem:$0xEB8] =	vst v0  }
0xef: {  	[tilespmem:$0xEC8] =	vst v0  }
0xf0: {  	[tilespmem:$0xED8] =	vst v0  }
0xf1: {  	[tilespmem:$0xEE8] =	vst v0  }
0xf2: {  	[tilespmem:$0xEF8] =	vst v0  }
0xf3: {  	[tilespmem:$0xF08] =	vst v0  }
0xf4: {  	[tilespmem:$0xF18] =	vst v0  }
0xf5: {  	[tilespmem:$0xF28] =	vst v0  }
0xf6: {  	[tilespmem:$0xF38] =	vst v0  }
0xf7: {  	[tilespmem:$0xF48] =	vst v0  }
0xf8: {  	[tilespmem:$0xF58] =	vst v0  }
0xf9: {  	[tilespmem:$0xF68] =	vst v0  }
0xfa: {  	[tilespmem:$0xF78] =	vst v0  }
0xfb: {  	[tilespmem:$0xF88] =	vst v0  }
0xfc: {  	[tilespmem:$0xF98] =	vst v0  }
0xfd: {  	[tilespmem:$0xFA8] =	vst v0  }
0xfe: {  	[tilespmem:$0xFB8] =	vst v0  }
0xff: {  	[tilespmem:$0xFC8] =	vst v0  }
0x100: {  	[tilespmem:$0xFD8] =	vst v0  }
0x101: {  	[tilespmem:$0xFE8] =	vst v0  }
0x102: {  	[tilespmem:$0xFF8] =	vst v0  }
0x103: {  	[tilespmem:$0x1028] =	vst v0  }
0x104: {  	[tilespmem:$0x10E8] =	vst v0  }
0x105: {  	[tilespmem:$0x1068] =	vst v0  }
0x106: {  	[tilespmem:$0x1058] =	vst v0  }
0x107: {  	[tilespmem:$0x1B28] =	vst v0  }
0x108: {  	[tilespmem:$0x1B18] =	vst v0  }
0x109: {  	[tilespmem:$0x1B08] =	vst v0  }
0x10a: {  	[tilespmem:$0x1AF8] =	vst v0  }
0x10b: {  	[tilespmem:$0x1AE8] =	vst v0  }
0x10c: {  	[tilespmem:$0x1AD8] =	vst v0  }
0x10d: {  	[tilespmem:$0x1AC8] =	vst v0  }
0x10e: {  	[tilespmem:$0x1AB8] =	vst v0  }
0x10f: {  	[tilespmem:$0x1AA8] =	vst v0  }
0x110: {  	[tilespmem:$0x1A98] =	vst v0  }
0x111: {  	[tilespmem:$0x1A88] =	vst v0  }
0x112: {  	[tilespmem:$0x1A78] =	vst v0  }
0x113: {  	[tilespmem:$0x1A68] =	vst v0  }
0x114: {  	[tilespmem:$0x1A58] =	vst v0  }
0x115: {  	[tilespmem:$0x1A48] =	vst v0  }
0x116: {  	[tilespmem:$0x1A38] =	vst v0  }
0x117: {  	[tilespmem:$0x1A28] =	vst v0  }
0x118: {  	[tilespmem:$0x1A18] =	vst v0  }
0x119: {  	[tilespmem:$0x1A08] =	vst v0  }
0x11a: {  	[tilespmem:$0x19F8] =	vst v0  }
0x11b: {  	[tilespmem:$0x19E8] =	vst v0  }
0x11c: {  	[tilespmem:$0x19D8] =	vst v0  }
0x11d: {  	[tilespmem:$0x19C8] =	vst v0  }
0x11e: {  	[tilespmem:$0x19B8] =	vst v0  }
0x11f: {  	[tilespmem:$0x19A8] =	vst v0  }
0x120: {  	[tilespmem:$0x1998] =	vst v0  }
0x121: {  	[tilespmem:$0x1988] =	vst v0  }
0x122: {  	[tilespmem:$0x1978] =	vst v0  }
0x123: {  	[tilespmem:$0x1968] =	vst v0  }
0x124: {  	[tilespmem:$0x1958] =	vst v0  }
0x125: {  	[tilespmem:$0x1948] =	vst v0  }
0x126: {  	[tilespmem:$0x1938] =	vst v0  }
0x127: {  	[tilespmem:$0x1928] =	vst v0  }
0x128: {  	[tilespmem:$0x1918] =	vst v0  }
0x129: {  	[tilespmem:$0x1908] =	vst v0  }
0x12a: {  	[tilespmem:$0x18F8] =	vst v0  }
0x12b: {  	[tilespmem:$0x18E8] =	vst v0  }
0x12c: {  	[tilespmem:$0x18D8] =	vst v0  }
0x12d: {  	[tilespmem:$0x18C8] =	vst v0  }
0x12e: {  	[tilespmem:$0x18B8] =	vst v0  }
0x12f: {  	[tilespmem:$0x18A8] =	vst v0  }
0x130: {  	[tilespmem:$0x1898] =	vst v0  }
0x131: {  	[tilespmem:$0x1888] =	vst v0  }
0x132: {  	[tilespmem:$0x1878] =	vst v0  }
0x133: {  	[tilespmem:$0x1868] =	vst v0  }
0x134: {  	[tilespmem:$0x1858] =	vst v0  }
0x135: {  	[tilespmem:$0x1848] =	vst v0  }
0x136: {  	[tilespmem:$0x1838] =	vst v0  }
0x137: {  	[tilespmem:$0x1828] =	vst v0  }
0x138: {  	[tilespmem:$0x1818] =	vst v0  }
0x139: {  	[tilespmem:$0x1808] =	vst v0  }
0x13a: {  	[tilespmem:$0x17F8] =	vst v0  }
0x13b: {  	[tilespmem:$0x17E8] =	vst v0  }
0x13c: {  	[tilespmem:$0x17D8] =	vst v0  }
0x13d: {  	[tilespmem:$0x17C8] =	vst v0  }
0x13e: {  	[tilespmem:$0x17B8] =	vst v0  }
0x13f: {  	[tilespmem:$0x17A8] =	vst v0  }
0x140: {  	[tilespmem:$0x1798] =	vst v0  }
0x141: {  	[tilespmem:$0x1788] =	vst v0  }
0x142: {  	[tilespmem:$0x1778] =	vst v0  }
0x143: {  	[tilespmem:$0x1768] =	vst v0  }
0x144: {  	[tilespmem:$0x1758] =	vst v0  }
0x145: {  	[tilespmem:$0x1748] =	vst v0  }
0x146: {  	[tilespmem:$0x1738] =	vst v0  }
0x147: {  	[tilespmem:$0x1728] =	vst v0  }
0x148: {  	[tilespmem:$0x1718] =	vst v0  }
0x149: {  	[tilespmem:$0x1708] =	vst v0  }
0x14a: {  	[tilespmem:$0x16F8] =	vst v0  }
0x14b: {  	[tilespmem:$0x16E8] =	vst v0  }
0x14c: {  	[tilespmem:$0x16D8] =	vst v0  }
0x14d: {  	[tilespmem:$0x16C8] =	vst v0  }
0x14e: {  	[tilespmem:$0x16B8] =	vst v0  }
0x14f: {  	[tilespmem:$0x16A8] =	vst v0  }
0x150: {  	[tilespmem:$0x1698] =	vst v0  }
0x151: {  	[tilespmem:$0x1688] =	vst v0  }
0x152: {  	[tilespmem:$0x1678] =	vst v0  }
0x153: {  	[tilespmem:$0x1668] =	vst v0  }
0x154: {  	[tilespmem:$0x1658] =	vst v0  }
0x155: {  	[tilespmem:$0x1648] =	vst v0  }
0x156: {  	[tilespmem:$0x1638] =	vst v0  }
0x157: {  	[tilespmem:$0x1628] =	vst v0  }
0x158: {  	[tilespmem:$0x1618] =	vst v0  }
0x159: {  	[tilespmem:$0x1608] =	vst v0  }
0x15a: {  	[tilespmem:$0x15F8] =	vst v0  }
0x15b: {  	[tilespmem:$0x15E8] =	vst v0  }
0x15c: {  	[tilespmem:$0x15D8] =	vst v0  }
0x15d: {  	[tilespmem:$0x15C8] =	vst v0  }
0x15e: {  	[tilespmem:$0x15B8] =	vst v0  }
0x15f: {  	[tilespmem:$0x15A8] =	vst v0  }
0x160: {  	[tilespmem:$0x1598] =	vst v0  }
0x161: {  	[tilespmem:$0x1588] =	vst v0  }
0x162: {  	[tilespmem:$0x1578] =	vst v0  }
0x163: {  	[tilespmem:$0x1568] =	vst v0  }
0x164: {  	[tilespmem:$0x1558] =	vst v0  }
0x165: {  	[tilespmem:$0x1548] =	vst v0  }
0x166: {  	[tilespmem:$0x1538] =	vst v0  }
0x167: {  	[tilespmem:$0x1528] =	vst v0  }
0x168: {  	[tilespmem:$0x1518] =	vst v0  }
0x169: {  	[tilespmem:$0x1508] =	vst v0  }
0x16a: {  	[tilespmem:$0x14F8] =	vst v0  }
0x16b: {  	[tilespmem:$0x14E8] =	vst v0  }
0x16c: {  	[tilespmem:$0x14D8] =	vst v0  }
0x16d: {  	[tilespmem:$0x14C8] =	vst v0  }
0x16e: {  	[tilespmem:$0x14B8] =	vst v0  }
0x16f: {  	[tilespmem:$0x14A8] =	vst v0  }
0x170: {  	[tilespmem:$0x1498] =	vst v0  }
0x171: {  	[tilespmem:$0x1488] =	vst v0  }
0x172: {  	[tilespmem:$0x1478] =	vst v0  }
0x173: {  	[tilespmem:$0x1468] =	vst v0  }
0x174: {  	[tilespmem:$0x1458] =	vst v0  }
0x175: {  	[tilespmem:$0x1448] =	vst v0  }
0x176: {  	[tilespmem:$0x1438] =	vst v0  }
0x177: {  	[tilespmem:$0x1428] =	vst v0  }
0x178: {  	[tilespmem:$0x1418] =	vst v0  }
0x179: {  	[tilespmem:$0x1408] =	vst v0  }
0x17a: {  	[tilespmem:$0x13F8] =	vst v0  }
0x17b: {  	[tilespmem:$0x13E8] =	vst v0  }
0x17c: {  	[tilespmem:$0x13D8] =	vst v0  }
0x17d: {  	[tilespmem:$0x13C8] =	vst v0  }
0x17e: {  	[tilespmem:$0x13B8] =	vst v0  }
0x17f: {  	[tilespmem:$0x13A8] =	vst v0  }
0x180: {  	[tilespmem:$0x1398] =	vst v0  }
0x181: {  	[tilespmem:$0x1388] =	vst v0  }
0x182: {  	[tilespmem:$0x1378] =	vst v0  }
0x183: {  	[tilespmem:$0x1368] =	vst v0  }
0x184: {  	[tilespmem:$0x1358] =	vst v0  }
0x185: {  	[tilespmem:$0x1348] =	vst v0  }
0x186: {  	[tilespmem:$0x1338] =	vst v0  }
0x187: {  	[tilespmem:$0x1328] =	vst v0  }
0x188: {  	[tilespmem:$0x1318] =	vst v0  }
0x189: {  	[tilespmem:$0x1308] =	vst v0  }
0x18a: {  	[tilespmem:$0x12F8] =	vst v0  }
0x18b: {  	[tilespmem:$0x12E8] =	vst v0  }
0x18c: {  	[tilespmem:$0x12D8] =	vst v0  }
0x18d: {  	[tilespmem:$0x12C8] =	vst v0  }
0x18e: {  	[tilespmem:$0x12B8] =	vst v0  }
0x18f: {  	[tilespmem:$0x12A8] =	vst v0  }
0x190: {  	[tilespmem:$0x1298] =	vst v0  }
0x191: {  	[tilespmem:$0x1288] =	vst v0  }
0x192: {  	[tilespmem:$0x1278] =	vst v0  }
0x193: {  	[tilespmem:$0x1268] =	vst v0  }
0x194: {  	[tilespmem:$0x1258] =	vst v0  }
0x195: {  	[tilespmem:$0x1248] =	vst v0  }
0x196: {  	[tilespmem:$0x1238] =	vst v0  }
0x197: {  	[tilespmem:$0x1228] =	vst v0  }
0x198: {  	[tilespmem:$0x1218] =	vst v0  }
0x199: {  	[tilespmem:$0x1208] =	vst v0  }
0x19a: {  	[tilespmem:$0x11F8] =	vst v0  }
0x19b: {  	[tilespmem:$0x11E8] =	vst v0  }
0x19c: {  	[tilespmem:$0x11D8] =	vst v0  }
0x19d: {  	[tilespmem:$0x11C8] =	vst v0  }
0x19e: {  	[tilespmem:$0x11B8] =	vst v0  }
0x19f: {  	[tilespmem:$0x11A8] =	vst v0  }
0x1a0: {  	[tilespmem:$0x1198] =	vst v0  }
0x1a1: {  	[tilespmem:$0x1188] =	vst v0  }
0x1a2: {  	[tilespmem:$0x1178] =	vst v0  }
0x1a3: {  	[tilespmem:$0x1168] =	vst v0  }
0x1a4: {  	[tilespmem:$0x1158] =	vst v0  }
0x1a5: {  	[tilespmem:$0x1148] =	vst v0  }
0x1a6: {  	[tilespmem:$0x1138] =	vst v0  }
0x1a7: {  	s4 =	stileid.u32;
	[tilespmem:$0x1128] =	vst v0  }
0x1a8: {  	s0 =	smul.u32 $0x5C, s4;
	[tilespmem:$0x1118] =	vst v0  }
0x1a9: {  	s2 =	smin.u32 s4, $0xA;
	[tilespmem:$0x1108] =	vst v0  }
0x1aa: {  	[tilespmem:$0x10F8] =	vst v0;
	s0 =	sadd.s32 s2, s0  }
0x1ab: {  	p0 =	slt.u32 s4, $0xA;
	[tilespmem:$0x10C8] =	vst v0;
	s2 =	simm.s32 $0x9CF0;
	s6 =	smul.u32 $0x1B0, s0  }
0x1ac: {  	s2 =	simm.s32 @!p0 $0x9B40;
	[tilespmem:$0x10D8] =	vst v0  }
0x1ad: {  	[tilespmem:$0x10B8] =	vst v0;
	s0 =	sadd.s32 s2, s6  }
0x1ae: {  	s5 =	simm.s32 $0x2;
	[tilespmem:$0x1038] =	vst v0;
	s7 =	smin.u32 s0, $0x9C400  }
0x1af: {  	s8 =	simm.s32 $0x9;
	s10 =	simm.s32 $0xA;
	[tilespmem:$0x10A8] =	vst v0;
	s0 =	ssub.s32 s7, s6  }
0x1b0: {  	s30 =	simm.s32 $0xB;
	s16 =	simm.s32 $0x0;
	[tilespmem:$0x1098] =	vst v0;
	p0 =	sgt.s32 s0, $0x0  }
0x1b1: {  	p4 =	por $0x0, $0x0;
	s17 =	simm.s32 $0xC;
	[tilespmem:$0x1088] =	vst v0;
	s0 =	simm.s32 @!p0 $0x0  }
0x1b2: {  	s21 =	simm.s32 $0x0;
	s18 =	simm.s32 $0x0;
	[tilespmem:$0x1078] =	vst v0;
	s28 =	smulhi.u32 $0x4BDA12F7, s0  }
0x1b3: {  	s20 =	simm.s32 $0x0;
	s3 =	sand.u32 $0x1, s3;
	s31 =	sshll.u32 s4, $0x5;
	[tilespmem:$0x1048] =	vst v0  }
0x1b4: {  	s2 =	sshrl.u32 s28, $0x7;
	[tilespmem:$0x1018] =	vst v0;
	[dreg:$0x6] =	wrdreg s3;
	s3 =	smul.u32 $0x13880, s3  }
0x1b5: {  	[tilespmem:$0x1008] =	vst v0;
	[sflag:s5] =	ssyncpa.u1 $0x0;
	v0 =	vimm.s32 $0xFFFFFFFF;
	[dreg:$0x5] =	wrdreg s31;
	s29 =	smul.u32 $0x1B0, s2  }
.Ltmp0:
0x1b6: {  	[tilespmem:$0x3648] =	vst v0;
	[sflag:s8] =	ssyncpa.u1 $0x0;
	s3 =	sadd.s32 s3, s11;
	(pc) =	sbr.rel .LBB2_1-.Ltmp0, $4  }
0x1b7: {  	[sflag:s10] =	ssyncpa.u1 $0x0;
	s11 =	sadd.s32 $0x15D6400, s11;
	p0 =	sne.s32 s0, s29  }
0x1b8: {  	[sflag:s30] =	ssyncpa.u1 $0x0;
	s14 =	sadd.s32 $0x1401600, s3;
	s12 =	simm.s32 @!p0 $0x0  }
0x1b9: {  	s15 =	sadd.s32 $0x13DA400, s3;
	s19 =	smov.u32 s6;
	s12 =	sadd.s32 s12, s2  }
0x1ba: {  	v0 =	vlaneseq.u32;
	[dreg:$0x7] =	wrdreg s6;
	p0 =	por $0x1, $0x1;
	s4 =	sadd.s32 $0x1, s12  }
.LBB2_18:
0x1bb: {  	s0 =	simm.s32 $0x2  }
0x1bc: {  	_ =	swait.ge [sflag:s0], $0x0  }
0x1bd: {  	[sflag:s0] =	ssyncset.done $0x0;
	s0 =	simm.s32 $0x0  }
.LBB2_19:
0x1be: {  	_ =	swait.ge [sflag:s17], s0  }
0x1bf: {  	s31 =	ssub.s32 $0x0, s0;
	v1 =	vmov s23;
	vm0 =	veq.s32 v0, $0x0;
	[sflag:s17] =	ssyncset.done $0x0  }
0x1c0: {  	vm15 =	veq.s32 v0, $0x2;
	v1 =	vsel vm0, s28, v1;
	[sflag:s17] =	ssyncadd.s32 s31  }
0x1c1: {  	v1 =	vsel vm15, s21, v1;
	[sflag:s17] =	ssyncpa.u1 $0x1  }
0x1c2: {  	[tilespmem:$0x3648] =	vst v1  }
.LBB2_20:
0x1c3: {  	s0 =	sadd.s32 $0x1B0, s19  }
0x1c4: {  	s2 =	smov.u32 s6;
	p1 =	slt.s32 s0, s7  }
0x1c5: {  	s2 =	smov.u32 @p1 s0;
	p1 =	sne.s32 s20, s4  }
.Ltmp1:
0x1c6: {  	_ = 	snop;
	(pc) =	sbr.rel @!p1 .LBB2_21-.Ltmp1, $4  }
0x1c7: {  	_ = 	snop  }
0x1c8: {  	s21 =	smov.u32 s18  }
0x1c9: {  	s31 =	sadd.s32 $0x1, s20;
	s18 =	smov.u32 s19;
	p0 =	por !p0, !p0  }
0x1ca: {  	p4 =	por !p4, !p4;
	s20 =	smov.u32 s31;
	s19 =	smov.u32 s2  }
.LBB2_1:
0x1cb: {  	p2 =	sge.u32 s20, s12  }
0x1cc: {  	s0 =	smulhi.u32 @!p2 $0xAAAAAAAB, s20  }
0x1cd: {  	s2 =	smov.u32 s19;
	p3 =	sgt.s32 @!p2 s19, $0x9C250  }
0x1ce: {  	s3 =	sshra.s32 @!p2 s19, $0x1F;
	p3 =	por !p3, p2;
	s0 =	sshrl.u32 @!p2 s0, $0x1  }
0x1cf: {  	s3 =	sand.u32 @!p2 s3, s19;
	s2 =	simm.s32 @p3 $0x9C250;
	s0 =	smul.u32 @!p2 $0x3, s0  }
0x1d0: {  	s2 =	ssub.s32 @!p2 s2, s3  }
0x1d1: {  	s23 =	sadd.s32 $0xFFFFFFFF, s20;
	s2 =	sadd.s32 @!p2 $0xFFF63DB0, s2;
	s0 =	ssub.s32 @!p2 s20, s0  }
0x1d2: {  	s3 =	sshll.u32 @!p2 s2, $0x2;
	p3 =	sgt.s32 @!p2 s2, $0x1AF;
	s0 =	smul.u32 @!p2 $0x6C0, s0  }
0x1d3: {  	s5 =	sand.u32 @!p2 $0x7, s19;
	s2 =	ssub.s32 @!p2 $0x6C0, s3;
	p3 =	por !p3, p2  }
0x1d4: {  	s3 =	sshrl.u32 @!p2 s19, $0x3;
	s2 =	sshrl.u32 @!p2 s2, $0x2;
	s0 =	sshrl.u32 @!p2 s0, $0x2  }
0x1d5: {  	s3 =	sadd.s32 @!p2 s3, s14;
	s2 =	simm.s32 @!p3 $0x0;
	s0 =	sadd.s32 @!p2 $0x3888, s0  }
0x1d6: {  	[tilespmem:s0], [sflag:$0xA] =	stream.linear.gather @!p2 [hbm4b:s3+s5], s2, $0x38;
	[tilespmem:$0x1F0F8] =	vst v63  }
0x1d7: {  	p2 =	sge.u32 s23, s12  }
0x1d8: {  	p3 =	sgt.s32 @!p2 s18, $0x9C250  }
0x1d9: {  	s0 =	smov.u32 s18;
	s2 =	sshra.s32 @!p2 s18, $0x1F;
	p3 =	por !p3, p2  }
0x1da: {  	s2 =	sand.u32 @!p2 s2, s18;
	s0 =	simm.s32 @p3 $0x9C250  }
0x1db: {  	s0 =	ssub.s32 @!p2 s0, s2  }
0x1dc: {  	s0 =	sadd.s32 @!p2 $0xFFF63DB0, s0  }
0x1dd: {  	s2 =	sshll.u32 @!p2 s0, $0x2  }
0x1de: {  	p3 =	sgt.s32 @!p2 s0, $0x1AF;
	s0 =	ssub.s32 @!p2 $0x6C0, s2  }
0x1df: {  	s22 =	ssub.s32 @!p2 $0x9C400, s18;
	p3 =	por !p3, p2;
	s0 =	sshrl.u32 @!p2 s0, $0x2  }
0x1e0: {  	s2 =	sand.u32 @!p2 $0x1, s23;
	s0 =	simm.s32 @!p3 $0x0;
	p3 =	slt.s32 @!p2 s22, $0x1  }
0x1e1: {  	s3 =	simm.s32 @!p2 $0xA;
	s2 =	smul.u32 @!p2 $0x6C0, s2;
	p3 =	por p2, p3  }
.Ltmp2:
0x1e2: {  	_ =	swait.ge @!p2 [sflag:s3], s0;
	(pc) =	sbr.rel @p3 .LBB2_7-.Ltmp2, $4  }
0x1e3: {  	s5 =	ssub.s32 @!p2 $0x0, s0;
	[sflag:s3] =	ssyncset.done @!p2 $0x0  }
0x1e4: {  	s2 =	sshrl.u32 @!p2 s2, $0x2;
	[sflag:s3] =	ssyncadd.s32 @!p2 s5;
	s3 =	sshrl.u32 @!p2 s18, $0x3  }
0x1e5: {  	s2 =	sadd.s32 @!p2 $0x3D98, s2;
	s5 =	sand.u32 @!p2 $0x7, s18;
	s3 =	sadd.s32 @!p2 s3, s15  }
0x1e6: {  	[tilespmem:s2], [sflag:$0xB] =	stream.linear.gather @!p2 [hbm4b:s3+s5], s0, $0x38;
	[tilespmem:$0x1F0F8] =	vst v63  }
0x1e7: {  	s0 =	smulhi.u32 $0xAAAAAAAB, s23;
	_ =	sdelay $0x1  }
0x1e8: {  	s0 =	sshrl.u32 s0, $0x1  }
0x1e9: {  	s0 =	smul.u32 $0x3, s0;
	_ =	sdelay $0x1  }
0x1ea: {  	s0 =	ssub.s32 s23, s0  }
0x1eb: {  	s2 =	simm.s32 $0x1;
	s0 =	smul.u32 $0x6C0, s0  }
.Ltmp3:
0x1ec: {  	s2 =	simm.s32 @!p0 $0x0;
	(pc) =	sbr.rel .LBB2_4-.Ltmp3, $4  }
0x1ed: {  	s2 =	smul.u32 $0x36000, s2  }
0x1ee: {  	p3 =	slt.s32 @!p2 s22, $0x1B0;
	s0 =	sshrl.u32 s0, $0x2  }
0x1ef: {  	p2 =	por !p3, p2;
	s2 =	sshrl.u32 s2, $0x2;
	s0 =	sadd.s32 $0x3888, s0  }
0x1f0: {  	s24 =	simm.s32 $0x0;
	s22 =	simm.s32 @p2 $0x1B0;
	s23 =	sadd.s32 $0x40F8, s2;
	v1 =	vmov s0  }
.LBB2_3:
0x1f1: {  	p2 =	sge.s32 s24, s22  }
.Ltmp4:
0x1f2: {  	_ = 	snop;
	(pc) =	sbr.rel @p2 .LBB2_7-.Ltmp4, $2  }
0x1f3: {  	_ =	sdelay $0x2  }
0x1f4: {  	s23 =	sadd.s32 $0x800, s23  }
.LBB2_4:
0x1f5: {  	p2 =	sle.s32 s22, s24  }
.Ltmp5:
0x1f6: {  	_ = 	snop;
	(pc) =	sbr.rel @p2 .LBB2_3-.Ltmp5, $2  }
0x1f7: {  	_ =	sdelay $0x2  }
0x1f8: {  	s0 =	smov.u32 s24;
	s24 =	sadd.s32 $0x10, s24  }
0x1f9: {  	s2 =	ssub.s32 s22, s0  }
0x1fa: {  	p2 =	slt.s32 s2, $0x10  }
0x1fb: {  	s2 =	simm.s32 @!p2 $0x10  }
0x1fc: {  	v2 =	vmov s2  }
0x1fd: {  	vm0 =	vgt.s32 v2, v0;
	_ =	sdelay $0x5  }
0x1fe: {  	v2 =	vld.idx.msk [tilespmem:v1+s0+$0x0 ss:$0x1], vm0;
	_ =	sdelay $0x2  }
0x1ff: {  	p2 =	slt.s32 s24, s22;
	s2 =	smov.u32 s22  }
0x200: {  	s3 =	smov.u32 s23;
	s25 =	simm.s32 $0x0;
	s2 =	smov.u32 @p2 s24  }
.LBB2_6:
0x201: {  	(v2sf) =	vpush v2, s25;
	_ =	sdelay $0xc  }
0x202: {  	s25 =	sadd.s32 $0x1, s25  }
0x203: {  	s31 =	sadd.s32 s25, s0  }
0x204: {  	p2 =	slt.s32 s31, s2;
	s5 =	spop (v2sf)  }
.Ltmp6:
0x205: {  	s5 =	sshll.u32 s5, $0x4;
	(pc) =	sbr.rel @p2 .LBB2_6-.Ltmp6, $4  }
0x206: {  	s5 =	sand.u32 $0x1FFFFFF0, s5  }
0x207: {  	s5 =	sadd.s32 s11, s5  }
0x208: {  	[tilespmem:s3], [sflag:$0x9] =	stream.linear.gather [hbm4b:s5+s16], $0x8, $0x38;
	[tilespmem:$0x1F0F8] =	vst v63  }
0x209: {  	s3 =	sadd.s32 $0x80, s3  }
.Ltmp7:
0x20a: {  	_ = 	snop;
	(pc) =	sbr.rel .LBB2_3-.Ltmp7, $1  }
0x20b: {  	_ =	sdelay $0x3  }
.LBB2_7:
0x20c: {  	p2 =	slt.u32 s20, $0x2  }
.Ltmp8:
0x20d: {  	_ = 	snop;
	(pc) =	sbr.rel @p2 .LBB2_20-.Ltmp8, $1  }
0x20e: {  	_ =	sdelay $0x3  }
0x20f: {  	p2 =	sgt.s32 s21, $0x9C250  }
0x210: {  	s0 =	smov.u32 s21;
	s2 =	sshra.s32 s21, $0x1F;
	s3 =	ssub.s32 $0x9C400, s21  }
0x211: {  	s0 =	simm.s32 @!p2 $0x9C250;
	s2 =	sand.u32 s2, s21;
	p2 =	slt.s32 s3, $0x1B0  }
0x212: {  	s0 =	ssub.s32 s0, s2;
	s3 =	simm.s32 @!p2 $0x1B0  }
0x213: {  	s0 =	sadd.s32 $0xFFF63DB0, s0;
	s24 =	sshll.u32 s3, $0x3  }
0x214: {  	s28 =	simm.s32 $0x9;
	s25 =	sshll.u32 s0, $0x2;
	s2 =	sand.u32 $0x3FFFFFF8, s24  }
0x215: {  	p2 =	sgt.s32 s0, $0x1AF;
	s26 =	ssub.s32 $0x6C0, s25;
	_ =	swait.ge [sflag:s28], s2  }
0x216: {  	s2 =	ssub.s32 $0x0, s2;
	[sflag:s28] =	ssyncset.done $0x0;
	s0 =	sshrl.u32 s26, $0x2  }
0x217: {  	s30 =	simm.s32 $0xB;
	[sflag:s28] =	ssyncadd.s32 s2;
	s0 =	simm.s32 @p2 $0x0  }
0x218: {  	_ =	swait.ge [sflag:s30], s0  }
0x219: {  	s0 =	ssub.s32 $0x0, s0;
	[sflag:s30] =	ssyncset.done $0x0  }
0x21a: {  	[sflag:s30] =	ssyncadd.s32 s0  }
0x21b: {  	v1 =	vld [tilespmem:$0x3648];
	_ =	sdelay $0x4  }
0x21c: {  	(v2sf) =	vpush v1, $0x0  }
0x21d: {  	(v2sf) =	vpush v1, $0x1  }
0x21e: {  	(v2sf) =	vpush v1, $0x2;
	_ =	sdelay $0x3  }
0x21f: {  	s0 =	sadd.s32 $0x1B0, s21  }
0x220: {  	s2 =	ssub.s32 $0x138800, s21;
	p2 =	slt.s32 s7, s0  }
0x221: {  	s0 =	smov.u32 @p2 s7;
	p2 =	sgt.s32 s2, $0x0  }
0x222: {  	s25 =	ssub.s32 s0, s21;
	s2 =	simm.s32 @!p2 $0x0  }
0x223: {  	p2 =	slt.s32 s2, s25  }
0x224: {  	s25 =	smov.u32 @p2 s2  }
0x225: {  	s24 =	simm.s32 $0x1;
	p2 =	slt.s32 s25, $0x1  }
.Ltmp9:
0x226: {  	s24 =	simm.s32 @!p4 $0x0;
	(pc) =	sbr.rel @p2 .LBB2_12-.Ltmp9, $4  }
0x227: {  	s31 =	smul.u32 $0x6C0, s24  }
0x228: {  	s26 =	spop (v2sf)  }
0x229: {  	s0 =	sshrl.u32 s31, $0x2;
	s29 =	spop (v2sf)  }
0x22a: {  	s22 =	sadd.s32 $0x3D98, s0;
	s21 =	spop (v2sf)  }
0x22b: {  	s0 =	smin.u32 s25, $0x10  }
0x22c: {  	v1 =	vmov s0  }
0x22d: {  	p3 =	sgt.s32 s25, $0x10;
	vm1 =	vgt.u32 v1, v0  }
.Ltmp10:
0x22e: {  	_ = 	snop;
	(pc) =	sbr.rel @!p3 .LBB2_11-.Ltmp10, $2  }
0x22f: {  	_ =	sdelay $0x2  }
0x230: {  	s23 =	simm.s32 $0x10;
	s28 =	sadd.s32 $0xFFFFFFF0, s25;
	s0 =	smov.u32 s22;
	vm0 =	vmmov vm1  }
.LBB2_10:
0x231: {  	s2 =	smin.u32 s28, $0x10;
	s23 =	sadd.s32 $0x10, s23;
	v1 =	vld.msk [tilespmem:s0+$0x0 ss:$0x1], vm1  }
0x232: {  	v2 =	vmov s2;
	p3 =	slt.s32 s23, s25  }
0x233: {  	vm1 =	vgt.u32 v2, v0  }
.Ltmp11:
0x234: {  	(pc) =	sbr.rel @p3 .LBB2_10-.Ltmp11, $3  }
0x235: {  	_ =	sdelay $0x1  }
0x236: {  	v1 =	vshll.u32 v1, $0x4  }
0x237: {  	s28 =	sadd.s32 $0xFFFFFFF0, s28;
	[tilespmem:s0+$0x0] =	vst.msk vm0, v1;
	s0 =	sadd.s32 $0x10, s0;
	vm0 =	vmmov vm1  }
.LBB2_11:
0x238: {  	_ =	sdelay $0x4  }
0x239: {  	v1 =	vld.msk [tilespmem:s0+$0x0 ss:$0x1], vm1;
	_ =	sdelay $0x4  }
0x23a: {  	v1 =	vshll.u32 v1, $0x4  }
0x23b: {  	[tilespmem:s0+$0x0] =	vst.msk vm0, v1  }
.LBB2_12:
0x23c: {  	s0 =	sand.u32 $0x1, s20  }
0x23d: {  	s0 =	smul.u32 $0x1B0, s0  }
0x23e: {  	p3 =	sne.s32 s29, $0xFFFFFFFF  }
0x23f: {  	v1 =	vld.msk @!p3 [tilespmem:s0+$0x3D98], $0x1;
	_ =	sdelay $0x4  }
0x240: {  	(v2sf) =	vpush @!p3 v1, $0x0;
	_ =	sdelay $0xc  }
.Ltmp12:
0x241: {  	_ = 	snop;
	(pc) =	sbr.rel @p2 .LBB2_18-.Ltmp12, $4  }
0x242: {  	_ = 	snop  }
0x243: {  	s28 =	spop @!p3 (v2sf)  }
0x244: {  	s21 =	simm.s32 @!p3 $0x0;
	s23 =	smov.u32 s28  }
0x245: {  	[sflag:s17] =	ssyncpa.u1 $0x0;
	s28 =	smov.u32 @p3 s26;
	s23 =	smov.u32 @p3 s29  }
0x246: {  	v1 =	vld.msk [tilespmem:s22+$0x0], $0x1;
	_ =	sdelay $0x4  }
0x247: {  	(v2sf) =	vpush v1, $0x0;
	_ =	sdelay $0xe  }
0x248: {  	s0 =	simm.s32 @!p4 $0x0;
	s26 =	smul.u32 $0x36000, s24;
	s31 =	spop (v2sf)  }
0x249: {  	s29 =	ssub.s32 $0x0, s25;
	s0 =	simm.s32 @p4 $0x1;
	p2 =	seq.s32 s28, s31  }
0x24a: {  	s2 =	smov.u32 s28;
	[smem:$0x7FD] =	sst s0;
	p3 =	sgt.s32 @!p2 s28, $0x0  }
0x24b: {  	s0 =	sshrl.u32 s26, $0x2;
	s26 =	sadd.s32 $0x1, s29;
	p3 =	por !p3, p2  }
0x24c: {  	s2 =	simm.s32 @p3 $0x0;
	p3 =	seq.s32 s26, $0x0  }
.Ltmp13:
0x24d: {  	_ = 	snop;
	(pc) =	sbr.rel @p3 .LBB2_15-.Ltmp13, $4  }
0x24e: {  	s6 =	smov.u32 s4;
	s25 =	simm.s32 $0x0  }
0x24f: {  	s24 =	sadd.s32 $0x40F8, s0;
	s0 =	simm.s32 @!p2 $0x1;
	s3 =	smin.u32 @!p2 s2, $0x9C3FF  }
0x250: {  	s30 =	sadd.s32 $0x1, s22;
	s0 =	smov.u32 @p2 s25;
	s5 =	sand.u32 @!p2 $0xFFFF8, s3  }
0x251: {  	s2 =	simm.s32 @!p2 $0x1B38;
	s3 =	sand.u32 @!p2 $0x7, s3;
	s5 =	sadd.s32 @!p2 s1, s5  }
.LBB2_14:
0x252: {  	s4 =	smov.u32 s0  }
0x253: {  	[tilespmem:s2], [sflag:$0x2] =	stream.linear.gather @!p2 [hbm4b:s5+s3], $0x8, $0x38;
	[tilespmem:$0x1F0F8] =	vst v63  }
0x254: {  	s26 =	sadd.s32 $0x1, s26;
	s3 =	smov.u32 s31;
	v1 =	vld.msk [tilespmem:s30+$0x0], $0x1  }
0x255: {  	p3 =	seq.s32 s26, $0x0;
	_ =	sdelay $0x3  }
0x256: {  	(v2sf) =	vpush v1, $0x0;
	_ =	sdelay $0xe  }
0x257: {  	s31 =	spop (v2sf)  }
0x258: {  	p2 =	seq.s32 s3, s31  }
0x259: {  	p4 =	sgt.s32 @!p2 s3, $0x0;
	s2 =	sshll.u32 @!p2 s0, $0x6;
	s0 =	sadd.s32 @!p2 $0x1, s0  }
.Ltmp14:
0x25a: {  	p4 =	por !p4, p2;
	s2 =	sshra.s32 @!p2 s2, $0x2;
	(pc) =	sbr.rel @!p3 .LBB2_14-.Ltmp14, $4  }
0x25b: {  	s0 =	smov.u32 @p2 s4;
	s3 =	simm.s32 @p4 $0x0;
	s2 =	sadd.s32 @!p2 $0x1B38, s2  }
0x25c: {  	s3 =	smin.u32 @!p2 s3, $0x9C3FF  }
0x25d: {  	s4 =	sand.u32 @!p2 $0xFFFF8, s3;
	s3 =	sand.u32 @!p2 $0x7, s3  }
0x25e: {  	s30 =	sadd.s32 $0x1, s30;
	s5 =	sadd.s32 @!p2 s1, s4  }
.LBB2_15:
0x25f: {  	[tilespmem:s2], [sflag:$0x2] =	stream.linear.gather @!p2 [hbm4b:s5+s3], $0x8, $0x38;
	[tilespmem:$0x1F0F8] =	vst v63  }
0x260: {  	s0 =	sshll.u32 s0, $0x3  }
0x261: {  	s31 =	simm.s32 $0x2;
	s0 =	sand.u32 $0x3FFFFFF8, s0  }
0x262: {  	_ =	swait.ge [sflag:s31], s0  }
0x263: {  	s0 =	ssub.s32 $0x0, s0;
	[sflag:s31] =	ssyncset.done $0x0  }
0x264: {  	[sflag:s31] =	ssyncadd.s32 s0  }
0x265: {  	v1 =	vld.msk [tilespmem:s22+$0x0], $0x1;
	_ =	sdelay $0x4  }
0x266: {  	(v2sf) =	vpush v1, $0x0;
	_ =	sdelay $0xe  }
0x267: {  	s26 =	spop (v2sf)  }
0x268: {  	p2 =	sne.s32 s28, s26  }
0x269: {  	p4 =	sne.s32 @p2 s28, s23  }
0x26a: {  	p3 =	por !p4, !p2  }
0x26b: {  	s0 =	simm.s32 @!p3 $0x0  }
0x26c: {  	v1 =	vld.msk @!p3 [tilespmem:s0+$0x1B38], $0xff  }
0x26d: {  	p5 =	sgt.u32 @!p3 s28, $0x9C3FF  }
0x26e: {  	s2 =	sshll.u32 @!p3 s21, $0x6;
	p6 =	por @p2 p5, !p4  }
0x26f: {  	s2 =	sshra.s32 @!p3 s2, $0x2;
	p1 =	por p6, !p2;
	p6 =	por p4, !p2  }
0x270: {  	s3 =	sadd.s32 @!p3 $0x28, s2;
	s4 =	sand.u32 @!p1 $0xFFFF8, s28;
	s5 =	sshll.u32 @!p6 s21, $0x6  }
0x271: {  	s28 =	sand.u32 @!p1 $0x7, s28;
	[tilespmem:s2+$0x28] =	vst.add.f32.msk @!p3 $0xff, v1;
	s2 =	sadd.s32 @!p1 s1, s4;
	s4 =	sshra.s32 @!p6 s5, $0x2  }
0x272: {  	[hbm4b:s2+s28] =	stream.linear.scatter @!p1 [tilespmem:s3], [sflag:$0xC], $0x8, $0x38;
	[tilespmem:$0x1F0F8] =	vst v63  }
0x273: {  	s0 =	rddreg [dreg:$0x5];
	s2 =	sadd.s32 @!p6 $0x28, s4;
	s3 =	simm.s32 @!p6 $0x1  }
0x274: {  	[spmem:s0] =	stream.linear.scatter @!p6 [tilespmem:s2], [sflag:$0x1], $0x8, $0x38;
	[tilespmem:$0x1F0F8] =	vst v63  }
0x275: {  	s0 =	sadd.s32 @p2 $0x1, s21;
	_ =	swait.ge @!p6 [sflag:s3], $0x8  }
0x276: {  	s2 =	sshrl.u32 @p2 s0, $0x4;
	[sflag:s3] =	ssyncset.done @!p6 $0x0  }
0x277: {  	s2 =	smulhi.u32 @p2 $0x97B425F, s2;
	[sflag:s3] =	ssyncadd.s32 @!p6 $0xFFFFFFF8  }
0x278: {  	s28 =	sadd.s32 $0x1, s29;
	v1 =	vld.msk @p2 [tilespmem:s24+$0x0], $0xff  }
0x279: {  	p1 =	por @p2 !p5, !p4;
	p4 =	seq.s32 s28, $0x0;
	s2 =	smul.u32 @p2 $0x1B0, s2  }
.Ltmp15:
0x27a: {  	p1 =	por !p1, !p2;
	s3 =	simm.s32 @!p3 $0x0;
	(pc) =	sbr.rel @p4 .LBB2_17-.Ltmp15, $4  }
0x27b: {  	s4 =	sshll.u32 @!p2 s21, $0x6;
	s3 =	simm.s32 @!p1 $0x20;
	s0 =	ssub.s32 @p2 s0, s2  }
0x27c: {  	s29 =	simm.s32 $0x0;
	s3 =	sadd.s32 @!p3 $0x0, s3;
	s5 =	sshll.u32 @p2 s0, $0x4  }
0x27d: {  	s30 =	sshra.s32 @!p2 s4, $0x2;
	s2 =	simm.s32 @p2 $0x1;
	s3 =	smov.u32 @p3 s25;
	[tilespmem:s5+$0x28] =	vst.msk @p2 $0xff, v1  }
0x27e: {  	s21 =	smov.u32 @p2 s0;
	s29 =	smov.u32 @p2 s3;
	s25 =	smov.u32 @p2 s2;
	v1 =	vld.msk @!p2 [tilespmem:s24+$0x0], $0xff  }
.LBB2_16:
0x27f: {  	_ =	sdelay $0x3  }
0x280: {  	s22 =	sadd.s32 $0x1, s22;
	[tilespmem:s30+$0x28] =	vst.add.f32.msk @!p2 $0xff, v1  }
0x281: {  	v1 =	vld.msk [tilespmem:s22+$0x0], $0x1;
	_ =	sdelay $0x4  }
0x282: {  	(v2sf) =	vpush v1, $0x0;
	_ =	sdelay $0xe  }
0x283: {  	s0 =	smov.u32 s26;
	s26 =	spop (v2sf)  }
0x284: {  	p2 =	sne.s32 s0, s26  }
0x285: {  	p5 =	sne.s32 @p2 s0, s23  }
0x286: {  	s4 =	sshll.u32 @!p2 s21, $0x6;
	p4 =	por !p5, !p2  }
0x287: {  	s30 =	sshra.s32 @!p2 s4, $0x2;
	s4 =	sshll.u32 @!p4 s25, $0x6  }
0x288: {  	s4 =	sshra.s32 @!p4 s4, $0x2  }
0x289: {  	p1 =	sgt.u32 @!p4 s0, $0x9C3FF;
	v1 =	vld.msk @!p4 [tilespmem:s4+$0x1B38], $0xff  }
0x28a: {  	s31 =	sshll.u32 @!p4 s21, $0x6;
	p6 =	por @p2 p1, !p5;
	p1 =	por @p2 !p1, !p5  }
0x28b: {  	s8 =	simm.s32 @!p4 $0x0;
	s31 =	sshra.s32 @!p4 s31, $0x2;
	p1 =	por !p1, !p2  }
0x28c: {  	p5 =	por p5, !p2;
	s8 =	simm.s32 @!p1 $0x20;
	p1 =	por p6, !p2  }
0x28d: {  	s4 =	sadd.s32 @!p4 $0x28, s31;
	s13 =	sshll.u32 @!p5 s21, $0x6;
	s10 =	sand.u32 @!p1 $0xFFFF8, s0  }
0x28e: {  	s13 =	sshra.s32 @!p5 s13, $0x2;
	s0 =	sand.u32 @!p1 $0x7, s0;
	s10 =	sadd.s32 @!p1 s1, s10;
	[tilespmem:s31+$0x28] =	vst.add.f32.msk @!p4 $0xff, v1  }
0x28f: {  	[hbm4b:s10+s0] =	stream.linear.scatter @!p1 [tilespmem:s4], [sflag:$0xC], $0x8, $0x38;
	[tilespmem:$0x1F0F8] =	vst v63  }
0x290: {  	s2 =	rddreg [dreg:$0x5];
	s0 =	sadd.s32 @!p5 $0x28, s13;
	s4 =	simm.s32 @!p5 $0x1  }
0x291: {  	[spmem:s2] =	stream.linear.scatter @!p5 [tilespmem:s0], [sflag:$0x1], $0x8, $0x38;
	[tilespmem:$0x1F0F8] =	vst v63  }
0x292: {  	s3 =	sadd.s32 @p2 $0x1, s21;
	_ =	swait.ge @!p5 [sflag:s4], $0x8  }
0x293: {  	s5 =	sshrl.u32 @p2 s3, $0x4;
	[sflag:s4] =	ssyncset.done @!p5 $0x0  }
0x294: {  	s24 =	sadd.s32 $0x80, s24;
	s5 =	smulhi.u32 @p2 $0x97B425F, s5;
	[sflag:s4] =	ssyncadd.s32 @!p5 $0xFFFFFFF8  }
0x295: {  	s28 =	sadd.s32 $0x1, s28;
	v1 =	vld.msk @p2 [tilespmem:s24+$0x0], $0xff  }
0x296: {  	p3 =	seq.s32 s28, $0x0;
	s5 =	smul.u32 @p2 $0x1B0, s5  }
.Ltmp16:
0x297: {  	_ = 	snop;
	(pc) =	sbr.rel @!p3 .LBB2_16-.Ltmp16, $4  }
0x298: {  	s3 =	ssub.s32 @p2 s3, s5  }
0x299: {  	s8 =	sadd.s32 @!p4 s8, s29;
	s5 =	sshll.u32 @p2 s3, $0x4  }
0x29a: {  	s9 =	sadd.s32 @p2 $0x1, s25;
	s8 =	smov.u32 @p4 s29;
	[tilespmem:s5+$0x28] =	vst.msk @p2 $0xff, v1  }
0x29b: {  	s25 =	smov.u32 @p2 s9;
	s21 =	smov.u32 @p2 s3;
	s29 =	smov.u32 @p2 s8;
	v1 =	vld.msk @!p2 [tilespmem:s24+$0x0], $0xff  }
.LBB2_17:
.Ltmp17:
0x29c: {  	_ = 	snop;
	(pc) =	sbr.rel .LBB2_19-.Ltmp17, $3  }
0x29d: {  	s2 =	sld [smem:$0x7FD];
	_ =	sdelay $0x1  }
0x29e: {  	s0 =	sshrl.u32 s29, $0x2;
	s28 =	smov.u32 s26  }
0x29f: {  	s4 =	smov.u32 s6;
	s6 =	rddreg [dreg:$0x7];
	p4 =	seq.s32 s2, $0x1;
	[tilespmem:s30+$0x28] =	vst.add.f32.msk @!p2 $0xff, v1  }
.LBB2_21:
0x2a0: {  	_ =	sfence.sel $0x180000  }
0x2a1: {  	s0 =	simm.s32 $0x9;
	[bflag:$0x0] =	sbarrier.arrive $0xFFFF  }
0x2a2: {  	s24 =	simm.s32 $0xA;
	[sflag:s0] =	ssyncpa.u1 $0x1  }
0x2a3: {  	s25 =	simm.s32 $0xB;
	[sflag:s24] =	ssyncpa.u1 $0x1  }
0x2a4: {  	s26 =	simm.s32 $0x2;
	[sflag:s25] =	ssyncpa.u1 $0x1  }
0x2a5: {  	[sflag:s26] =	ssyncpa.u1 $0x1  }
0x2a6: {  	v0 =	vld [tilespmem:$0x3648];
	_ =	sdelay $0x4  }
0x2a7: {  	(v2sf) =	vpush v0, $0x0  }
0x2a8: {  	(v2sf) =	vpush v0, $0x1;
	_ =	sdelay $0x1  }
0x2a9: {  	(v2sf) =	vpush v0, $0x2;
	_ =	sdelay $0xb  }
0x2aa: {  	s0 =	spop (v2sf)  }
0x2ab: {  	s2 =	spop (v2sf)  }
0x2ac: {  	s3 =	smov.u32 s0;
	p0 =	sne.s32 s0, s2  }
0x2ad: {  	s4 =	spop (v2sf);
	s3 =	simm.s32 @!p0 $0xFFFFFFFF  }
0x2ae: {  	v2 =	vimm.s32 $0x1;
	v3 =	vlaneseq.u32;
	p0 =	seq.s32 s4, $0xFFFFFFFF;
	v1 =	vmov s3  }
0x2af: {  	s16 =	stileid.u32;
	v0 =	vperm.xlane v0, v2;
	p1 =	sne.s32 @!p0 s0, s2;
	v1 =	vperm.xlane v1, v3  }
0x2b0: {  	vm0 =	vcmask $0x3F04;
	s6 =	simm.s32 $0x3648;
	s0 =	simm.s32 @!p0 $0x1;
	p1 =	por !p1, p0  }
0x2b1: {  	s3 =	sshll.u32 s16, $0x1;
	s2 =	sshll.u32 @!p0 s4, $0x6;
	s0 =	simm.s32 @p1 $0x0;
	v0 =	vsel vm0, v1, v0  }
0x2b2: {  	s5 =	sor.u32 $0x200, s3;
	s2 =	sshra.s32 @!p0 s2, $0x2;
	s0 =	sor.u32 @!p0 s0, s3;
	[tilespmem:$0x3648] =	vst v0  }
0x2b3: {  	[spmem:s5] =	stream.linear.scatter [tilespmem:s6], [sflag:$0x1], $0x2, $0x38;
	[tilespmem:$0x1F0F8] =	vst v63  }
0x2b4: {  	s2 =	sadd.s32 @!p0 $0x28, s2;
	s0 =	sshll.u32 @!p0 s0, $0x4  }
0x2b5: {  	[spmem:s0] =	stream.linear.scatter @!p0 [tilespmem:s2], [sflag:$0x1], $0x10, $0x38;
	[tilespmem:$0x1F0F8] =	vst v63  }
0x2b6: {  	s0 =	simm.s32 @!p0 $0x12  }
0x2b7: {  	s28 =	simm.s32 $0x1;
	s0 =	simm.s32 @p0 $0x2  }
0x2b8: {  	_ =	swait.ge [sflag:s28], s0  }
0x2b9: {  	s0 =	ssub.s32 $0x0, s0;
	[sflag:s28] =	ssyncset.done $0x0  }
0x2ba: {  	p0 =	sne.s32 s16, $0x0;
	[sflag:s28] =	ssyncadd.s32 s0  }
.Ltmp18:
0x2bb: {  	_ =	sfence.stream.spmem;
	(pc) =	sbr.rel @p0 .LBB2_38-.Ltmp18, $4  }
0x2bc: {  	s29 =	simm.s32 $0x3;
	[bflag:$0x0] =	sbarrier.arrive $0xFFFF  }
0x2bd: {  	s30 =	simm.s32 $0x4;
	[sflag:s29] =	ssyncpa.u1 $0x1  }
0x2be: {  	s31 =	simm.s32 $0x3C;
	[sflag:s30] =	ssyncpa.u1 $0x1  }
0x2bf: {  	s17 =	rddreg [dreg:$0x6];
	[sflag:s31] =	ssyncpa.u1 $0x1  }
0x2c0: {  	_ =	sfence.stream.spmem;
	s0 =	simm.s32 $0x5  }
0x2c1: {  	s2 =	simm.s32 $0x200;
	s3 =	simm.s32 $0x3658;
	[sflag:s0] =	ssyncpa.u1 $0x0  }
0x2c2: {  	[tilespmem:s3], [sflag:$0x5] =	stream.linear.gather [spmem:s2], $0x20, $0x38;
	[tilespmem:$0x1F0F8] =	vst v63  }
0x2c3: {  	s26 =	simm.s32 $0x0;
	s28 =	simm.s32 $0x3678  }
0x2c4: {  	[tilespmem:s28], [sflag:$0x5] =	stream.linear.gather [spmem:s26], $0x200, $0x38;
	[tilespmem:$0x1F0F8] =	vst v63  }
0x2c5: {  	_ =	swait.ge [sflag:s0], $0x220  }
0x2c6: {  	[sflag:s0] =	ssyncset.done $0x0  }
0x2c7: {  	s29 =	simm.s32 $0x0;
	[sflag:s0] =	ssyncadd.s32 $0xFFFFFDE0  }
0x2c8: {  	v0 =	vld.msk [tilespmem:s29+$0x3658], $0x1;
	_ =	sdelay $0x1  }
0x2c9: {  	s30 =	simm.s32 $0x1  }
0x2ca: {  	v1 =	vld.msk [tilespmem:s30+$0x3658], $0x1;
	_ =	sdelay $0x1  }
0x2cb: {  	(v2sf) =	vpush v0, $0x0;
	_ =	sdelay $0x2  }
0x2cc: {  	(v2sf) =	vpush v1, $0x0;
	_ =	sdelay $0x2  }
0x2cd: {  	s31 =	simm.s32 $0x2  }
0x2ce: {  	v0 =	vld.msk [tilespmem:s31+$0x3658], $0x1;
	_ =	sdelay $0x2  }
0x2cf: {  	s6 =	simm.s32 $0xFFFFFFFF;
	s2 =	simm.s32 $0xFFFFFFFF;
	s0 =	simm.s32 $0xC  }
.LBB2_23:
0x2d0: {  	s3 =	smov.u32 s6;
	s4 =	smov.u32 s2  }
0x2d1: {  	s2 =	sshra.s32 s0, $0x2;
	p1 =	sne.s32 s0, $0x7C;
	s0 =	sadd.s32 $0x4, s0;
	(v2sf) =	vpush v0, $0x0  }
0x2d2: {  	v0 =	vld.msk [tilespmem:s2+$0x3658], $0x1  }
.Ltmp19:
0x2d3: {  	(pc) =	sbr.rel @p1 .LBB2_23-.Ltmp19, $4  }
0x2d4: {  	s6 =	spop (v2sf)  }
0x2d5: {  	p2 =	sne.s32 s4, $0xFFFFFFFF;
	s2 =	smov.u32 s6  }
0x2d6: {  	p3 =	seq.s32 s6, $0xFFFFFFFF;
	s2 =	smov.u32 @p2 s4  }
0x2d7: {  	s6 =	smov.u32 @p3 s3;
	s2 =	smov.u32 @p3 s4  }
0x2d8: {  	(v2sf) =	vpush v0, $0x0;
	_ =	sdelay $0x8  }
0x2d9: {  	s0 =	spop (v2sf)  }
0x2da: {  	p1 =	sne.s32 s2, $0xFFFFFFFF;
	s3 =	smov.u32 s0  }
0x2db: {  	s9 =	simm.s32 $0x6;
	p2 =	seq.s32 s0, $0xFFFFFFFF;
	s3 =	smov.u32 @p1 s2  }
0x2dc: {  	s10 =	simm.s32 $0x3638;
	s3 =	smov.u32 @p2 s2;
	s2 =	spop (v2sf)  }
0x2dd: {  	s0 =	smov.u32 @p2 s6;
	p1 =	sne.s32 s3, $0xFFFFFFFF;
	s4 =	smov.u32 s2  }
.Ltmp20:
0x2de: {  	p2 =	seq.s32 s2, $0xFFFFFFFF;
	s4 =	smov.u32 @p1 s3;
	(pc) =	sbr.rel .LBB2_25-.Ltmp20, $4  }
0x2df: {  	s11 =	simm.s32 $0x0;
	s4 =	smov.u32 @p2 s3;
	s7 =	spop (v2sf)  }
0x2e0: {  	[sflag:s9] =	ssyncpa.u1 $0x0;
	p1 =	sne.s32 s4, $0xFFFFFFFF;
	s8 =	smov.u32 s7  }
0x2e1: {  	s2 =	smov.u32 @p2 s0;
	p2 =	seq.s32 s7, $0xFFFFFFFF;
	s8 =	smov.u32 @p1 s4  }
0x2e2: {  	s6 =	simm.s32 $0x0;
	s7 =	smov.u32 @p2 s2;
	s8 =	smov.u32 @p2 s4  }
.LBB2_30:
0x2e3: {  	p1 =	sgt.u32 s12, $0x9C3FF  }
0x2e4: {  	p2 =	seq.s32 @!p1 s12, s8  }
0x2e5: {  	p1 =	por p1, p2  }
0x2e6: {  	p2 =	sne.s32 @!p1 s12, s7  }
0x2e7: {  	p1 =	por p1, !p2  }
0x2e8: {  	s0 =	sshll.u32 @p1 s11, $0x6  }
0x2e9: {  	s0 =	sand.u32 @!p1 $0xFFFF8, s12  }
0x2ea: {  	s2 =	sand.u32 @!p1 $0x7, s12;
	s0 =	sadd.s32 @!p1 s1, s0  }
0x2eb: {  	[tilespmem:s10], [sflag:$0x6] =	stream.linear.gather @!p1 [hbm4b:s0+s2], $0x8, $0x38;
	[tilespmem:$0x1F0F8] =	vst v63  }
0x2ec: {  	_ =	swait.ge @!p1 [sflag:s9], $0x8  }
0x2ed: {  	[sflag:s9] =	ssyncset.done @!p1 $0x0  }
0x2ee: {  	[sflag:s9] =	ssyncadd.s32 @!p1 $0xFFFFFFF8  }
0x2ef: {  	v1 =	vld @!p1 [tilespmem:$0x3638];
	_ =	sdelay $0x2  }
0x2f0: {  	s0 =	sshll.u32 @!p1 s11, $0x6  }
0x2f1: {  	s2 =	sshrl.u32 @!p1 s0, $0x2  }
0x2f2: {  	[tilespmem:s2+$0x3678] =	vst.add.f32.msk @!p1 $0xffff, v1  }
0x2f3: {  	s0 =	sshrl.u32 s0, $0x2;
	[tilespmem:s6+$0x3658] =	vst.msk $0x1, v0  }
0x2f4: {  	v0 =	vld [tilespmem:s0+$0x3678];
	_ =	sdelay $0x2  }
0x2f5: {  	s31 =	sshll.u32 s6, $0x6  }
0x2f6: {  	s0 =	sshra.s32 s31, $0x2  }
0x2f7: {  	s6 =	sadd.s32 $0x1, s6;
	[tilespmem:s0+$0x3678] =	vst v0  }
.LBB2_32:
0x2f8: {  	s11 =	sadd.s32 $0x1, s11  }
0x2f9: {  	p1 =	sne.s32 s11, $0x20  }
.Ltmp21:
0x2fa: {  	_ = 	snop;
	(pc) =	sbr.rel @!p1 .LBB2_33-.Ltmp21, $1  }
0x2fb: {  	_ =	sdelay $0x3  }
.LBB2_25:
0x2fc: {  	v0 =	vld.msk [tilespmem:s11+$0x3658], $0x1;
	_ =	sdelay $0x4  }
0x2fd: {  	(v2sf) =	vpush v0, $0x0;
	_ =	sdelay $0xe  }
0x2fe: {  	s12 =	spop (v2sf)  }
0x2ff: {  	p1 =	seq.s32 s12, $0xFFFFFFFF  }
.Ltmp22:
0x300: {  	_ = 	snop;
	(pc) =	sbr.rel @p1 .LBB2_32-.Ltmp22, $1  }
0x301: {  	_ =	sdelay $0x3  }
0x302: {  	p1 =	slt.s32 s6, $0x1  }
.Ltmp23:
0x303: {  	_ = 	snop;
	(pc) =	sbr.rel @p1 .LBB2_30-.Ltmp23, $1  }
0x304: {  	_ =	sdelay $0x3  }
0x305: {  	s13 =	simm.s32 $0x3658;
	p1 =	por $0x0, $0x0  }
0x306: {  	v1 =	vld.msk @!p1 [tilespmem:s13+$0x0], $0x1;
	_ =	sdelay $0x4  }
0x307: {  	(v2sf) =	vpush @!p1 v1, $0x0;
	_ =	sdelay $0xd  }
0x308: {  	p3 =	sne.s32 s6, $0x1  }
.Ltmp24:
0x309: {  	s0 =	spop @!p1 (v2sf);
	(pc) =	sbr.rel @!p3 .LBB2_29-.Ltmp24, $4  }
0x30a: {  	p2 =	seq.s32 @!p1 s12, s0  }
0x30b: {  	s14 =	simm.s32 $0x0;
	p2 =	por !p2, p1  }
0x30c: {  	s0 =	simm.s32 $0xFFFFFFFF;
	s14 =	simm.s32 @p2 $0xFFFFFFFF  }
0x30d: {  	s15 =	simm.s32 $0x1;
	s14 =	smov.u32 @p1 s0  }
.LBB2_28:
0x30e: {  	s0 =	smov.u32 s14;
	p1 =	sne.s32 s14, $0xFFFFFFFF  }
0x30f: {  	s13 =	sadd.s32 $0x1, s13;
	s14 =	smov.u32 s15;
	s15 =	sadd.s32 $0x1, s15  }
0x310: {  	p2 =	sne.s32 s6, s15;
	v1 =	vld.msk @!p1 [tilespmem:s13+$0x0], $0x1;
	_ =	sdelay $0x4  }
0x311: {  	(v2sf) =	vpush @!p1 v1, $0x0;
	_ =	sdelay $0xe  }
.Ltmp25:
0x312: {  	s2 =	spop @!p1 (v2sf);
	(pc) =	sbr.rel @p2 .LBB2_28-.Ltmp25, $4  }
0x313: {  	p3 =	seq.s32 @!p1 s12, s2  }
0x314: {  	p3 =	por !p3, p1  }
0x315: {  	s14 =	simm.s32 @p3 $0xFFFFFFFF  }
0x316: {  	s14 =	smov.u32 @p1 s0  }
.LBB2_29:
0x317: {  	p1 =	sne.s32 s14, $0xFFFFFFFF  }
.Ltmp26:
0x318: {  	_ = 	snop;
	(pc) =	sbr.rel @!p1 .LBB2_30-.Ltmp26, $1  }
0x319: {  	_ =	sdelay $0x3  }
0x31a: {  	s0 =	sshll.u32 s11, $0x4  }
0x31b: {  	s0 =	sand.u32 $0x3FFFFFF0, s0  }
0x31c: {  	v0 =	vld [tilespmem:s0+$0x3678]  }
.Ltmp27:
0x31d: {  	_ = 	snop;
	(pc) =	sbr.rel .LBB2_32-.Ltmp27, $4  }
0x31e: {  	_ = 	snop  }
0x31f: {  	s31 =	sshll.u32 s14, $0x6  }
0x320: {  	s0 =	sshra.s32 s31, $0x2  }
0x321: {  	[tilespmem:s0+$0x3678] =	vst.add.f32.msk $0xffff, v0  }
.LBB2_33:
0x322: {  	s0 =	simm.s32 $0x6;
	p1 =	seq.s32 s6, $0x0  }
0x323: {  	[sflag:s0] =	ssyncpa.u1 $0x1;
	v0 =	vimm.s32 @p1 $0xFFFFFFFF  }
0x324: {  	s9 =	sadd.s32 $0xFFFFFFFF, s6;
	[tilespmem:$0x3878] =	vst @p1 v0  }
0x325: {  	v0 =	vld.msk @!p1 [tilespmem:s9+$0x3658], $0x1;
	_ =	sdelay $0x1  }
0x326: {  	v1 =	vld.msk @!p1 [tilespmem:$0x3658], $0x1;
	_ =	sdelay $0x2  }
0x327: {  	p2 =	seq.s32 @!p1 s9, $0x0;
	v0 =	vbroadcast @!p1 v0, $0x0  }
0x328: {  	vm0 =	vmmov @!p1 $0x1;
	p2 =	por !p2, p1  }
0x329: {  	v1 =	vnsel @!p1 vm0, $0xFFFFFFFF, v1;
	vm0 =	vcmask @!p1 $0x308;
	v0 =	vpsel !p2, $0xFFFFFFFF, v0  }
0x32a: {  	p2 =	sne.s32 @!p1 s8, s7;
	v0 =	vsel @!p1 vm0, v1, v0  }
0x32b: {  	s0 =	simm.s32 @!p1 $0x3678;
	s2 =	simm.s32 @!p1 $0x0;
	p3 =	por !p2, p1;
	[tilespmem:$0x3878] =	vst @!p1 v0  }
0x32c: {  	[spmem:s2] =	stream.linear.scatter @!p1 [tilespmem:s0], [sflag:$0x1], $0x10, $0x38;
	[tilespmem:$0x1F0F8] =	vst v63  }
0x32d: {  	s0 =	sshll.u32 @!p3 s9, $0x6  }
0x32e: {  	s0 =	sshra.s32 @!p3 s0, $0x2  }
0x32f: {  	s2 =	simm.s32 @!p3 $0x10;
	s0 =	sadd.s32 @!p3 $0x3678, s0  }
0x330: {  	[spmem:s2] =	stream.linear.scatter @!p3 [tilespmem:s0], [sflag:$0x1], $0x10, $0x38;
	[tilespmem:$0x1F0F8] =	vst v63  }
0x331: {  	s0 =	simm.s32 @!p3 $0x1  }
0x332: {  	_ =	swait.ge @!p3 [sflag:s0], $0x20  }
0x333: {  	p1 =	por p2, p1;
	[sflag:s0] =	ssyncset.done @!p3 $0x0  }
0x334: {  	[sflag:s0] =	ssyncadd.s32 @!p3 $0xFFFFFFE0;
	s0 =	simm.s32 @!p1 $0x1  }
0x335: {  	_ =	swait.ge @!p1 [sflag:s0], $0x10  }
0x336: {  	s29 =	simm.s32 $0x3878;
	[sflag:s0] =	ssyncset.done @!p1 $0x0  }
0x337: {  	s30 =	simm.s32 $0x200;
	s31 =	simm.s32 $0x1;
	[sflag:s0] =	ssyncadd.s32 @!p1 $0xFFFFFFF0  }
0x338: {  	[spmem:s30] =	stream.linear.scatter [tilespmem:s29], [sflag:$0x1], $0x10, $0x38;
	[tilespmem:$0x1F0F8] =	vst v63  }
0x339: {  	_ =	swait.ge [sflag:s31], $0x10  }
0x33a: {  	[sflag:s31] =	ssyncset.done $0x0  }
0x33b: {  	p1 =	seq.s32 s17, $0x0;
	s8 =	rddreg [dreg:$0x2];
	[sflag:s31] =	ssyncadd.s32 $0xFFFFFFF0  }
0x33c: {  	s2 =	sshll.u32 @p1 s8, $0xE;
	s7 =	rddreg [dreg:$0x3]  }
0x33d: {  	s0 =	sadd.s32 @p1 $0x15C3C, s2;
	s2 =	sshll.u32 @p1 s7, $0x11  }
0x33e: {  	_ =	sfence.stream.spmem;
	s0 =	sor.u32 @p1 s2, s0  }
0x33f: {  	[sflag:s0] =	ssyncadd.remote.s32 @p1 $0x1;
	s0 =	simm.s32 @p1 $0x4  }
0x340: {  	s3 =	simm.s32 @!p1 $0x3C;
	s2 =	sand.u32 $0xFFFFFFFE, s8;
	_ =	swait.ge @p1 [sflag:s0], $0x6  }
0x341: {  	s4 =	simm.s32 @!p1 $0x0;
	s2 =	sadd.s32 @!p1 $0x4, s2;
	[sflag:s0] =	ssyncset.done @p1 $0x0  }
0x342: {  	s5 =	simm.s32 @!p1 $0x20;
	[sflag:s0] =	ssyncadd.s32 @p1 $0xFFFFFFFA;
	s0 =	sshll.u32 @!p1 s2, $0x1A  }
0x343: {  	s2 =	sshll.u32 @!p1 s2, $0xD;
	s0 =	sor.u32 @!p1 s0, s7;
	_ =	swait.eq @!p1 [sflag:s3], $0x1  }
0x344: {  	s2 =	sor.u32 @!p1 $0x1C04, s2;
	s3 =	simm.s32 @!p1 $0x1C03;
	s0 =	sor.u32 @!p1 $0x80004000, s0  }
0x345: {  	[spmem:s5], [sflag:s2] =	dma.general @!p1 [spmem:s4], [sflag:s3], length:$0x4, [dreg:$0x0], stride_count:$0x0, ici_dest:s0, dma_misc:DstOpCode:WRITE  }
0x346: {  	p2 =	slt.s32 s9, $0x2;
	s4 =	simm.s32 @!p1 $0x40;
	s5 =	simm.s32 @!p1 $0x42  }
0x347: {  	[spmem:s5], [sflag:s2] =	dma.general @!p1 [spmem:s4], [sflag:s3], length:$0x2, [dreg:$0x0], stride_count:$0x0, ici_dest:s0, dma_misc:DstOpCode:WRITE  }
.Ltmp28:
0x348: {  	s0 =	simm.s32 @!p1 $0x3;
	(pc) =	sbr.rel @p2 .LBB2_37-.Ltmp28, $4  }
0x349: {  	s2 =	sshll.u32 @!p1 s8, $0xE;
	_ =	swait.ge @!p1 [sflag:s0], $0x6  }
0x34a: {  	s3 =	sshll.u32 @!p1 s7, $0x11;
	s2 =	sadd.s32 @!p1 $0x11C3C, s2;
	[sflag:s0] =	ssyncset.done @!p1 $0x0  }
0x34b: {  	[sflag:s0] =	ssyncadd.s32 @!p1 $0xFFFFFFFA;
	s0 =	sor.u32 @!p1 s3, s2  }
0x34c: {  	[sflag:s0] =	ssyncadd.remote.s32 @!p1 $0xFFFFFFFF;
	s0 =	simm.s32 $0x0  }
0x34d: {  	s0 =	simm.s32 $0x3659  }
0x34e: {  	v0 =	vld.msk [tilespmem:s0+$0x0], $0x1;
	_ =	sdelay $0x4  }
0x34f: {  	(v2sf) =	vpush v0, $0x0;
	_ =	sdelay $0xd  }
0x350: {  	s3 =	sadd.s32 $0xFFFFFFFE, s6  }
0x351: {  	s3 =	sadd.s32 $0xFFFFFFFF, s3;
	s0 =	spop (v2sf)  }
0x352: {  	p2 =	sne.s32 s3, $0x0;
	p1 =	sgt.u32 s0, $0x9C3FF  }
.Ltmp29:
0x353: {  	s4 =	sand.u32 @!p1 $0xFFFF8, s0;
	(pc) =	sbr.rel @!p2 .LBB2_36-.Ltmp29, $4  }
0x354: {  	s2 =	simm.s32 $0x3688;
	s0 =	sand.u32 @!p1 $0x7, s0;
	s4 =	sadd.s32 @!p1 s1, s4  }
0x355: {  	[hbm4b:s4+s0] =	stream.linear.scatter @!p1 [tilespmem:s2], [sflag:$0x5], $0x8, $0x38;
	[tilespmem:$0x1F0F8] =	vst v63  }
0x356: {  	s0 =	simm.s32 $0x0  }
0x357: {  	s6 =	simm.s32 $0x0;
	s7 =	simm.s32 $0x365A;
	s0 =	simm.s32 @!p1 $0x20  }
.LBB2_35:
0x358: {  	v0 =	vld.msk [tilespmem:s7+$0x0], $0x1;
	s3 =	sadd.s32 $0xFFFFFFFF, s3;
	s6 =	sadd.s32 s6, s0  }
0x359: {  	p1 =	sne.s32 s3, $0x0;
	_ =	sdelay $0x3  }
0x35a: {  	(v2sf) =	vpush v0, $0x0;
	_ =	sdelay $0xe  }
.Ltmp30:
0x35b: {  	s4 =	spop (v2sf);
	(pc) =	sbr.rel @p1 .LBB2_35-.Ltmp30, $4  }
0x35c: {  	s0 =	simm.s32 $0x0;
	p2 =	sgt.u32 s4, $0x9C3FF  }
0x35d: {  	s2 =	sadd.s32 $0x10, s2;
	s0 =	simm.s32 @!p2 $0x20;
	s5 =	sand.u32 @!p2 $0xFFFF8, s4  }
0x35e: {  	s7 =	sadd.s32 $0x1, s7;
	s4 =	sand.u32 @!p2 $0x7, s4;
	s5 =	sadd.s32 @!p2 s1, s5  }
0x35f: {  	[hbm4b:s5+s4] =	stream.linear.scatter @!p2 [tilespmem:s2], [sflag:$0x5], $0x8, $0x38;
	[tilespmem:$0x1F0F8] =	vst v63  }
.LBB2_36:
0x360: {  	s0 =	sadd.s32 s6, s0  }
0x361: {  	s0 =	sshrl.u32 s0, $0x2  }
.LBB2_37:
0x362: {  	s2 =	simm.s32 $0x5  }
0x363: {  	_ =	swait.ge [sflag:s2], s0  }
0x364: {  	s31 =	ssub.s32 $0x0, s0;
	[sflag:s2] =	ssyncset.done $0x0  }
0x365: {  	[sflag:s2] =	ssyncadd.s32 s31  }
0x366: {  	[sflag:s2] =	ssyncpa.u1 $0x1  }
.LBB2_38:
0x367: {  	s0 =	sor.u32 s17, s16  }
0x368: {  	p1 =	sne.s32 s0, $0x0  }
.Ltmp31:
0x369: {  	_ = 	snop;
	(pc) =	sbr.rel @p1 .LBB2_53-.Ltmp31, $3  }
0x36a: {  	_ =	sdelay $0x1  }
0x36b: {  	[bflag:$0x0] =	sbarrier.arrive $0xFFFF  }
0x36c: {  	_ =	sfence  }
0x36d: {  	s0 =	simm.s32 $0x7  }
0x36e: {  	s2 =	simm.s32 $0x200;
	s3 =	simm.s32 $0x3658;
	[sflag:s0] =	ssyncpa.u1 $0x0  }
0x36f: {  	[tilespmem:s3], [sflag:$0x7] =	stream.linear.gather [spmem:s2], $0x20, $0x38;
	[tilespmem:$0x1F0F8] =	vst v63  }
0x370: {  	s30 =	simm.s32 $0x3678;
	s2 =	simm.s32 $0x0  }
0x371: {  	[tilespmem:s30], [sflag:$0x7] =	stream.linear.gather [spmem:s2], $0x200, $0x38;
	[tilespmem:$0x1F0F8] =	vst v63  }
.Ltmp32:
0x372: {  	_ = 	snop;
	(pc) =	sbr.rel .LBB2_40-.Ltmp32, $4  }
0x373: {  	_ =	swait.ge [sflag:s0], $0x220  }
0x374: {  	[sflag:s0] =	ssyncset.done $0x0  }
0x375: {  	s31 =	simm.s32 $0x8;
	[sflag:s0] =	ssyncadd.s32 $0xFFFFFDE0  }
0x376: {  	s3 =	simm.s32 $0x0;
	[sflag:s31] =	ssyncpa.u1 $0x0  }
.LBB2_45:
0x377: {  	p1 =	slt.u32 s4, $0x9C400  }
0x378: {  	s0 =	sand.u32 @p1 $0xFFFF8, s4  }
0x379: {  	s4 =	sand.u32 @p1 $0x7, s4;
	s5 =	simm.s32 @p1 $0x3638;
	s0 =	sadd.s32 @p1 s1, s0  }
0x37a: {  	[tilespmem:s5], [sflag:$0x8] =	stream.linear.gather @p1 [hbm4b:s0+s4], $0x8, $0x38;
	[tilespmem:$0x1F0F8] =	vst v63  }
0x37b: {  	s0 =	simm.s32 @p1 $0x8  }
0x37c: {  	_ =	swait.ge @p1 [sflag:s0], $0x8  }
0x37d: {  	[sflag:s0] =	ssyncset.done @p1 $0x0  }
0x37e: {  	[sflag:s0] =	ssyncadd.s32 @p1 $0xFFFFFFF8  }
0x37f: {  	v1 =	vld @p1 [tilespmem:$0x3638];
	_ =	sdelay $0x2  }
0x380: {  	s0 =	sshll.u32 @p1 s3, $0x6  }
0x381: {  	s5 =	sshll.u32 @!p1 s3, $0x6;
	s4 =	sshrl.u32 @p1 s0, $0x2  }
0x382: {  	s5 =	smov.u32 @p1 s0;
	[tilespmem:s4+$0x3678] =	vst.add.f32.msk @p1 $0xffff, v1  }
0x383: {  	s0 =	sshrl.u32 s5, $0x2;
	[tilespmem:s2+$0x3658] =	vst.msk $0x1, v0  }
0x384: {  	v0 =	vld [tilespmem:s0+$0x3678];
	_ =	sdelay $0x2  }
0x385: {  	s31 =	sshll.u32 s2, $0x6  }
0x386: {  	s0 =	sshra.s32 s31, $0x2  }
0x387: {  	s2 =	sadd.s32 $0x1, s2;
	[tilespmem:s0+$0x3678] =	vst v0  }
.LBB2_47:
0x388: {  	s3 =	sadd.s32 $0x1, s3  }
0x389: {  	p1 =	sne.s32 s3, $0x20  }
.Ltmp33:
0x38a: {  	_ = 	snop;
	(pc) =	sbr.rel @!p1 .LBB2_48-.Ltmp33, $1  }
0x38b: {  	_ =	sdelay $0x3  }
.LBB2_40:
0x38c: {  	v0 =	vld.msk [tilespmem:s3+$0x3658], $0x1;
	_ =	sdelay $0x4  }
0x38d: {  	(v2sf) =	vpush v0, $0x0;
	_ =	sdelay $0xe  }
0x38e: {  	s4 =	spop (v2sf)  }
0x38f: {  	p1 =	seq.s32 s4, $0xFFFFFFFF  }
.Ltmp34:
0x390: {  	_ = 	snop;
	(pc) =	sbr.rel @p1 .LBB2_47-.Ltmp34, $1  }
0x391: {  	_ =	sdelay $0x3  }
0x392: {  	p1 =	slt.s32 s2, $0x1  }
.Ltmp35:
0x393: {  	_ = 	snop;
	(pc) =	sbr.rel @p1 .LBB2_45-.Ltmp35, $1  }
0x394: {  	_ =	sdelay $0x3  }
0x395: {  	s5 =	simm.s32 $0x3658;
	p1 =	por $0x0, $0x0  }
0x396: {  	v1 =	vld.msk @!p1 [tilespmem:s5+$0x0], $0x1;
	_ =	sdelay $0x4  }
0x397: {  	(v2sf) =	vpush @!p1 v1, $0x0;
	_ =	sdelay $0xd  }
0x398: {  	p3 =	sne.s32 s2, $0x1  }
.Ltmp36:
0x399: {  	s0 =	spop @!p1 (v2sf);
	(pc) =	sbr.rel @!p3 .LBB2_44-.Ltmp36, $4  }
0x39a: {  	p2 =	seq.s32 @!p1 s4, s0  }
0x39b: {  	s6 =	simm.s32 $0x0;
	p2 =	por !p2, p1  }
0x39c: {  	s0 =	simm.s32 $0xFFFFFFFF;
	s6 =	simm.s32 @p2 $0xFFFFFFFF  }
0x39d: {  	s7 =	simm.s32 $0x1;
	s6 =	smov.u32 @p1 s0  }
.LBB2_43:
0x39e: {  	s0 =	smov.u32 s6;
	p1 =	sne.s32 s6, $0xFFFFFFFF  }
0x39f: {  	s5 =	sadd.s32 $0x1, s5;
	s6 =	smov.u32 s7;
	s7 =	sadd.s32 $0x1, s7  }
0x3a0: {  	p2 =	sne.s32 s2, s7;
	v1 =	vld.msk @!p1 [tilespmem:s5+$0x0], $0x1;
	_ =	sdelay $0x4  }
0x3a1: {  	(v2sf) =	vpush @!p1 v1, $0x0;
	_ =	sdelay $0xe  }
.Ltmp37:
0x3a2: {  	s8 =	spop @!p1 (v2sf);
	(pc) =	sbr.rel @p2 .LBB2_43-.Ltmp37, $4  }
0x3a3: {  	p3 =	seq.s32 @!p1 s4, s8  }
0x3a4: {  	p3 =	por !p3, p1  }
0x3a5: {  	s6 =	simm.s32 @p3 $0xFFFFFFFF  }
0x3a6: {  	s6 =	smov.u32 @p1 s0  }
.LBB2_44:
0x3a7: {  	p1 =	sne.s32 s6, $0xFFFFFFFF  }
.Ltmp38:
0x3a8: {  	_ = 	snop;
	(pc) =	sbr.rel @!p1 .LBB2_45-.Ltmp38, $1  }
0x3a9: {  	_ =	sdelay $0x3  }
0x3aa: {  	s0 =	sshll.u32 s3, $0x4  }
0x3ab: {  	s0 =	sand.u32 $0x3FFFFFF0, s0  }
0x3ac: {  	v0 =	vld [tilespmem:s0+$0x3678]  }
.Ltmp39:
0x3ad: {  	_ = 	snop;
	(pc) =	sbr.rel .LBB2_47-.Ltmp39, $4  }
0x3ae: {  	_ = 	snop  }
0x3af: {  	s31 =	sshll.u32 s6, $0x6  }
0x3b0: {  	s0 =	sshra.s32 s31, $0x2  }
0x3b1: {  	[tilespmem:s0+$0x3678] =	vst.add.f32.msk $0xffff, v0  }
.LBB2_48:
0x3b2: {  	p1 =	slt.s32 s2, $0x1  }
.Ltmp40:
0x3b3: {  	_ = 	snop;
	(pc) =	sbr.rel @p1 .LBB2_52-.Ltmp40, $3  }
0x3b4: {  	_ =	sdelay $0x1  }
0x3b5: {  	s0 =	simm.s32 $0x8  }
0x3b6: {  	s3 =	simm.s32 $0x0;
	[sflag:s0] =	ssyncpa.u1 $0x1  }
0x3b7: {  	s0 =	simm.s32 $0x3658  }
0x3b8: {  	v0 =	vld.msk [tilespmem:s0+$0x0], $0x1;
	_ =	sdelay $0x4  }
0x3b9: {  	(v2sf) =	vpush v0, $0x0;
	_ =	sdelay $0xe  }
0x3ba: {  	s2 =	sadd.s32 $0xFFFFFFFF, s2;
	s0 =	spop (v2sf)  }
0x3bb: {  	p2 =	sne.s32 s2, $0x0;
	p1 =	sgt.u32 s0, $0x9C3FF  }
.Ltmp41:
0x3bc: {  	s5 =	sand.u32 @!p1 $0xFFFF8, s0;
	(pc) =	sbr.rel @!p2 .LBB2_51-.Ltmp41, $4  }
0x3bd: {  	s4 =	simm.s32 $0x3678;
	s0 =	sand.u32 @!p1 $0x7, s0;
	s5 =	sadd.s32 @!p1 s1, s5  }
0x3be: {  	[hbm4b:s5+s0] =	stream.linear.scatter @!p1 [tilespmem:s4], [sflag:$0x7], $0x8, $0x38;
	[tilespmem:$0x1F0F8] =	vst v63  }
0x3bf: {  	s0 =	simm.s32 $0x0  }
0x3c0: {  	s5 =	simm.s32 $0x3659;
	s0 =	simm.s32 @!p1 $0x20  }
.LBB2_50:
0x3c1: {  	v0 =	vld.msk [tilespmem:s5+$0x0], $0x1;
	s2 =	sadd.s32 $0xFFFFFFFF, s2;
	s3 =	sadd.s32 s3, s0  }
0x3c2: {  	p1 =	sne.s32 s2, $0x0;
	_ =	sdelay $0x3  }
0x3c3: {  	(v2sf) =	vpush v0, $0x0;
	_ =	sdelay $0xe  }
.Ltmp42:
0x3c4: {  	s6 =	spop (v2sf);
	(pc) =	sbr.rel @p1 .LBB2_50-.Ltmp42, $4  }
0x3c5: {  	s0 =	simm.s32 $0x0;
	p2 =	sgt.u32 s6, $0x9C3FF  }
0x3c6: {  	s4 =	sadd.s32 $0x10, s4;
	s0 =	simm.s32 @!p2 $0x20;
	s7 =	sand.u32 @!p2 $0xFFFF8, s6  }
0x3c7: {  	s5 =	sadd.s32 $0x1, s5;
	s6 =	sand.u32 @!p2 $0x7, s6;
	s7 =	sadd.s32 @!p2 s1, s7  }
0x3c8: {  	[hbm4b:s7+s6] =	stream.linear.scatter @!p2 [tilespmem:s4], [sflag:$0x7], $0x8, $0x38;
	[tilespmem:$0x1F0F8] =	vst v63  }
.LBB2_51:
0x3c9: {  	s0 =	sadd.s32 s3, s0  }
0x3ca: {  	s3 =	sshrl.u32 s0, $0x2  }
.LBB2_52:
0x3cb: {  	s0 =	simm.s32 $0x7  }
0x3cc: {  	_ =	swait.ge [sflag:s0], s3  }
0x3cd: {  	s1 =	ssub.s32 $0x0, s3;
	[sflag:s0] =	ssyncset.done $0x0  }
0x3ce: {  	[sflag:s0] =	ssyncadd.s32 s1  }
0x3cf: {  	[sflag:s0] =	ssyncpa.u1 $0x1  }
.LBB2_53:
0x3d0: {  	_ =	sfence;
	s0 =	simm.s32 $0x1  }
0x3d1: {  	[sflag:s0] =	ssyncpa.u1 $0x1  }
0x3d2: {  	_ =	strace $0x90000047  }
0x3d3: {  	[bflag:$0x2] =	sbarrier.arrive $0xFFFF  }
0x3d4: {  	s0 =	rddreg [dreg:$0x4]  }
0x3d5: {  	s0 =	sadd.s32 @!p0 $0x100000, s0  }
0x3d6: {  	[sflag:s0] =	ssyncadd.tile.s32 @!p0 $0x1;
	_ =	shalt  }
.Lfunc_end2:
_tile_overlayer_lowered:
.L_overlay_start_2:
0x3d7: {  	(tag) =	ssettag $0x2  }
0x3d8: {  	s0 =	rddreg [dreg:$0x0];
	s2 =	stileid.u32  }
0x3d9: {  	s1 =	rddreg [dreg:$0x1];
	p0 =	sne.s32 s2, $0x0  }
0x3da: {  	s3 =	rddreg [dreg:$0x2];
	[bflag:$0x3] =	sbarrier.arrive $0xFFFF;
	s2 =	simm.s32 @!p0 $0x1C01  }
0x3db: {  	[timem:s3], [sflag:s2] =	dma.local @!p0 [hbm:s0], s1  }
0x3dc: {  	s0 =	simm.s32 @!p0 $0x1  }
0x3dd: {  	_ =	swait.ge @!p0 [sflag:s0], s1  }
0x3de: {  	s1 =	ssub.s32 @!p0 $0x0, s1;
	[sflag:s0] =	ssyncset.done @!p0 $0x0  }
0x3df: {  	[sflag:s0] =	ssyncadd.s32 @!p0 s1  }
0x3e0: {  	[bflag:$0x3] =	sbarrier.arrive $0xFFFF  }
0x3e1: {  	_ =	shalt  }

// kernel: sparse-core-data-format-call.1.cloned.1.call-start
scs
called_computation.3_lowered:
.L_overlay_start_0:
0x0: {  	s2 =	sld [smem:$0x3FD9]  }
0x1: {  	s3 =	sld [smem:$0x3FFE];
	_ =	sdelay $0x1  }
0x2: {  	s1 =	srdreg.scid  }
0x3: {  	s0 =	sand.u32 $0x1, s1  }
0x4: {  	s18 =	sshll.u32 s0, $0xA;
	s2 =	sadd.s32 s3, s2  }
0x5: {  	s2 =	sadd.s32 s2, s18  }
0x6: {  	[smem:$0x3FBA] =	sst s2  }
0x7: {  	_ = 	snop  }
0x8: {  	(tm) =	ssettm $0x1  }
0x9: {  	s19 =	sld [smem:$0x3FFB];
	_ =	sdelay $0x3  }
0xa: {  	_ =	strace s19  }
0xb: {  	s2 =	sld [smem:$0x3FFC];
	_ =	sdelay $0x3  }
0xc: {  	_ =	strace s2  }
0xd: {  	s2 =	sld [smem:$0x3FFD];
	_ =	sdelay $0x3  }
0xe: {  	_ =	strace s2  }
0xf: {  	_ =	strace $0x8FFFFFFF  }
0x10: {  	s20 =	sld [smem:$0x3FDB];
	_ =	sdelay $0x1  }
0x11: {  	s21 =	simm.s32 $_scs_section_size  }
0x12: {  	s4 =	simm.s32 $_size__tile_overlayer_lowered;
	s5 =	simm.s32 $_tile_overlayer_lowered  }
0x13: {  	s6 =	simm.s32 $0x1BFF;
	s22 =	sshll.u32 s5, $0x1;
	s3 =	sadd.s32 s21, s20  }
0x14: {  	s23 =	simm.s32 $0x0;
	s4 =	sshll.u32 s4, $0x1;
	s5 =	sadd.s32 s22, s3  }
0x15: {  	[timem:s23], [sflag:s6] =	dma.local [hbm:s5], s4  }
0x16: {  	_ =	swait.ge [sflag:s6], s4  }
0x17: {  	s4 =	ssub.s32 $0x0, s4;
	[sflag:s6] =	ssyncset.done $0x0  }
0x18: {  	[sflag:s6] =	ssyncadd.s32 s4;
	_ =	sdelay $0x1  }
0x19: {  	s24 =	simm.s32 $0x1B8B  }
0x1a: {  	_ =	swait.ge [sflag:s24], $0x1  }
0x1b: {  	[sflag:s24] =	ssyncset.done $0x0  }
0x1c: {  	[sflag:s24] =	ssyncadd.s32 $0xFFFFFFFF  }
0x1d: {  	s4 =	sld [smem:$0x0]  }
0x1e: {  	s5 =	sand.u32 $0xFFFFFFFE, s1  }
0x1f: {  	p0 =	sne.s32 s1, s5  }
0x20: {  	s5 =	sshll.u32 @p0 s5, $0xE  }
0x21: {  	s5 =	sadd.s32 @p0 $0x11B8D, s5;
	s6 =	sshll.u32 @p0 s4, $0x11  }
0x22: {  	s5 =	sor.u32 @p0 s6, s5  }
0x23: {  	[sflag:s5] =	ssyncadd.remote.s32 @p0 $0x1;
	_ =	sdelay $0x1  }
0x24: {  	s5 =	simm.s32 @p0 $0x1B8D  }
0x25: {  	_ =	swait.eq @p0 [sflag:s5], $0x1  }
0x26: {  	[sflag:s5] =	ssyncadd.s32 @p0 $0xFFFFFFFF  }
0x27: {  	s6 =	sshll.u32 @!p0 s1, $0xE  }
0x28: {  	s6 =	sor.u32 @!p0 $0x4000, s6;
	s5 =	simm.s32 @!p0 $0x1B8D  }
0x29: {  	s4 =	sshll.u32 @!p0 s4, $0x11;
	s6 =	sadd.s32 @!p0 $0x11B8D, s6;
	_ =	swait.eq @!p0 [sflag:s5], $0x1  }
0x2a: {  	s4 =	sor.u32 @!p0 s4, s6;
	[sflag:s5] =	ssyncadd.s32 @!p0 $0xFFFFFFFF  }
0x2b: {  	s26 =	simm.s32 $0x1B8E;
	s25 =	sld [smem:$0x3FFE];
	[sflag:s4] =	ssyncadd.remote.s32 @!p0 $0x1  }
0x2c: {  	s27 =	simm.s32 $execute0_lowered;
	[smem:$0x3FD2] =	sst s26  }
0x2d: {  	s5 =	sshll.u32 s27, $0x1;
	_ =	strace $0x8000004C;
	[dreg:$0x1] =	wrdreg $0xFFFFFFFF  }
0x2e: {  	s28 =	simm.s32 $_size_execute0_lowered;
	s3 =	sadd.s32 s3, s5;
	[dreg:$0x0] =	wrdreg $0x0  }
0x2f: {  	s5 =	sshll.u32 s28, $0x1;
	[dreg:$0x2] =	wrdreg s3  }
0x30: {  	[dreg:$0x3] =	wrdreg s5  }
0x31: {  	[dreg:$0x4] =	wrdreg $0xC0  }
0x32: {  	_ =	task [dreg:s23], $0x5FFFF  }
0x33: {  	[dreg:$0x1] =	wrdreg $0xFFFFFFFF  }
0x34: {  	[dreg:$0x0] =	wrdreg $0x60  }
0x35: {  	[dreg:$0x2] =	wrdreg s25  }
0x36: {  	[dreg:$0x3] =	wrdreg $0xA  }
0x37: {  	_ =	task.clear_ibuf [dreg:s23], $0x4FFFF;
	_ =	strace $0x9000004C  }
0x38: {  	s29 =	simm.s32 $0xA;
	_ =	strace $0x8000004E  }
0x39: {  	_ =	swait.ge [sflag:s29], $0x1  }
0x3a: {  	[sflag:s29] =	ssyncadd.s32 $0xFFFFFFFF  }
0x3b: {  	_ =	strace $0x9000004E  }
0x3c: {  	_ =	sfence  }
0x3d: {  	s30 =	sld [smem:$0x0];
	_ =	sdelay $0x2  }
0x3e: {  	s31 =	sshll.u32 s1, $0xD;
	s1 =	sshrl.u32 s1, $0x2  }
0x3f: {  	s4 =	sand.u32 $0x4000, s31;
	s1 =	sadd.s32 s1, s30  }
0x40: {  	s0 =	sor.u32 s4, s0;
	s1 =	sshll.u32 s1, $0x11  }
0x41: {  	s0 =	sor.u32 s1, s0  }
0x42: {  	s0 =	sadd.s32 $0x8F2B, s0  }
0x43: {  	[sflag:s0] =	ssyncadd.remote.s32 $0x1  }
0x44: {  	_ =	sfence.sel $0xFFFF  }
0x45: {  	[dreg:$0x0] =	wrdreg $0xFFFFFFFF;
	(pc) =	sbr.abs _section_cstart, $3  }
0x46: {  	[dreg:$0x1] =	wrdreg $0xFFFFFFFF  }
0x47: {  	_ =	task.clear_ibuf [dreg:s23], $0x2FFFF;
	_ =	strace $0x9FFFFFFF  }
0x48: {  	(tm) =	ssettm $0x7FFFFFFF  }
0x49: {  	_ =	shalt  }
tec
execute0_lowered:
.L_overlay_start_1:
0x0: {  	(tag) =	ssettag $0x1  }
0x1: {  	s0 =	srdreg.scid  }
0x2: {  	s1 =	rddreg [dreg:$0x0];
	s2 =	stileid.u32  }
0x3: {  	_ =	strace $0x8000004D;
	s5 =	simm.s32 $0x1;
	s0 =	sshll.u32 s0, $0x4  }
0x4: {  	s7 =	simm.s32 $0x2;
	s16 =	simm.s32 $0x0;
	s0 =	sand.u32 $0x10, s0  }
0x5: {  	s11 =	simm.s32 $0x271000;
	s15 =	simm.s32 $0x0;
	s0 =	sor.u32 s2, s0  }
0x6: {  	s13 =	simm.s32 $0x0;
	s14 =	simm.s32 $0x0;
	s2 =	sshll.u32 s0, $0x7  }
0x7: {  	s3 =	sadd.s32 $0x506E400, s1;
	s4 =	sadd.s32 $0x3C00, s1;
	s0 =	ssub.s32 $0x4E200, s2  }
.Ltmp0:
0x8: {  	[sflag:s5] =	ssyncpa.u1 $0x0;
	s6 =	sand.u32 $0xF80, s0;
	(pc) =	sbr.rel .LBB1_1-.Ltmp0, $4  }
0x9: {  	s8 =	sadd.s32 $0x5A32400, s1;
	p0 =	sne.s32 s6, $0x0;
	s6 =	simm.s32 $0x1  }
0xa: {  	s9 =	sadd.s32 $0x5F14400, s1;
	s0 =	sshrl.u32 s0, $0xC;
	s6 =	simm.s32 @!p0 $0x0  }
0xb: {  	[sflag:s7] =	ssyncpa.u1 $0x0;
	s7 =	sadd.s32 $0x5550400, s1;
	s6 =	sadd.s32 s6, s0  }
0xc: {  	s12 =	smov.u32 s2;
	p0 =	por $0x0, $0x0;
	s10 =	sadd.s32 $0x1, s6  }
.LBB1_7:
0xd: {  	s0 =	sadd.s32 $0x1000, s12  }
0xe: {  	s15 =	sadd.s32 $0x4, s13;
	s17 =	smov.u32 s13;
	p2 =	sgt.s32 s0, $0x4E1FF  }
0xf: {  	s17 =	smov.u32 @p2 s15  }
0x10: {  	s0 =	smov.u32 @p2 s2;
	p2 =	sgt.s32 s17, $0x3  }
0x11: {  	s17 =	simm.s32 @p2 $0x0;
	p2 =	sne.s32 s14, s10  }
.Ltmp1:
0x12: {  	p1 =	slt.u32 s14, $0x2;
	(pc) =	sbr.rel @!p2 .LBB1_8-.Ltmp1, $4  }
0x13: {  	s1 =	simm.s32 @!p1 $0x2  }
0x14: {  	s16 =	smov.u32 s12;
	p0 =	por !p0, !p0;
	_ =	swait.ge @!p1 [sflag:s1], $0x1000  }
0x15: {  	s15 =	smov.u32 s13;
	[sflag:s1] =	ssyncset.done @!p1 $0x0;
	s12 =	smov.u32 s0  }
0x16: {  	s14 =	sadd.s32 $0x1, s14;
	[sflag:s1] =	ssyncadd.s32 @!p1 $0xFFFFF000;
	s13 =	smov.u32 s17  }
.LBB1_1:
0x17: {  	p1 =	sge.u32 s14, s6  }
0x18: {  	s0 =	sand.u32 @!p1 $0x1FFFFFF, s12  }
0x19: {  	s1 =	smulhi.u32 @!p1 $0x1A36E2F, s0;
	_ =	sdelay $0x1  }
0x1a: {  	s1 =	sshrl.u32 @!p1 s1, $0xB  }
0x1b: {  	s1 =	smul.u32 @!p1 $0x4E200, s1  }
0x1c: {  	s17 =	sxor.u32 @!p1 $0xFFFFFFFF, s14;
	s18 =	smul.u32 @!p1 $0x4E2000, s13  }
0x1d: {  	s17 =	sshll.u32 @!p1 s17, $0xC;
	s0 =	ssub.s32 @!p1 s0, s1  }
0x1e: {  	s1 =	sand.u32 @!p1 $0x1000, s17;
	s17 =	sadd.s32 @!p1 s3, s18;
	s0 =	sshll.u32 @!p1 s0, $0x4  }
0x1f: {  	s19 =	simm.s32 @!p1 $0x8;
	s20 =	simm.s32 @!p1 $0x80;
	s17 =	sadd.s32 @!p1 s0, s17  }
0x20: {  	[tilespmem:s1], [sflag:$0x1] =	stream.strided.gather @!p1 [hbm4b:s17+s19], $0x400, s20, s19, $0x38;
	[tilespmem:$0x4040] =	vst v63  }
0x21: {  	s17 =	sadd.s32 @!p1 s18, s7  }
0x22: {  	s21 =	sor.u32 @!p1 $0x400, s1;
	s17 =	sadd.s32 @!p1 s0, s17  }
0x23: {  	[tilespmem:s21], [sflag:$0x1] =	stream.strided.gather @!p1 [hbm4b:s17+s19], $0x400, s20, s19, $0x38;
	[tilespmem:$0x4040] =	vst v63  }
0x24: {  	s17 =	sadd.s32 @!p1 s18, s8  }
0x25: {  	s21 =	sor.u32 @!p1 $0x800, s1;
	s17 =	sadd.s32 @!p1 s0, s17  }
0x26: {  	[tilespmem:s21], [sflag:$0x1] =	stream.strided.gather @!p1 [hbm4b:s17+s19], $0x400, s20, s19, $0x38;
	[tilespmem:$0x4040] =	vst v63  }
0x27: {  	s17 =	sadd.s32 @!p1 s18, s9  }
0x28: {  	s31 =	sadd.s32 $0xFFFFFFFF, s14;
	s1 =	sor.u32 @!p1 $0xC00, s1;
	s0 =	sadd.s32 @!p1 s0, s17  }
0x29: {  	[tilespmem:s1], [sflag:$0x1] =	stream.strided.gather @!p1 [hbm4b:s0+s19], $0x400, s20, s19, $0x38;
	[tilespmem:$0x4040] =	vst v63  }
0x2a: {  	p1 =	sge.u32 s31, s6  }
.Ltmp2:
0x2b: {  	_ = 	snop;
	(pc) =	sbr.rel @p1 .LBB1_7-.Ltmp2, $1  }
0x2c: {  	_ =	sdelay $0x3  }
0x2d: {  	s0 =	simm.s32 $0x1;
	s17 =	sand.u32 $0x1, s14  }
0x2e: {  	s0 =	simm.s32 @!p0 $0x0;
	s17 =	smul.u32 $0x4080, s17  }
0x2f: {  	_ =	swait.ge [sflag:s5], $0x1000;
	s1 =	smul.u32 $0x4080, s0  }
0x30: {  	s20 =	simm.s32 $0x0;
	[sflag:s5] =	ssyncset.done $0x0;
	s0 =	sshll.u32 s0, $0xC  }
0x31: {  	[sflag:s5] =	ssyncadd.s32 $0xFFFFF000;
	s31 =	sshrl.u32 s17, $0x2;
	s1 =	sshrl.u32 s1, $0x2  }
0x32: {  	s19 =	sor.u32 $0x20, s0;
	s17 =	sor.u32 $0x2000, s31;
	s18 =	sor.u32 $0x2007, s1  }
.LBB1_3:
0x33: {  	v0 =	vld.msk [tilespmem:s19+$0xFFFFFFE0], $0xff;
	_ =	sdelay $0x4  }
0x34: {  	[tilespmem:s18+$0xFFFFFFF9 ss:$0x81] =	vst.msk $0xff, v0  }
0x35: {  	v0 =	vld.msk [tilespmem:s19+$0xFFFFFFE8], $0xff  }
0x36: {  	s22 =	sadd.s32 $0x40, s19  }
0x37: {  	v1 =	vld.msk [tilespmem:s22+$0xFFFFFFE0], $0xff;
	_ =	sdelay $0x2  }
0x38: {  	[tilespmem:s18+$0xFFFFFFFA ss:$0x81] =	vst.msk $0xff, v0  }
0x39: {  	s21 =	sadd.s32 $0x8, s18;
	v0 =	vld.msk [tilespmem:s19+$0xFFFFFFF0], $0xff  }
0x3a: {  	[tilespmem:s21+$0xFFFFFFF9 ss:$0x81] =	vst.msk $0xff, v1  }
0x3b: {  	v1 =	vld.msk [tilespmem:s22+$0xFFFFFFE8], $0xff  }
0x3c: {  	s24 =	sadd.s32 $0x40, s22  }
0x3d: {  	v2 =	vld.msk [tilespmem:s24+$0xFFFFFFE0], $0xff  }
0x3e: {  	[tilespmem:s18+$0xFFFFFFFB ss:$0x81] =	vst.msk $0xff, v0  }
0x3f: {  	v0 =	vld.msk [tilespmem:s19+$0xFFFFFFF8], $0xff  }
0x40: {  	[tilespmem:s21+$0xFFFFFFFA ss:$0x81] =	vst.msk $0xff, v1  }
0x41: {  	s23 =	sadd.s32 $0x8, s21;
	v1 =	vld.msk [tilespmem:s22+$0xFFFFFFF0], $0xff  }
0x42: {  	[tilespmem:s23+$0xFFFFFFF9 ss:$0x81] =	vst.msk $0xff, v2  }
0x43: {  	s26 =	sadd.s32 $0x40, s24;
	v2 =	vld.msk [tilespmem:s24+$0xFFFFFFE8], $0xff  }
0x44: {  	[tilespmem:s18+$0xFFFFFFFC ss:$0x81] =	vst.msk $0xff, v0;
	v0 =	vld.msk [tilespmem:s26+$0xFFFFFFE0], $0xff  }
0x45: {  	v3 =	vld.msk [tilespmem:s19+$0x0], $0xff  }
0x46: {  	[tilespmem:s21+$0xFFFFFFFB ss:$0x81] =	vst.msk $0xff, v1  }
0x47: {  	v1 =	vld.msk [tilespmem:s22+$0xFFFFFFF8], $0xff  }
0x48: {  	s25 =	sadd.s32 $0x8, s23;
	[tilespmem:s23+$0xFFFFFFFA ss:$0x81] =	vst.msk $0xff, v2  }
0x49: {  	v2 =	vld.msk [tilespmem:s24+$0xFFFFFFF0], $0xff;
	[tilespmem:s25+$0xFFFFFFF9 ss:$0x81] =	vst.msk $0xff, v0  }
0x4a: {  	v0 =	vld.msk [tilespmem:s26+$0xFFFFFFE8], $0xff;
	[tilespmem:s18+$0xFFFFFFFD ss:$0x81] =	vst.msk $0xff, v3  }
0x4b: {  	s27 =	sadd.s32 $0x40, s26;
	v3 =	vld.msk [tilespmem:s19+$0x8], $0xff  }
0x4c: {  	[tilespmem:s21+$0xFFFFFFFC ss:$0x81] =	vst.msk $0xff, v1;
	v1 =	vld.msk [tilespmem:s27+$0xFFFFFFE0], $0xff  }
0x4d: {  	v4 =	vld.msk [tilespmem:s22+$0x0], $0xff  }
0x4e: {  	[tilespmem:s23+$0xFFFFFFFB ss:$0x81] =	vst.msk $0xff, v2  }
0x4f: {  	v2 =	vld.msk [tilespmem:s24+$0xFFFFFFF8], $0xff;
	[tilespmem:s25+$0xFFFFFFFA ss:$0x81] =	vst.msk $0xff, v0  }
0x50: {  	s28 =	sadd.s32 $0x8, s25;
	v0 =	vld.msk [tilespmem:s26+$0xFFFFFFF0], $0xff;
	[tilespmem:s18+$0xFFFFFFFE ss:$0x81] =	vst.msk $0xff, v3  }
0x51: {  	[tilespmem:s28+$0xFFFFFFF9 ss:$0x81] =	vst.msk $0xff, v1;
	v1 =	vld.msk [tilespmem:s19+$0x10], $0xff  }
0x52: {  	[tilespmem:s21+$0xFFFFFFFD ss:$0x81] =	vst.msk $0xff, v4;
	v3 =	vld.msk [tilespmem:s27+$0xFFFFFFE8], $0xff  }
0x53: {  	s29 =	sadd.s32 $0x40, s27;
	v4 =	vld.msk [tilespmem:s22+$0x8], $0xff  }
0x54: {  	[tilespmem:s23+$0xFFFFFFFC ss:$0x81] =	vst.msk $0xff, v2;
	v2 =	vld.msk [tilespmem:s29+$0xFFFFFFE0], $0xff  }
0x55: {  	v5 =	vld.msk [tilespmem:s24+$0x0], $0xff;
	[tilespmem:s25+$0xFFFFFFFB ss:$0x81] =	vst.msk $0xff, v0  }
0x56: {  	v6 =	vld.msk [tilespmem:s26+$0xFFFFFFF8], $0xff;
	[tilespmem:s18+$0xFFFFFFFF ss:$0x81] =	vst.msk $0xff, v1  }
0x57: {  	[tilespmem:s28+$0xFFFFFFFA ss:$0x81] =	vst.msk $0xff, v3;
	v0 =	vld.msk [tilespmem:s19+$0x18], $0xff  }
0x58: {  	s30 =	sadd.s32 $0x8, s28;
	[tilespmem:s21+$0xFFFFFFFE ss:$0x81] =	vst.msk $0xff, v4;
	v3 =	vld.msk [tilespmem:s27+$0xFFFFFFF0], $0xff  }
0x59: {  	[tilespmem:s30+$0xFFFFFFF9 ss:$0x81] =	vst.msk $0xff, v2;
	v1 =	vld.msk [tilespmem:s22+$0x10], $0xff  }
0x5a: {  	[tilespmem:s23+$0xFFFFFFFD ss:$0x81] =	vst.msk $0xff, v5;
	v4 =	vld.msk [tilespmem:s29+$0xFFFFFFE8], $0xff  }
0x5b: {  	s0 =	simm.s32 $0x28;
	s31 =	smov.u32 s18;
	s1 =	sadd.s32 $0x40, s29;
	v2 =	vld.msk [tilespmem:s24+$0x8], $0xff;
	[tilespmem:s25+$0xFFFFFFFC ss:$0x81] =	vst.msk $0xff, v6  }
.LBB1_4:
0x5c: {  	v5 =	vld.msk [tilespmem:s1+$0xFFFFFFE0], $0xff;
	[tilespmem:s31+$0x0 ss:$0x81] =	vst.msk $0xff, v0;
	s31 =	smov.u32 s21;
	s21 =	smov.u32 s23;
	s23 =	smov.u32 s25  }
0x5d: {  	s0 =	sadd.s32 $0x8, s0;
	s25 =	smov.u32 s28;
	[tilespmem:s28+$0xFFFFFFFB ss:$0x81] =	vst.msk $0xff, v3;
	v6 =	vld.msk [tilespmem:s26+$0x0], $0xff;
	s28 =	smov.u32 s30  }
0x5e: {  	p1 =	slt.u32 s0, $0x78;
	v7 =	vld.msk [tilespmem:s27+$0xFFFFFFF8], $0xff;
	[tilespmem:s31+$0xFFFFFFFF ss:$0x81] =	vst.msk $0xff, v1  }
.Ltmp3:
0x5f: {  	[tilespmem:s30+$0xFFFFFFFA ss:$0x81] =	vst.msk $0xff, v4;
	v0 =	vld.msk [tilespmem:s22+$0x18], $0xff;
	s22 =	smov.u32 s24;
	s24 =	smov.u32 s26;
	(pc) =	sbr.rel @p1 .LBB1_4-.Ltmp3, $4  }
0x60: {  	s30 =	sadd.s32 $0x8, s30;
	s26 =	smov.u32 s27;
	s27 =	smov.u32 s29;
	v3 =	vld.msk [tilespmem:s29+$0xFFFFFFF0], $0xff;
	[tilespmem:s21+$0xFFFFFFFE ss:$0x81] =	vst.msk $0xff, v2  }
0x61: {  	s29 =	smov.u32 s1;
	[tilespmem:s30+$0xFFFFFFF9 ss:$0x81] =	vst.msk $0xff, v5;
	v1 =	vld.msk [tilespmem:s22+$0x10], $0xff  }
0x62: {  	v4 =	vld.msk [tilespmem:s1+$0xFFFFFFE8], $0xff;
	[tilespmem:s23+$0xFFFFFFFD ss:$0x81] =	vst.msk $0xff, v6  }
0x63: {  	s1 =	sadd.s32 $0x40, s1;
	[tilespmem:s25+$0xFFFFFFFC ss:$0x81] =	vst.msk $0xff, v7;
	v2 =	vld.msk [tilespmem:s24+$0x8], $0xff  }
0x64: {  	_ =	sdelay $0x2  }
0x65: {  	[tilespmem:s30+$0xFFFFFFFA ss:$0x81] =	vst.msk $0xff, v4  }
0x66: {  	v4 =	vld.msk [tilespmem:s29+$0xFFFFFFF0], $0xff;
	_ =	sdelay $0x3  }
0x67: {  	[tilespmem:s28+$0xFFFFFFFB ss:$0x81] =	vst.msk $0xff, v3  }
0x68: {  	v3 =	vld.msk [tilespmem:s27+$0xFFFFFFF8], $0xff;
	[tilespmem:s30+$0xFFFFFFFB ss:$0x81] =	vst.msk $0xff, v4  }
0x69: {  	v4 =	vld.msk [tilespmem:s29+$0xFFFFFFF8], $0xff;
	_ =	sdelay $0x3  }
0x6a: {  	v5 =	vld.msk [tilespmem:s26+$0x0], $0xff;
	[tilespmem:s28+$0xFFFFFFFC ss:$0x81] =	vst.msk $0xff, v3  }
0x6b: {  	v3 =	vld.msk [tilespmem:s27+$0x0], $0xff;
	[tilespmem:s30+$0xFFFFFFFC ss:$0x81] =	vst.msk $0xff, v4  }
0x6c: {  	v4 =	vld.msk [tilespmem:s29+$0x0], $0xff;
	_ =	sdelay $0x2  }
0x6d: {  	[tilespmem:s25+$0xFFFFFFFD ss:$0x81] =	vst.msk $0xff, v5  }
0x6e: {  	v5 =	vld.msk [tilespmem:s26+$0x8], $0xff;
	[tilespmem:s28+$0xFFFFFFFD ss:$0x81] =	vst.msk $0xff, v3  }
0x6f: {  	v3 =	vld.msk [tilespmem:s27+$0x8], $0xff;
	[tilespmem:s30+$0xFFFFFFFD ss:$0x81] =	vst.msk $0xff, v4  }
0x70: {  	v4 =	vld.msk [tilespmem:s29+$0x8], $0xff;
	_ =	sdelay $0x1  }
0x71: {  	[tilespmem:s23+$0xFFFFFFFE ss:$0x81] =	vst.msk $0xff, v2  }
0x72: {  	v2 =	vld.msk [tilespmem:s24+$0x10], $0xff;
	[tilespmem:s25+$0xFFFFFFFE ss:$0x81] =	vst.msk $0xff, v5  }
0x73: {  	v5 =	vld.msk [tilespmem:s26+$0x10], $0xff;
	[tilespmem:s28+$0xFFFFFFFE ss:$0x81] =	vst.msk $0xff, v3  }
0x74: {  	v3 =	vld.msk [tilespmem:s27+$0x10], $0xff;
	[tilespmem:s30+$0xFFFFFFFE ss:$0x81] =	vst.msk $0xff, v4  }
0x75: {  	v4 =	vld.msk [tilespmem:s29+$0x10], $0xff  }
0x76: {  	[tilespmem:s21+$0xFFFFFFFF ss:$0x81] =	vst.msk $0xff, v1  }
0x77: {  	v1 =	vld.msk [tilespmem:s22+$0x18], $0xff;
	[tilespmem:s23+$0xFFFFFFFF ss:$0x81] =	vst.msk $0xff, v2  }
0x78: {  	v2 =	vld.msk [tilespmem:s24+$0x18], $0xff;
	[tilespmem:s25+$0xFFFFFFFF ss:$0x81] =	vst.msk $0xff, v5  }
0x79: {  	v61 =	vld.msk [tilespmem:s26+$0x18], $0xff;
	[tilespmem:s28+$0xFFFFFFFF ss:$0x81] =	vst.msk $0xff, v3  }
0x7a: {  	s20 =	sadd.s32 $0x1, s20;
	v62 =	vld.msk [tilespmem:s27+$0x18], $0xff;
	[tilespmem:s30+$0xFFFFFFFF ss:$0x81] =	vst.msk $0xff, v4  }
0x7b: {  	[tilespmem:s31+$0x0 ss:$0x81] =	vst.msk $0xff, v0;
	p1 =	sne.s32 s20, $0x4;
	v63 =	vld.msk [tilespmem:s29+$0x18], $0xff  }
.Ltmp4:
0x7c: {  	[tilespmem:s21+$0x0 ss:$0x81] =	vst.msk $0xff, v1;
	(pc) =	sbr.rel @p1 .LBB1_3-.Ltmp4, $4  }
0x7d: {  	[tilespmem:s23+$0x0 ss:$0x81] =	vst.msk $0xff, v2  }
0x7e: {  	[tilespmem:s25+$0x0 ss:$0x81] =	vst.msk $0xff, v61  }
0x7f: {  	[tilespmem:s28+$0x0 ss:$0x81] =	vst.msk $0xff, v62  }
0x80: {  	s18 =	sadd.s32 $0x408, s18;
	s19 =	sadd.s32 $0x400, s19;
	[tilespmem:s30+$0x0 ss:$0x81] =	vst.msk $0xff, v63  }
0x81: {  	s0 =	sshll.u32 s16, $0x3  }
0x82: {  	s1 =	sand.u32 $0x7F, s16;
	s0 =	sand.u32 $0xFFFFFC00, s0  }
0x83: {  	s1 =	sor.u32 s1, s0;
	s0 =	smulhi.u32 $0xD1B71759, s0  }
0x84: {  	s29 =	smulhi.u32 $0xD1B71759, s1;
	_ =	sdelay $0x1  }
0x85: {  	s15 =	smul.u32 $0x4E200, s15;
	s0 =	sshrl.u32 s0, $0x12;
	s16 =	sshrl.u32 s29, $0x12  }
0x86: {  	s0 =	sand.u32 $0x7, s0;
	s16 =	smul.u32 $0x4E200, s16  }
0x87: {  	s0 =	smul.u32 $0x9C40, s0  }
.Ltmp5:
0x88: {  	s1 =	ssub.s32 s1, s16;
	(pc) =	sbr.rel .LBB1_7-.Ltmp5, $4  }
0x89: {  	s15 =	sadd.s32 s4, s15;
	s16 =	sand.u32 $0x7, s1  }
0x8a: {  	s0 =	sadd.s32 s0, s15;
	s1 =	sshrl.u32 s1, $0x3;
	s30 =	sshll.u32 s16, $0x12  }
0x8b: {  	s0 =	sadd.s32 s1, s0;
	s31 =	sor.u32 $0x400, s30  }
0x8c: {  	[hbm4b:s0+s31] =	stream.strided.scatter [tilespmem:s17], [sflag:$0x2], $0x1000, s11, s31, $0x20;
	[tilespmem:$0x4040] =	vst v63  }
.LBB1_8:
0x8d: {  	_ =	sfence.sel $0x180000  }
0x8e: {  	s0 =	simm.s32 $0x1;
	[bflag:$0x0] =	sbarrier.arrive $0xFFFF  }
0x8f: {  	s30 =	simm.s32 $0x2;
	[sflag:s0] =	ssyncpa.u1 $0x1  }
0x90: {  	[sflag:s30] =	ssyncpa.u1 $0x1  }
0x91: {  	_ =	strace $0x9000004D  }
0x92: {  	s31 =	stileid.u32;
	[bflag:$0x2] =	sbarrier.arrive $0xFFFF  }
0x93: {  	p0 =	sne.s32 s31, $0x0;
	s0 =	rddreg [dreg:$0x1]  }
0x94: {  	s0 =	sadd.s32 @!p0 $0x100000, s0  }
0x95: {  	[sflag:s0] =	ssyncadd.tile.s32 @!p0 $0x1;
	_ =	shalt  }
.Lfunc_end1:
_tile_overlayer_lowered:
.L_overlay_start_2:
0x96: {  	(tag) =	ssettag $0x2  }
0x97: {  	s0 =	rddreg [dreg:$0x0];
	s2 =	stileid.u32  }
0x98: {  	s1 =	rddreg [dreg:$0x1];
	p0 =	sne.s32 s2, $0x0  }
0x99: {  	s3 =	rddreg [dreg:$0x2];
	[bflag:$0x3] =	sbarrier.arrive $0xFFFF;
	s2 =	simm.s32 @!p0 $0x1C01  }
0x9a: {  	[timem:s3], [sflag:s2] =	dma.local @!p0 [hbm:s0], s1  }
0x9b: {  	s0 =	simm.s32 @!p0 $0x1  }
0x9c: {  	_ =	swait.ge @!p0 [sflag:s0], s1  }
0x9d: {  	s1 =	ssub.s32 @!p0 $0x0, s1;
	[sflag:s0] =	ssyncset.done @!p0 $0x0  }
0x9e: {  	[sflag:s0] =	ssyncadd.s32 @!p0 s1  }
0x9f: {  	[bflag:$0x3] =	sbarrier.arrive $0xFFFF  }
0xa0: {  	_ =	shalt  }

// kernel: sparse-core-data-format-call.2.cloned.1.call-start
scs
called_computation.4_lowered:
.L_overlay_start_0:
0x0: {  	s2 =	sld [smem:$0x3FD9]  }
0x1: {  	s3 =	sld [smem:$0x3FFE];
	_ =	sdelay $0x1  }
0x2: {  	s1 =	srdreg.scid  }
0x3: {  	s0 =	sand.u32 $0x1, s1  }
0x4: {  	s18 =	sshll.u32 s0, $0xA;
	s2 =	sadd.s32 s3, s2  }
0x5: {  	s2 =	sadd.s32 s2, s18  }
0x6: {  	[smem:$0x3FBA] =	sst s2  }
0x7: {  	_ = 	snop  }
0x8: {  	(tm) =	ssettm $0x1  }
0x9: {  	s19 =	sld [smem:$0x3FFB];
	_ =	sdelay $0x3  }
0xa: {  	_ =	strace s19  }
0xb: {  	s2 =	sld [smem:$0x3FFC];
	_ =	sdelay $0x3  }
0xc: {  	_ =	strace s2  }
0xd: {  	s2 =	sld [smem:$0x3FFD];
	_ =	sdelay $0x3  }
0xe: {  	_ =	strace s2  }
0xf: {  	_ =	strace $0x8FFFFFFF  }
0x10: {  	s20 =	sld [smem:$0x3FDB];
	_ =	sdelay $0x1  }
0x11: {  	s21 =	simm.s32 $_scs_section_size  }
0x12: {  	s4 =	simm.s32 $_size__tile_overlayer_lowered;
	s5 =	simm.s32 $_tile_overlayer_lowered  }
0x13: {  	s6 =	simm.s32 $0x1BFF;
	s22 =	sshll.u32 s5, $0x1;
	s3 =	sadd.s32 s21, s20  }
0x14: {  	s23 =	simm.s32 $0x0;
	s4 =	sshll.u32 s4, $0x1;
	s5 =	sadd.s32 s22, s3  }
0x15: {  	[timem:s23], [sflag:s6] =	dma.local [hbm:s5], s4  }
0x16: {  	_ =	swait.ge [sflag:s6], s4  }
0x17: {  	s4 =	ssub.s32 $0x0, s4;
	[sflag:s6] =	ssyncset.done $0x0  }
0x18: {  	[sflag:s6] =	ssyncadd.s32 s4;
	_ =	sdelay $0x1  }
0x19: {  	s24 =	simm.s32 $0x1B8B  }
0x1a: {  	_ =	swait.ge [sflag:s24], $0x1  }
0x1b: {  	[sflag:s24] =	ssyncset.done $0x0  }
0x1c: {  	[sflag:s24] =	ssyncadd.s32 $0xFFFFFFFF  }
0x1d: {  	s4 =	sld [smem:$0x0]  }
0x1e: {  	s5 =	sand.u32 $0xFFFFFFFE, s1  }
0x1f: {  	p0 =	sne.s32 s1, s5  }
0x20: {  	s5 =	sshll.u32 @p0 s5, $0xE  }
0x21: {  	s5 =	sadd.s32 @p0 $0x11B8D, s5;
	s6 =	sshll.u32 @p0 s4, $0x11  }
0x22: {  	s5 =	sor.u32 @p0 s6, s5  }
0x23: {  	[sflag:s5] =	ssyncadd.remote.s32 @p0 $0x1;
	_ =	sdelay $0x1  }
0x24: {  	s5 =	simm.s32 @p0 $0x1B8D  }
0x25: {  	_ =	swait.eq @p0 [sflag:s5], $0x1  }
0x26: {  	[sflag:s5] =	ssyncadd.s32 @p0 $0xFFFFFFFF  }
0x27: {  	s6 =	sshll.u32 @!p0 s1, $0xE  }
0x28: {  	s6 =	sor.u32 @!p0 $0x4000, s6;
	s5 =	simm.s32 @!p0 $0x1B8D  }
0x29: {  	s4 =	sshll.u32 @!p0 s4, $0x11;
	s6 =	sadd.s32 @!p0 $0x11B8D, s6;
	_ =	swait.eq @!p0 [sflag:s5], $0x1  }
0x2a: {  	s4 =	sor.u32 @!p0 s4, s6;
	[sflag:s5] =	ssyncadd.s32 @!p0 $0xFFFFFFFF  }
0x2b: {  	s26 =	simm.s32 $0x1B8E;
	s25 =	sld [smem:$0x3FFE];
	[sflag:s4] =	ssyncadd.remote.s32 @!p0 $0x1  }
0x2c: {  	s27 =	simm.s32 $execute0_lowered;
	[smem:$0x3FD2] =	sst s26  }
0x2d: {  	s5 =	sshll.u32 s27, $0x1;
	_ =	strace $0x80000049;
	[dreg:$0x1] =	wrdreg $0xFFFFFFFF  }
0x2e: {  	s28 =	simm.s32 $_size_execute0_lowered;
	s3 =	sadd.s32 s3, s5;
	[dreg:$0x0] =	wrdreg $0x0  }
0x2f: {  	s5 =	sshll.u32 s28, $0x1;
	[dreg:$0x2] =	wrdreg s3  }
0x30: {  	[dreg:$0x3] =	wrdreg s5  }
0x31: {  	[dreg:$0x4] =	wrdreg $0xC0  }
0x32: {  	_ =	task [dreg:s23], $0x5FFFF  }
0x33: {  	[dreg:$0x1] =	wrdreg $0xFFFFFFFF  }
0x34: {  	[dreg:$0x0] =	wrdreg $0x60  }
0x35: {  	[dreg:$0x2] =	wrdreg s25  }
0x36: {  	[dreg:$0x3] =	wrdreg $0x9  }
0x37: {  	_ =	task.clear_ibuf [dreg:s23], $0x4FFFF;
	_ =	strace $0x90000049  }
0x38: {  	s29 =	simm.s32 $0x9;
	_ =	strace $0x8000004B  }
0x39: {  	_ =	swait.ge [sflag:s29], $0x1  }
0x3a: {  	[sflag:s29] =	ssyncadd.s32 $0xFFFFFFFF  }
0x3b: {  	_ =	strace $0x9000004B  }
0x3c: {  	_ =	sfence  }
0x3d: {  	s30 =	sld [smem:$0x0];
	_ =	sdelay $0x2  }
0x3e: {  	s31 =	sshll.u32 s1, $0xD;
	s1 =	sshrl.u32 s1, $0x2  }
0x3f: {  	s4 =	sand.u32 $0x4000, s31;
	s1 =	sadd.s32 s1, s30  }
0x40: {  	s0 =	sor.u32 s4, s0;
	s1 =	sshll.u32 s1, $0x11  }
0x41: {  	s0 =	sor.u32 s1, s0  }
0x42: {  	s0 =	sadd.s32 $0x8F2B, s0  }
0x43: {  	[sflag:s0] =	ssyncadd.remote.s32 $0x1  }
0x44: {  	_ =	sfence.sel $0xFFFF  }
0x45: {  	[dreg:$0x0] =	wrdreg $0xFFFFFFFF;
	(pc) =	sbr.abs _section_cstart, $3  }
0x46: {  	[dreg:$0x1] =	wrdreg $0xFFFFFFFF  }
0x47: {  	_ =	task.clear_ibuf [dreg:s23], $0x2FFFF;
	_ =	strace $0x9FFFFFFF  }
0x48: {  	(tm) =	ssettm $0x7FFFFFFF  }
0x49: {  	_ =	shalt  }
tec
execute0_lowered:
.L_overlay_start_1:
0x0: {  	(tag) =	ssettag $0x1  }
0x1: {  	s0 =	stileid.u32;
	s1 =	srdreg.scid  }
0x2: {  	s4 =	rddreg [dreg:$0x0];
	s5 =	simm.s32 $0x1;
	s8 =	simm.s32 $0x2  }
0x3: {  	s14 =	simm.s32 $0x0;
	s2 =	sshll.u32 s0, $0x5;
	s3 =	sshll.u32 s1, $0x9  }
0x4: {  	s1 =	rddreg [dreg:$0x1];
	_ =	strace $0x8000004A;
	s2 =	sor.u32 s2, s3  }
0x5: {  	s13 =	simm.s32 $0x0;
	s3 =	sadd.s32 $0x295E400, s4;
	s2 =	sand.u32 $0x380, s2  }
0x6: {  	s12 =	simm.s32 $0x0;
	s4 =	sadd.s32 $0x3CE6400, s4;
	s6 =	ssub.s32 $0x4E200, s2  }
.Ltmp0:
0x7: {  	[sflag:s5] =	ssyncpa.u1 $0x0;
	s7 =	sand.u32 $0x380, s6;
	(pc) =	sbr.rel .LBB1_1-.Ltmp0, $4  }
0x8: {  	[sflag:s8] =	ssyncpa.u1 $0x0;
	p0 =	sne.s32 s7, $0x0;
	s7 =	simm.s32 $0x1  }
0x9: {  	s9 =	sshrl.u32 s6, $0xA;
	s6 =	sand.u32 $0x3, s0;
	s7 =	simm.s32 @!p0 $0x0  }
0xa: {  	s10 =	smov.u32 s2;
	s11 =	smov.u32 s6;
	s7 =	sadd.s32 s7, s9  }
0xb: {  	p0 =	por $0x0, $0x0;
	s9 =	simm.s32 $0x271000;
	s8 =	sadd.s32 $0x1, s7  }
.LBB1_4:
0xc: {  	v5 =	vld [tilespmem:s18+$0xFFFFFFD0];
	[tilespmem:s17+$0x2040 ss:$0x81] =	vst.msk $0xffff, v3;
	s20 =	sshll.u32 s14, $0x3  }
0xd: {  	v58 =	vld [tilespmem:s18+$0xFFFFFFE0];
	[tilespmem:s17+$0x2850 ss:$0x81] =	vst.msk $0xffff, v4;
	s24 =	sand.u32 $0x7F, s14;
	s20 =	sand.u32 $0xFFFFFC00, s20  }
0xe: {  	s19 =	sshra.s32 s19, $0x2;
	v59 =	vld [tilespmem:s18+$0xFFFFFFF0];
	[tilespmem:s17+$0x3060 ss:$0x81] =	vst.msk $0xffff, v2;
	s14 =	sor.u32 s24, s20  }
0xf: {  	v60 =	vld [tilespmem:s18+$0x0];
	[tilespmem:s17+$0x0 ss:$0x81] =	vst.msk $0xffff, v0;
	s16 =	sadd.s32 s19, s16;
	s25 =	smulhi.u32 $0xD1B71759, s14  }
0x10: {  	v61 =	vld [tilespmem:s18+$0x10];
	[tilespmem:s16+$0x3870 ss:$0x81] =	vst.msk $0xffff, v1;
	s26 =	smulhi.u32 $0xD1B71759, s20  }
0x11: {  	v62 =	vld [tilespmem:s18+$0x20];
	[tilespmem:s16+$0x810 ss:$0x81] =	vst.msk $0xffff, v5;
	s17 =	sshrl.u32 s25, $0x12  }
0x12: {  	v63 =	vld [tilespmem:s18+$0xFFFFFFC0];
	s27 =	sshrl.u32 s26, $0x12;
	[tilespmem:s16+$0x1020 ss:$0x81] =	vst.msk $0xffff, v58;
	s17 =	smul.u32 $0x4E200, s17  }
0x13: {  	s13 =	smul.u32 $0x4E2000, s13;
	[tilespmem:s16+$0x1830 ss:$0x81] =	vst.msk $0xffff, v59;
	s18 =	sand.u32 $0x7F, s27  }
0x14: {  	[tilespmem:s16+$0x2040 ss:$0x81] =	vst.msk $0xffff, v60;
	s28 =	smul.u32 $0x9C40, s18;
	s14 =	ssub.s32 s14, s17  }
0x15: {  	s13 =	sadd.s32 s4, s13;
	[tilespmem:s16+$0x2850 ss:$0x81] =	vst.msk $0xffff, v61;
	s29 =	sand.u32 $0x7, s14  }
0x16: {  	[tilespmem:s16+$0x3060 ss:$0x81] =	vst.msk $0xffff, v62;
	s13 =	sadd.s32 s28, s13;
	s14 =	sshrl.u32 s14, $0x3;
	s30 =	sshll.u32 s29, $0x12  }
0x17: {  	[tilespmem:s16+$0x0 ss:$0x81] =	vst.msk $0xffff, v63;
	s13 =	sadd.s32 s14, s13;
	s31 =	sor.u32 $0x400, s30  }
0x18: {  	[hbm4b:s13+s31] =	stream.strided.scatter [tilespmem:s15], [sflag:$0x2], $0x4000, s9, s31, $0x20;
	[tilespmem:$0x10100] =	vst v63  }
.LBB1_5:
0x19: {  	s15 =	sadd.s32 $0x400, s10  }
0x1a: {  	s13 =	sadd.s32 $0x4, s11;
	s17 =	smov.u32 s11;
	p2 =	sgt.s32 s15, $0x4E1FF  }
0x1b: {  	s17 =	smov.u32 @p2 s13  }
0x1c: {  	s15 =	smov.u32 @p2 s2;
	p2 =	sgt.s32 s17, $0x3  }
0x1d: {  	s17 =	smov.u32 @p2 s6;
	p2 =	sne.s32 s12, s8  }
.Ltmp1:
0x1e: {  	p1 =	slt.u32 s12, $0x2;
	(pc) =	sbr.rel @!p2 .LBB1_6-.Ltmp1, $4  }
0x1f: {  	s16 =	simm.s32 @!p1 $0x2  }
0x20: {  	s14 =	smov.u32 s10;
	p0 =	por !p0, !p0;
	_ =	swait.ge @!p1 [sflag:s16], $0x4000  }
0x21: {  	s13 =	smov.u32 s11;
	[sflag:s16] =	ssyncset.done @!p1 $0x0;
	s10 =	smov.u32 s15  }
0x22: {  	s12 =	sadd.s32 $0x1, s12;
	[sflag:s16] =	ssyncadd.s32 @!p1 $0xFFFFC000;
	s11 =	smov.u32 s17  }
.LBB1_1:
0x23: {  	p1 =	sge.u32 s12, s7  }
0x24: {  	s15 =	sand.u32 @!p1 $0x1FFFFFF, s10  }
0x25: {  	s16 =	smulhi.u32 @!p1 $0x1A36E2F, s15;
	_ =	sdelay $0x1  }
0x26: {  	s16 =	sshrl.u32 @!p1 s16, $0xB  }
0x27: {  	s16 =	smul.u32 @!p1 $0x4E200, s16  }
0x28: {  	s17 =	smul.u32 @!p1 $0x4E2000, s11  }
0x29: {  	s31 =	sadd.s32 $0xFFFFFFFF, s12;
	s15 =	ssub.s32 @!p1 s15, s16;
	s16 =	sxor.u32 @!p1 $0xFFFFFFFF, s12  }
0x2a: {  	s17 =	sadd.s32 @!p1 s3, s17;
	s16 =	sshll.u32 @!p1 s16, $0xE;
	s15 =	sshll.u32 @!p1 s15, $0x4  }
0x2b: {  	s16 =	sand.u32 @!p1 $0x4000, s16;
	s15 =	sadd.s32 @!p1 s15, s17;
	s17 =	simm.s32 @!p1 $0x0  }
0x2c: {  	[tilespmem:s16], [sflag:$0x1] =	stream.linear.gather @!p1 [hbm4b:s15+s17], $0x4000, $0x38;
	[tilespmem:$0x10100] =	vst v63  }
0x2d: {  	p1 =	sge.u32 s31, s7  }
.Ltmp2:
0x2e: {  	_ = 	snop;
	(pc) =	sbr.rel @p1 .LBB1_5-.Ltmp2, $1  }
0x2f: {  	_ =	sdelay $0x3  }
0x30: {  	s15 =	simm.s32 $0x1  }
0x31: {  	_ =	swait.ge [sflag:s5], $0x4000;
	s15 =	simm.s32 @!p0 $0x0  }
0x32: {  	[sflag:s5] =	ssyncset.done $0x0;
	s16 =	sshll.u32 s15, $0xE  }
0x33: {  	[sflag:s5] =	ssyncadd.s32 $0xFFFFC000;
	s18 =	sor.u32 $0x40, s16  }
0x34: {  	s15 =	smul.u32 $0x10200, s15;
	v0 =	vld [tilespmem:s18+$0x30]  }
0x35: {  	v1 =	vld [tilespmem:s18+$0xFFFFFFD0]  }
0x36: {  	s15 =	sshrl.u32 s15, $0x2;
	v5 =	vld [tilespmem:s18+$0xFFFFFFE0]  }
0x37: {  	v6 =	vld [tilespmem:s18+$0xFFFFFFF0];
	s16 =	sor.u32 $0x8000, s15  }
0x38: {  	s31 =	sand.u32 $0x1, s12;
	v3 =	vld [tilespmem:s18+$0x0];
	s17 =	sadd.s32 $0x0, s16  }
0x39: {  	v4 =	vld [tilespmem:s18+$0x10];
	s15 =	smul.u32 $0x10200, s31;
	[tilespmem:s17+$0x3870 ss:$0x81] =	vst.msk $0xffff, v0  }
0x3a: {  	v2 =	vld [tilespmem:s18+$0x20];
	[tilespmem:s17+$0x810 ss:$0x81] =	vst.msk $0xffff, v1  }
0x3b: {  	s15 =	sshrl.u32 s15, $0x2;
	v0 =	vld [tilespmem:s18+$0xFFFFFFC0];
	[tilespmem:s17+$0x1020 ss:$0x81] =	vst.msk $0xffff, v5;
	s18 =	sadd.s32 $0x80, s18  }
0x3c: {  	s19 =	simm.s32 $0x4;
	s20 =	simm.s32 $0x8;
	s15 =	sor.u32 $0x8000, s15;
	[tilespmem:s17+$0x1830 ss:$0x81] =	vst.msk $0xffff, v6;
	v1 =	vld [tilespmem:s18+$0x30]  }
.LBB1_3:
0x3d: {  	p1 =	sne.s32 s20, $0x1FC;
	v5 =	vld [tilespmem:s18+$0xFFFFFFD0];
	[tilespmem:s17+$0x2040 ss:$0x81] =	vst.msk $0xffff, v3  }
0x3e: {  	v6 =	vld [tilespmem:s18+$0xFFFFFFE0];
	[tilespmem:s17+$0x2850 ss:$0x81] =	vst.msk $0xffff, v4  }
0x3f: {  	s21 =	sshra.s32 s19, $0x2;
	s19 =	smov.u32 s20;
	v7 =	vld [tilespmem:s18+$0xFFFFFFF0];
	[tilespmem:s17+$0x3060 ss:$0x81] =	vst.msk $0xffff, v2  }
.Ltmp3:
0x40: {  	v3 =	vld [tilespmem:s18+$0x0];
	[tilespmem:s17+$0x0 ss:$0x81] =	vst.msk $0xffff, v0;
	s17 =	sadd.s32 s21, s16;
	(pc) =	sbr.rel @p1 .LBB1_3-.Ltmp3, $4  }
0x41: {  	v4 =	vld [tilespmem:s18+$0x10];
	[tilespmem:s17+$0x3870 ss:$0x81] =	vst.msk $0xffff, v1  }
0x42: {  	[tilespmem:s17+$0x810 ss:$0x81] =	vst.msk $0xffff, v5;
	v2 =	vld [tilespmem:s18+$0x20]  }
0x43: {  	v0 =	vld [tilespmem:s18+$0xFFFFFFC0];
	[tilespmem:s17+$0x1020 ss:$0x81] =	vst.msk $0xffff, v6;
	s18 =	sadd.s32 $0x80, s18  }
0x44: {  	s20 =	sadd.s32 $0x4, s20;
	v1 =	vld [tilespmem:s18+$0x30];
	[tilespmem:s17+$0x1830 ss:$0x81] =	vst.msk $0xffff, v7  }
.Ltmp4:
0x45: {  	_ = 	snop;
	(pc) =	sbr.rel .LBB1_4-.Ltmp4, $1  }
0x46: {  	_ =	sdelay $0x3  }
.LBB1_6:
0x47: {  	_ =	sfence.sel $0x180000  }
0x48: {  	s2 =	simm.s32 $0x1;
	[bflag:$0x0] =	sbarrier.arrive $0xFFFF  }
0x49: {  	s31 =	simm.s32 $0x2;
	[sflag:s2] =	ssyncpa.u1 $0x1  }
0x4a: {  	[sflag:s31] =	ssyncpa.u1 $0x1  }
0x4b: {  	p0 =	sne.s32 s0, $0x0;
	_ =	strace $0x9000004A  }
0x4c: {  	s0 =	sadd.s32 @!p0 $0x100000, s1;
	[bflag:$0x2] =	sbarrier.arrive $0xFFFF  }
0x4d: {  	[sflag:s0] =	ssyncadd.tile.s32 @!p0 $0x1;
	_ =	shalt  }
.Lfunc_end1:
_tile_overlayer_lowered:
.L_overlay_start_2:
0x4e: {  	(tag) =	ssettag $0x2  }
0x4f: {  	s0 =	rddreg [dreg:$0x0];
	s2 =	stileid.u32  }
0x50: {  	s1 =	rddreg [dreg:$0x1];
	p0 =	sne.s32 s2, $0x0  }
0x51: {  	s3 =	rddreg [dreg:$0x2];
	[bflag:$0x3] =	sbarrier.arrive $0xFFFF;
	s2 =	simm.s32 @!p0 $0x1C01  }
0x52: {  	[timem:s3], [sflag:s2] =	dma.local @!p0 [hbm:s0], s1  }
0x53: {  	s0 =	simm.s32 @!p0 $0x1  }
0x54: {  	_ =	swait.ge @!p0 [sflag:s0], s1  }
0x55: {  	s1 =	ssub.s32 @!p0 $0x0, s1;
	[sflag:s0] =	ssyncset.done @!p0 $0x0  }
0x56: {  	[sflag:s0] =	ssyncadd.s32 @!p0 s1  }
0x57: {  	[bflag:$0x3] =	sbarrier.arrive $0xFFFF  }
0x58: {  	_ =	shalt  }

// kernel: sparse-core-data-format-call.cloned.1.call-start
scs
called_computation.2_lowered:
.L_overlay_start_0:
0x0: {  	s1 =	sld [smem:$0x3FD9]  }
0x1: {  	s2 =	sld [smem:$0x3FFE];
	_ =	sdelay $0x1  }
0x2: {  	s3 =	srdreg.scid  }
0x3: {  	s0 =	sand.u32 $0x1, s3  }
0x4: {  	s17 =	sshll.u32 s0, $0xA;
	s1 =	sadd.s32 s2, s1  }
0x5: {  	s1 =	sadd.s32 s1, s17  }
0x6: {  	[smem:$0x3FBA] =	sst s1  }
0x7: {  	_ = 	snop  }
0x8: {  	(tm) =	ssettm $0x1  }
0x9: {  	s18 =	sld [smem:$0x3FFB];
	_ =	sdelay $0x3  }
0xa: {  	_ =	strace s18  }
0xb: {  	s1 =	sld [smem:$0x3FFC];
	_ =	sdelay $0x3  }
0xc: {  	_ =	strace s1  }
0xd: {  	s1 =	sld [smem:$0x3FFD];
	_ =	sdelay $0x3  }
0xe: {  	_ =	strace s1  }
0xf: {  	_ =	strace $0x8FFFFFFF  }
0x10: {  	s19 =	sld [smem:$0x3FDB];
	_ =	sdelay $0x1  }
0x11: {  	s20 =	simm.s32 $_scs_section_size  }
0x12: {  	s4 =	simm.s32 $_size__tile_overlayer_lowered;
	s5 =	simm.s32 $_tile_overlayer_lowered  }
0x13: {  	s23 =	simm.s32 $0x1BFF;
	s22 =	sshll.u32 s5, $0x1;
	s1 =	sadd.s32 s20, s19  }
0x14: {  	s6 =	simm.s32 $0x0;
	s21 =	sshll.u32 s4, $0x1;
	s4 =	sadd.s32 s22, s1  }
0x15: {  	[timem:s6], [sflag:s23] =	dma.local [hbm:s4], s21  }
0x16: {  	_ =	swait.ge [sflag:s23], s21  }
0x17: {  	s2 =	ssub.s32 $0x0, s21;
	[sflag:s23] =	ssyncset.done $0x0  }
0x18: {  	[sflag:s23] =	ssyncadd.s32 s2;
	_ =	sdelay $0x1  }
0x19: {  	s24 =	simm.s32 $0x1B8B  }
0x1a: {  	_ =	swait.ge [sflag:s24], $0x1  }
0x1b: {  	[sflag:s24] =	ssyncset.done $0x0  }
0x1c: {  	s26 =	simm.s32 $0x1B8E;
	s25 =	sld [smem:$0x3FFE];
	[sflag:s24] =	ssyncadd.s32 $0xFFFFFFFF  }
0x1d: {  	s27 =	simm.s32 $execute0_lowered;
	[smem:$0x3FD2] =	sst s26  }
0x1e: {  	s4 =	sshll.u32 s27, $0x1;
	_ =	strace $0x8000004F;
	[dreg:$0x1] =	wrdreg $0xFFFFFFFF  }
0x1f: {  	s28 =	simm.s32 $_size_execute0_lowered;
	s1 =	sadd.s32 s1, s4;
	[dreg:$0x0] =	wrdreg $0x0  }
0x20: {  	s4 =	sshll.u32 s28, $0x1;
	[dreg:$0x2] =	wrdreg s1  }
0x21: {  	[dreg:$0x3] =	wrdreg s4  }
0x22: {  	[dreg:$0x4] =	wrdreg $0xC0  }
0x23: {  	_ =	task [dreg:s6], $0x5FFFF  }
0x24: {  	[dreg:$0x1] =	wrdreg $0xFFFFFFFF  }
0x25: {  	[dreg:$0x0] =	wrdreg $0x60  }
0x26: {  	[dreg:$0x2] =	wrdreg s25  }
0x27: {  	[dreg:$0x3] =	wrdreg $0x9  }
0x28: {  	_ =	task.clear_ibuf [dreg:s6], $0x4FFFF;
	_ =	strace $0x9000004F  }
0x29: {  	s29 =	simm.s32 $0x9;
	_ =	strace $0x80000051  }
0x2a: {  	_ =	swait.ge [sflag:s29], $0x1  }
0x2b: {  	[sflag:s29] =	ssyncadd.s32 $0xFFFFFFFF  }
0x2c: {  	_ =	strace $0x90000051  }
0x2d: {  	_ =	sfence  }
0x2e: {  	s30 =	sld [smem:$0x0];
	_ =	sdelay $0x2  }
0x2f: {  	s31 =	sshll.u32 s3, $0xD;
	s3 =	sshrl.u32 s3, $0x2  }
0x30: {  	s2 =	sand.u32 $0x4000, s31;
	s1 =	sadd.s32 s3, s30  }
0x31: {  	s0 =	sor.u32 s2, s0;
	s1 =	sshll.u32 s1, $0x11  }
0x32: {  	s0 =	sor.u32 s1, s0  }
0x33: {  	s0 =	sadd.s32 $0x8F2B, s0  }
0x34: {  	[sflag:s0] =	ssyncadd.remote.s32 $0x1  }
0x35: {  	_ =	sfence.sel $0xFFFF  }
0x36: {  	[dreg:$0x0] =	wrdreg $0xFFFFFFFF;
	(pc) =	sbr.abs _section_cstart, $3  }
0x37: {  	[dreg:$0x1] =	wrdreg $0xFFFFFFFF  }
0x38: {  	_ =	task.clear_ibuf [dreg:s6], $0x2FFFF;
	_ =	strace $0x9FFFFFFF  }
0x39: {  	(tm) =	ssettm $0x7FFFFFFF  }
tec
execute0_lowered:
.L_overlay_start_1:
0x0: {  	(tag) =	ssettag $0x1  }
0x1: {  	s0 =	stileid.u32  }
0x2: {  	s1 =	srdreg.scid;
	s4 =	rddreg [dreg:$0x0]  }
0x3: {  	s7 =	simm.s32 $0x1;
	s8 =	simm.s32 $0x2;
	s15 =	simm.s32 $0x0  }
0x4: {  	s13 =	simm.s32 $0x0;
	s2 =	sshll.u32 s0, $0x5;
	s1 =	sshll.u32 s1, $0x9  }
0x5: {  	s14 =	simm.s32 $0x0;
	s10 =	simm.s32 $0x0;
	s1 =	sor.u32 s2, s1  }
0x6: {  	s12 =	simm.s32 $0x0;
	s3 =	sadd.s32 $0x3C00, s4;
	s2 =	sand.u32 $0x380, s1  }
0x7: {  	s4 =	sadd.s32 $0x153A000, s4;
	s1 =	rddreg [dreg:$0x1];
	s6 =	ssub.s32 $0x4E200, s2  }
.Ltmp0:
0x8: {  	_ =	strace $0x80000050;
	s5 =	sand.u32 $0x380, s6;
	(pc) =	sbr.rel .LBB1_1-.Ltmp0, $4  }
0x9: {  	s9 =	smov.u32 s2;
	p0 =	sne.s32 s5, $0x0;
	s5 =	simm.s32 $0x1  }
0xa: {  	s6 =	sshrl.u32 s6, $0xA;
	s7 =	simm.s32 @!p0 $0x0;
	[sflag:s5] =	ssyncpa.u1 $0x0  }
0xb: {  	p0 =	por $0x0, $0x0;
	s6 =	sadd.s32 s7, s6;
	s7 =	sand.u32 $0x3, s0  }
0xc: {  	[sflag:s8] =	ssyncpa.u1 $0x0;
	s8 =	sadd.s32 $0x1, s6;
	s11 =	smov.u32 s7  }
.LBB1_4:
0xd: {  	s15 =	sshll.u32 s15, $0x7;
	s21 =	sshll.u32 s13, $0x3  }
0xe: {  	v5 =	vld [tilespmem:s19+$0xFFFFFFD0];
	[tilespmem:s18+$0x2040 ss:$0x81] =	vst.msk $0xffff, v4;
	s22 =	sand.u32 $0xFFFFFC00, s15;
	s21 =	sand.u32 $0xFFFFFC00, s21  }
0xf: {  	v58 =	vld [tilespmem:s19+$0xFFFFFFE0];
	[tilespmem:s18+$0x2850 ss:$0x81] =	vst.msk $0xffff, v2;
	s15 =	sand.u32 $0x380, s15;
	s21 =	sadd.s32 s21, s22  }
0x10: {  	s20 =	sshra.s32 s20, $0x2;
	v59 =	vld [tilespmem:s19+$0xFFFFFFF0];
	[tilespmem:s18+$0x3060 ss:$0x81] =	vst.msk $0xffff, v3;
	s15 =	sor.u32 s15, s21  }
0x11: {  	v60 =	vld [tilespmem:s19+$0x0];
	[tilespmem:s18+$0x0 ss:$0x81] =	vst.msk $0xffff, v0;
	s17 =	sadd.s32 s20, s17;
	s15 =	sshrl.u32 s15, $0x7  }
0x12: {  	v61 =	vld [tilespmem:s19+$0x10];
	[tilespmem:s17+$0x3870 ss:$0x81] =	vst.msk $0xffff, v1;
	s28 =	smulhi.u32 $0x1A36E2F, s15  }
0x13: {  	v62 =	vld [tilespmem:s19+$0x20];
	[tilespmem:s17+$0x810 ss:$0x81] =	vst.msk $0xffff, v5  }
0x14: {  	v63 =	vld [tilespmem:s19+$0xFFFFFFC0];
	s14 =	smul.u32 $0x4E2000, s14;
	[tilespmem:s17+$0x1020 ss:$0x81] =	vst.msk $0xffff, v58;
	s18 =	sshrl.u32 s28, $0xB  }
0x15: {  	[tilespmem:s17+$0x1830 ss:$0x81] =	vst.msk $0xffff, v59;
	s18 =	smul.u32 $0x4E200, s18  }
0x16: {  	s29 =	sshrl.u32 s13, $0x3;
	[tilespmem:s17+$0x2040 ss:$0x81] =	vst.msk $0xffff, v60  }
0x17: {  	s30 =	sand.u32 $0xF, s29;
	s14 =	sadd.s32 s4, s14;
	[tilespmem:s17+$0x2850 ss:$0x81] =	vst.msk $0xffff, v61;
	s15 =	ssub.s32 s15, s18  }
0x18: {  	s14 =	sadd.s32 s30, s14;
	[tilespmem:s17+$0x3060 ss:$0x81] =	vst.msk $0xffff, v62;
	s15 =	sshll.u32 s15, $0x4  }
0x19: {  	s31 =	sand.u32 $0x7, s13;
	[tilespmem:s17+$0x0 ss:$0x81] =	vst.msk $0xffff, v63;
	s14 =	sadd.s32 s15, s14  }
0x1a: {  	[hbm4b:s14+s31] =	stream.linear.scatter [tilespmem:s16], [sflag:$0x2], $0x4000, $0x20;
	[tilespmem:$0x10100] =	vst v63  }
.LBB1_5:
0x1b: {  	s16 =	sadd.s32 $0x400, s9  }
0x1c: {  	s13 =	sadd.s32 $0x80, s10;
	s17 =	smov.u32 s10;
	p2 =	sgt.s32 s16, $0x4E1FF  }
0x1d: {  	s17 =	smov.u32 @p2 s13  }
0x1e: {  	s19 =	smov.u32 s11;
	s13 =	sadd.s32 $0x4, s11;
	p3 =	sgt.s32 s17, $0x7F  }
0x1f: {  	s19 =	smov.u32 @p3 s13  }
0x20: {  	s16 =	smov.u32 @p2 s2;
	p2 =	sgt.s32 s19, $0x3  }
0x21: {  	p1 =	slt.u32 s12, $0x2;
	s19 =	smov.u32 @p2 s7;
	p2 =	sne.s32 s12, s8  }
.Ltmp1:
0x22: {  	s18 =	simm.s32 @!p1 $0x2;
	(pc) =	sbr.rel @!p2 .LBB1_6-.Ltmp1, $4  }
0x23: {  	s15 =	smov.u32 s9;
	s14 =	smov.u32 s11;
	_ =	swait.ge @!p1 [sflag:s18], $0x4000  }
0x24: {  	p0 =	por !p0, !p0;
	[sflag:s18] =	ssyncset.done @!p1 $0x0;
	s9 =	smov.u32 s16  }
0x25: {  	s17 =	simm.s32 @p3 $0x0;
	s13 =	smov.u32 s10;
	[sflag:s18] =	ssyncadd.s32 @!p1 $0xFFFFC000  }
0x26: {  	s10 =	smov.u32 s17;
	s12 =	sadd.s32 $0x1, s12;
	s11 =	smov.u32 s19  }
.LBB1_1:
0x27: {  	p1 =	sge.u32 s12, s6  }
0x28: {  	s16 =	sshrl.u32 @!p1 s10, $0x3  }
0x29: {  	s17 =	sshll.u32 @!p1 s9, $0x3;
	s16 =	smul.u32 @!p1 $0x271000, s16  }
0x2a: {  	s18 =	sshll.u32 @!p1 s10, $0x7;
	s17 =	sand.u32 @!p1 $0xFFFFFC00, s17  }
0x2b: {  	s16 =	sadd.s32 @!p1 s16, s17;
	s17 =	sand.u32 @!p1 $0x380, s18  }
0x2c: {  	s18 =	sand.u32 @!p1 $0x7F, s9;
	s16 =	sor.u32 @!p1 s17, s16  }
0x2d: {  	s17 =	sor.u32 @!p1 s18, s16  }
0x2e: {  	s18 =	smulhi.u32 @!p1 $0xD1B71759, s17  }
0x2f: {  	s16 =	smulhi.u32 @!p1 $0xD1B71759, s16  }
0x30: {  	s18 =	sshrl.u32 @!p1 s18, $0x12  }
0x31: {  	s31 =	sadd.s32 $0xFFFFFFFF, s12;
	s16 =	sshrl.u32 @!p1 s16, $0x12;
	s18 =	smul.u32 @!p1 $0x4E200, s18  }
0x32: {  	s19 =	sxor.u32 @!p1 $0xFFFFFFFF, s12;
	s20 =	smul.u32 @!p1 $0x4E2000, s11;
	s16 =	sand.u32 @!p1 $0x7F, s16  }
0x33: {  	s19 =	sshll.u32 @!p1 s19, $0xE;
	s16 =	smul.u32 @!p1 $0x9C40, s16;
	s17 =	ssub.s32 @!p1 s17, s18  }
0x34: {  	s18 =	sand.u32 @!p1 $0x4000, s19;
	s19 =	sadd.s32 @!p1 s3, s20;
	s20 =	sand.u32 @!p1 $0x7, s17  }
0x35: {  	s17 =	sshrl.u32 @!p1 s17, $0x3;
	s16 =	sadd.s32 @!p1 s16, s19;
	s19 =	sshll.u32 @!p1 s20, $0x12  }
0x36: {  	s16 =	sadd.s32 @!p1 s17, s16;
	s17 =	sor.u32 @!p1 $0x400, s19;
	s19 =	simm.s32 @!p1 $0x271000  }
0x37: {  	[tilespmem:s18], [sflag:$0x1] =	stream.strided.gather @!p1 [hbm4b:s16+s17], $0x4000, s19, s17, $0x38;
	[tilespmem:$0x10100] =	vst v63  }
0x38: {  	p1 =	sge.u32 s31, s6  }
.Ltmp2:
0x39: {  	_ = 	snop;
	(pc) =	sbr.rel @p1 .LBB1_5-.Ltmp2, $1  }
0x3a: {  	_ =	sdelay $0x3  }
0x3b: {  	s16 =	simm.s32 $0x1  }
0x3c: {  	_ =	swait.ge [sflag:s5], $0x4000;
	s16 =	simm.s32 @!p0 $0x0  }
0x3d: {  	[sflag:s5] =	ssyncset.done $0x0;
	s17 =	sshll.u32 s16, $0xE  }
0x3e: {  	[sflag:s5] =	ssyncadd.s32 $0xFFFFC000;
	s19 =	sor.u32 $0x40, s17  }
0x3f: {  	s16 =	smul.u32 $0x10200, s16;
	v0 =	vld [tilespmem:s19+$0x30]  }
0x40: {  	v1 =	vld [tilespmem:s19+$0xFFFFFFD0]  }
0x41: {  	s16 =	sshrl.u32 s16, $0x2;
	v5 =	vld [tilespmem:s19+$0xFFFFFFE0]  }
0x42: {  	v6 =	vld [tilespmem:s19+$0xFFFFFFF0];
	s17 =	sor.u32 $0x8000, s16  }
0x43: {  	s31 =	sand.u32 $0x1, s12;
	v4 =	vld [tilespmem:s19+$0x0];
	s18 =	sadd.s32 $0x0, s17  }
0x44: {  	v2 =	vld [tilespmem:s19+$0x10];
	s16 =	smul.u32 $0x10200, s31;
	[tilespmem:s18+$0x3870 ss:$0x81] =	vst.msk $0xffff, v0  }
0x45: {  	v3 =	vld [tilespmem:s19+$0x20];
	[tilespmem:s18+$0x810 ss:$0x81] =	vst.msk $0xffff, v1  }
0x46: {  	s16 =	sshrl.u32 s16, $0x2;
	v0 =	vld [tilespmem:s19+$0xFFFFFFC0];
	[tilespmem:s18+$0x1020 ss:$0x81] =	vst.msk $0xffff, v5;
	s19 =	sadd.s32 $0x80, s19  }
0x47: {  	s20 =	simm.s32 $0x4;
	s21 =	simm.s32 $0x8;
	s16 =	sor.u32 $0x8000, s16;
	[tilespmem:s18+$0x1830 ss:$0x81] =	vst.msk $0xffff, v6;
	v1 =	vld [tilespmem:s19+$0x30]  }
.LBB1_3:
0x48: {  	p1 =	sne.s32 s21, $0x1FC;
	v5 =	vld [tilespmem:s19+$0xFFFFFFD0];
	[tilespmem:s18+$0x2040 ss:$0x81] =	vst.msk $0xffff, v4  }
0x49: {  	v6 =	vld [tilespmem:s19+$0xFFFFFFE0];
	[tilespmem:s18+$0x2850 ss:$0x81] =	vst.msk $0xffff, v2  }
0x4a: {  	s22 =	sshra.s32 s20, $0x2;
	s20 =	smov.u32 s21;
	v7 =	vld [tilespmem:s19+$0xFFFFFFF0];
	[tilespmem:s18+$0x3060 ss:$0x81] =	vst.msk $0xffff, v3  }
.Ltmp3:
0x4b: {  	v4 =	vld [tilespmem:s19+$0x0];
	[tilespmem:s18+$0x0 ss:$0x81] =	vst.msk $0xffff, v0;
	s18 =	sadd.s32 s22, s17;
	(pc) =	sbr.rel @p1 .LBB1_3-.Ltmp3, $4  }
0x4c: {  	v2 =	vld [tilespmem:s19+$0x10];
	[tilespmem:s18+$0x3870 ss:$0x81] =	vst.msk $0xffff, v1  }
0x4d: {  	[tilespmem:s18+$0x810 ss:$0x81] =	vst.msk $0xffff, v5;
	v3 =	vld [tilespmem:s19+$0x20]  }
0x4e: {  	v0 =	vld [tilespmem:s19+$0xFFFFFFC0];
	[tilespmem:s18+$0x1020 ss:$0x81] =	vst.msk $0xffff, v6;
	s19 =	sadd.s32 $0x80, s19  }
0x4f: {  	s21 =	sadd.s32 $0x4, s21;
	v1 =	vld [tilespmem:s19+$0x30];
	[tilespmem:s18+$0x1830 ss:$0x81] =	vst.msk $0xffff, v7  }
.Ltmp4:
0x50: {  	_ = 	snop;
	(pc) =	sbr.rel .LBB1_4-.Ltmp4, $1  }
0x51: {  	_ =	sdelay $0x3  }
.LBB1_6:
0x52: {  	_ =	sfence.sel $0x180000  }
0x53: {  	s2 =	simm.s32 $0x1;
	[bflag:$0x0] =	sbarrier.arrive $0xFFFF  }
0x54: {  	s31 =	simm.s32 $0x2;
	[sflag:s2] =	ssyncpa.u1 $0x1  }
0x55: {  	[sflag:s31] =	ssyncpa.u1 $0x1  }
0x56: {  	p0 =	sne.s32 s0, $0x0;
	_ =	strace $0x90000050  }
0x57: {  	s0 =	sadd.s32 @!p0 $0x100000, s1;
	[bflag:$0x2] =	sbarrier.arrive $0xFFFF  }
0x58: {  	[sflag:s0] =	ssyncadd.tile.s32 @!p0 $0x1;
	_ =	shalt  }
.Lfunc_end1:
_tile_overlayer_lowered:
.L_overlay_start_2:
0x59: {  	(tag) =	ssettag $0x2  }
0x5a: {  	s0 =	rddreg [dreg:$0x0];
	s2 =	stileid.u32  }
0x5b: {  	s1 =	rddreg [dreg:$0x1];
	p0 =	sne.s32 s2, $0x0  }
0x5c: {  	s3 =	rddreg [dreg:$0x2];
	[bflag:$0x3] =	sbarrier.arrive $0xFFFF;
	s2 =	simm.s32 @!p0 $0x1C01  }
0x5d: {  	[timem:s3], [sflag:s2] =	dma.local @!p0 [hbm:s0], s1  }
0x5e: {  	s0 =	simm.s32 @!p0 $0x1  }
0x5f: {  	_ =	swait.ge @!p0 [sflag:s0], s1  }
0x60: {  	s1 =	ssub.s32 @!p0 $0x0, s1;
	[sflag:s0] =	ssyncset.done @!p0 $0x0  }
0x61: {  	[sflag:s0] =	ssyncadd.s32 @!p0 s1  }
0x62: {  	[bflag:$0x3] =	sbarrier.arrive $0xFFFF  }
0x63: {  	_ =	shalt  }

</sc_bundles>
